<compile_context>
chip_gen: v7x
topology: tpu7x:2x2x1
jax: 0.10.2.dev20260603
libtpu: 0.0.44.dev20260713+nightly
codegen_flags: <defaults>
</compile_context>

<pallas_src>
import functools

import jax
import jax.numpy as jnp
from jax import lax
from jax.experimental import pallas as pl
from jax.experimental.pallas import tpu as pltpu
from jax.experimental.pallas import tpu_sc as plsc

B, S, D = 16384, 100, 64
L = 16
NC, NS = 2, 16
NW = NC * NS
PER_W = B // NW
NB = 8
NPAIR = PER_W // (2 * NB)

_mesh = plsc.VectorSubcoreMesh(
    core_axis_name="c", subcore_axis_name="s", num_cores=NC, num_subcores=NS
)


_GATHER_DNUMS = lax.GatherDimensionNumbers(
    offset_dims=(), collapsed_slice_dims=(0,), start_index_map=(0,)
)


def _lane_shuffle(p, perm):
    return lax.gather(
        p,
        perm[:, None],
        _GATHER_DNUMS,
        slice_sizes=(1,),
        mode=lax.GatherScatterMode.PROMISE_IN_BOUNDS,
    )


def _xlane_sum(p, lanes):
    for sh in (8, 4, 2, 1):
        p = p + _lane_shuffle(p, lanes ^ sh)
    return p


def _process_chunk(buf, outv, boff, idxacc):
    lanes = lax.iota(jnp.int32, L)
    for b in range(NB):
        def jbody(j, carry):
            bestv, besti, r0, r1, r2, r3 = carry
            v0 = buf[b, j, pl.ds(0, L)]
            v1 = buf[b, j, pl.ds(L, L)]
            v2 = buf[b, j, pl.ds(2 * L, L)]
            v3 = buf[b, j, pl.ds(3 * L, L)]
            p = v0 * v0 + v1 * v1 + v2 * v2 + v3 * v3
            nrm = _xlane_sum(p, lanes)
            jv = jnp.full((L,), j, jnp.int32)
            better = nrm > bestv
            bestv = jnp.where(better, nrm, bestv)
            besti = jnp.where(better, jv, besti)
            r0 = jnp.where(better, v0, r0)
            r1 = jnp.where(better, v1, r1)
            r2 = jnp.where(better, v2, r2)
            r3 = jnp.where(better, v3, r3)
            return bestv, besti, r0, r1, r2, r3

        init = (
            jnp.full((L,), -1.0, jnp.float32),
            jnp.zeros((L,), jnp.int32),
            jnp.zeros((L,), jnp.float32),
            jnp.zeros((L,), jnp.float32),
            jnp.zeros((L,), jnp.float32),
            jnp.zeros((L,), jnp.float32),
        )
        _, besti, r0, r1, r2, r3 = lax.fori_loop(0, S, jbody, init)
        outv[boff + b, pl.ds(0, L)] = r0
        outv[boff + b, pl.ds(L, L)] = r1
        outv[boff + b, pl.ds(2 * L, L)] = r2
        outv[boff + b, pl.ds(3 * L, L)] = r3
        idxacc = jnp.where(lanes == (boff + b), besti, idxacc)
    return idxacc


@functools.partial(
    pl.kernel,
    out_type=(
        jax.ShapeDtypeStruct((B, D), jnp.float32),
        jax.ShapeDtypeStruct((B,), jnp.int32),
    ),
    mesh=_mesh,
    scratch_types=[
        pltpu.VMEM((NB, S, D), jnp.float32),
        pltpu.VMEM((NB, S, D), jnp.float32),
        pltpu.VMEM((2 * NB, D), jnp.float32),
        pltpu.VMEM((PER_W,), jnp.int32),
        pltpu.SemaphoreType.DMA,
        pltpu.SemaphoreType.DMA,
    ],
    compiler_params=pltpu.CompilerParams(use_tc_tiling_on_sc=False),
)
def _mask_cid(x_hbm, out_hbm, idx_hbm, buf0, buf1, outv, idxfull, sem0, sem1):
    wid = lax.axis_index("s") * NC + lax.axis_index("c")
    base0 = wid * PER_W

    def start(g, buf, sem):
        pltpu.async_copy(x_hbm.at[pl.ds(base0 + g * NB, NB)], buf, sem)

    def wait(g, buf, sem):
        pltpu.make_async_copy(
            x_hbm.at[pl.ds(base0 + g * NB, NB)], buf, sem
        ).wait()

    start(0, buf0, sem0)

    def pair_body(gp, _):
        g0 = 2 * gp
        wait(g0, buf0, sem0)
        start(g0 + 1, buf1, sem1)
        idxacc = jnp.zeros((L,), jnp.int32)
        idxacc = _process_chunk(buf0, outv, 0, idxacc)
        wait(g0 + 1, buf1, sem1)

        @pl.when(gp + 1 < NPAIR)
        def _():
            start(g0 + 2, buf0, sem0)

        idxacc = _process_chunk(buf1, outv, NB, idxacc)
        idxfull[pl.ds(pl.multiple_of(gp * 2 * NB, L), L)] = idxacc
        pltpu.sync_copy(outv, out_hbm.at[pl.ds(base0 + g0 * NB, 2 * NB)])
        return 0

    lax.fori_loop(0, NPAIR, pair_body, 0)
    pltpu.sync_copy(idxfull, idx_hbm.at[pl.ds(base0, PER_W)])


def kernel(x):
    out2d, idx = _mask_cid(x)
    return out2d.reshape(B, 1, D), idx

# --- scband reference (transcript-rebuilt; emitter-appended) ---
"""Pipeline reference for scband-mask-cid-41360535060715 (READ-ONLY COPY).

The authoritative reference and input builder live on the scoring server;
editing this copy changes nothing except your own understanding.
"""

import jax, jax.numpy as jnp
import numpy as np

def setup_inputs(seed: int = 0) -> dict:
    key = jax.random.key(seed)
    x = jax.random.normal(key, (16384, 100, 64), dtype=jnp.float32)
    return {"x": x}

def reference(x):
    # classes = torch.norm(x, dim=2)
    classes = jnp.sqrt(jnp.sum(x * x, axis=2))
    # max_len_indices = classes.max(dim=1)[1]
    max_len_indices = jnp.argmax(classes, axis=1)
    # masked[i] = x[i, max_len_indices[i], :].unsqueeze(0) -> shape (B, 1, d)
    masked = jnp.take_along_axis(x, max_len_indices[:, None, None], axis=1)
    # masked.squeeze(-1) is a no-op since last dim = 64 != 1
    return (masked, max_len_indices)

if __name__ == "__main__":
    import jax
    _d = setup_inputs()
    print(jax.jit(kernel)(*tuple(_d.values())))

</pallas_src>

<mosaic_0001>
#map = affine_map<(d0, d1) -> (0, 0, 0)>
#map1 = affine_map<(d0, d1) -> (0, 0)>
#map2 = affine_map<(d0, d1) -> (0)>
module attributes {stable_mosaic.version = 14 : i64} {
  func.func @_mask_cid(%arg0: i32, %arg1: i32, %arg2: memref<16384x100x64xf32, #tpu.memory_space<hbm>>, %arg3: memref<16384x64xf32, #tpu.memory_space<hbm>>, %arg4: memref<16384xi32, #tpu.memory_space<hbm>>, %arg5: memref<8x100x64xf32, #tpu.memory_space<vmem>>, %arg6: memref<8x100x64xf32, #tpu.memory_space<vmem>>, %arg7: memref<16x64xf32, #tpu.memory_space<vmem>>, %arg8: memref<512xi32, #tpu.memory_space<vmem>>, %arg9: memref<!tpu.dma_semaphore, #tpu.memory_space<semaphore_mem>>, %arg10: memref<!tpu.dma_semaphore, #tpu.memory_space<semaphore_mem>>) attributes {dimension_semantics = [#tpu.dimension_semantics<core_parallel>, #tpu.dimension_semantics<subcore_parallel>], iteration_bounds = array<i64: 2, 16>, scalar_prefetch = 0 : i64, scratch_operands = 6 : i64, tpu.core_type = #tpu.core_type<sc_vector_subcore>, window_params = [{transform_indices = #map}, {transform_indices = #map1}, {transform_indices = #map2}]} {
    %mul3A = arith.constant 2 : i32
    %mul3A_0 = arith.muli %arg1, %mul3A : i32
    %add3A = arith.addi %mul3A_0, %arg0 : i32
    %mul3A_1 = arith.constant 512 : i32
    %mul3A_2 = arith.muli %add3A, %mul3A_1 : i32
    %add3A_3 = arith.constant 0 : i32
    %add3A_4 = arith.addi %mul3A_2, %add3A_3 : i32
    %dma_start3A = arith.constant 0 : i32
    %dma_start3A_5 = arith.constant 0 : i32
    %dma_start3A_6 = tpu.memref_slice %arg2[%add3A_4, %dma_start3A, %dma_start3A_5] : memref<16384x100x64xf32, #tpu.memory_space<hbm>> -> memref<8x100x64xf32, #tpu.memory_space<hbm>>
    %dma_start3A_7 = arith.constant 0 : i32
    %dma_start3A_8 = arith.constant 0 : i32
    %dma_start3A_9 = tpu.memref_slice %arg2[%add3A_4, %dma_start3A_7, %dma_start3A_8] : memref<16384x100x64xf32, #tpu.memory_space<hbm>> -> memref<8x100x64xf32, #tpu.memory_space<hbm>>
    tpu.enqueue_dma source(%dma_start3A_9 : memref<8x100x64xf32, #tpu.memory_space<hbm>>) target(%arg5 : memref<8x100x64xf32, #tpu.memory_space<vmem>>) target_semaphore(%arg9 : memref<!tpu.dma_semaphore, #tpu.memory_space<semaphore_mem>>)
    %scan3A = arith.constant 0 : i32
    %scan3A_10 = arith.constant 0 : i32
    %scan3A_11 = arith.constant 32 : i32
    %scan3A_12 = arith.addi %scan3A_10, %scan3A_11 : i32
    %scan3A_13 = arith.constant 1 : i32
    %scan3A_14 = scf.for %scan3A_16 = %scan3A_10 to %scan3A_12 step %scan3A_13 iter_args(%scan3A_17 = %scan3A) -> (i32)  : i32 {
      %mul3A_18 = arith.constant 2 : i32
      %mul3A_19 = arith.muli %mul3A_18, %scan3A_16 : i32
      %mul3A_20 = arith.constant 8 : i32
      %mul3A_21 = arith.muli %mul3A_19, %mul3A_20 : i32
      %add3A_22 = arith.addi %mul3A_2, %mul3A_21 : i32
      %dma_wait3A = arith.constant 0 : i32
      %dma_wait3A_23 = arith.constant 0 : i32
      %dma_wait3A_24 = tpu.memref_slice %arg2[%add3A_22, %dma_wait3A, %dma_wait3A_23] : memref<16384x100x64xf32, #tpu.memory_space<hbm>> -> memref<8x100x64xf32, #tpu.memory_space<hbm>>
      %dma_wait3A_25 = arith.constant 0 : i32
      %dma_wait3A_26 = arith.constant 0 : i32
      %dma_wait3A_27 = tpu.memref_slice %arg2[%add3A_22, %dma_wait3A_25, %dma_wait3A_26] : memref<16384x100x64xf32, #tpu.memory_space<hbm>> -> memref<8x100x64xf32, #tpu.memory_space<hbm>>
      tpu.wait_dma2 semaphore(%arg9 : memref<!tpu.dma_semaphore, #tpu.memory_space<semaphore_mem>>) src(%dma_wait3A_27 : memref<8x100x64xf32, #tpu.memory_space<hbm>>) dst(%arg5 : memref<8x100x64xf32, #tpu.memory_space<vmem>>)
      %add3A_28 = arith.constant 1 : i32
      %add3A_29 = arith.addi %mul3A_19, %add3A_28 : i32
      %mul3A_30 = arith.constant 8 : i32
      %mul3A_31 = arith.muli %add3A_29, %mul3A_30 : i32
      %add3A_32 = arith.addi %mul3A_2, %mul3A_31 : i32
      %dma_start3A_33 = arith.constant 0 : i32
      %dma_start3A_34 = arith.constant 0 : i32
      %dma_start3A_35 = tpu.memref_slice %arg2[%add3A_32, %dma_start3A_33, %dma_start3A_34] : memref<16384x100x64xf32, #tpu.memory_space<hbm>> -> memref<8x100x64xf32, #tpu.memory_space<hbm>>
      %dma_start3A_36 = arith.constant 0 : i32
      %dma_start3A_37 = arith.constant 0 : i32
      %dma_start3A_38 = tpu.memref_slice %arg2[%add3A_32, %dma_start3A_36, %dma_start3A_37] : memref<16384x100x64xf32, #tpu.memory_space<hbm>> -> memref<8x100x64xf32, #tpu.memory_space<hbm>>
      tpu.enqueue_dma source(%dma_start3A_38 : memref<8x100x64xf32, #tpu.memory_space<hbm>>) target(%arg6 : memref<8x100x64xf32, #tpu.memory_space<vmem>>) target_semaphore(%arg10 : memref<!tpu.dma_semaphore, #tpu.memory_space<semaphore_mem>>)
      %broadcast_in_dim3A = arith.constant 0 : i32
      %broadcast_in_dim3A_39 = vector.broadcast %broadcast_in_dim3A : i32 to vector<16xi32>
      %iota3A = tpu.iota {dimensions = array<i32: 0>} : vector<16xi32>
      %broadcast_in_dim3A_40 = arith.constant -1.000000e+00 : f32
      %broadcast_in_dim3A_41 = vector.broadcast %broadcast_in_dim3A_40 : f32 to vector<16xf32>
      %broadcast_in_dim3A_42 = arith.constant 0 : i32
      %broadcast_in_dim3A_43 = vector.broadcast %broadcast_in_dim3A_42 : i32 to vector<16xi32>
      %broadcast_in_dim3A_44 = arith.constant 0.000000e+00 : f32
      %broadcast_in_dim3A_45 = vector.broadcast %broadcast_in_dim3A_44 : f32 to vector<16xf32>
      %broadcast_in_dim3A_46 = arith.constant 0.000000e+00 : f32
      %broadcast_in_dim3A_47 = vector.broadcast %broadcast_in_dim3A_46 : f32 to vector<16xf32>
      %broadcast_in_dim3A_48 = arith.constant 0.000000e+00 : f32
      %broadcast_in_dim3A_49 = vector.broadcast %broadcast_in_dim3A_48 : f32 to vector<16xf32>
      %broadcast_in_dim3A_50 = arith.constant 0.000000e+00 : f32
      %broadcast_in_dim3A_51 = vector.broadcast %broadcast_in_dim3A_50 : f32 to vector<16xf32>
      %scan3A_52 = arith.constant 0 : i32
      %scan3A_53 = arith.constant 100 : i32
      %scan3A_54 = arith.addi %scan3A_52, %scan3A_53 : i32
      %scan3A_55 = arith.constant 1 : i32
      %scan3A_56:6 = scf.for %scan3A_801 = %scan3A_52 to %scan3A_54 step %scan3A_55 iter_args(%scan3A_802 = %broadcast_in_dim3A_41, %scan3A_803 = %broadcast_in_dim3A_43, %scan3A_804 = %broadcast_in_dim3A_45, %scan3A_805 = %broadcast_in_dim3A_47, %scan3A_806 = %broadcast_in_dim3A_49, %scan3A_807 = %broadcast_in_dim3A_51) -> (vector<16xf32>, vector<16xi32>, vector<16xf32>, vector<16xf32>, vector<16xf32>, vector<16xf32>)  : i32 {
        %get3A = arith.constant 0 : i32
        %get3A_808 = arith.index_cast %get3A : i32 to index
        %get3A_809 = arith.index_cast %scan3A_801 : i32 to index
        %get3A_810 = arith.constant 0 : index
        %get3A_811 = tpu.vector_load %arg5[%get3A_808, %get3A_809, %get3A_810] {strides = array<i32>} : memref<8x100x64xf32, #tpu.memory_space<vmem>>, vector<1x1x16xf32>,
        %get3A_812 = vector.shape_cast %get3A_811 : vector<1x1x16xf32> to vector<16xf32>
        %get3A_813 = arith.constant 0 : i32
        %get3A_814 = arith.index_cast %get3A_813 : i32 to index
        %get3A_815 = arith.index_cast %scan3A_801 : i32 to index
        %get3A_816 = arith.constant 16 : index
        %get3A_817 = tpu.vector_load %arg5[%get3A_814, %get3A_815, %get3A_816] {strides = array<i32>} : memref<8x100x64xf32, #tpu.memory_space<vmem>>, vector<1x1x16xf32>,
        %get3A_818 = vector.shape_cast %get3A_817 : vector<1x1x16xf32> to vector<16xf32>
        %get3A_819 = arith.constant 0 : i32
        %get3A_820 = arith.index_cast %get3A_819 : i32 to index
        %get3A_821 = arith.index_cast %scan3A_801 : i32 to index
        %get3A_822 = arith.constant 32 : index
        %get3A_823 = tpu.vector_load %arg5[%get3A_820, %get3A_821, %get3A_822] {strides = array<i32>} : memref<8x100x64xf32, #tpu.memory_space<vmem>>, vector<1x1x16xf32>,
        %get3A_824 = vector.shape_cast %get3A_823 : vector<1x1x16xf32> to vector<16xf32>
        %get3A_825 = arith.constant 0 : i32
        %get3A_826 = arith.index_cast %get3A_825 : i32 to index
        %get3A_827 = arith.index_cast %scan3A_801 : i32 to index
        %get3A_828 = arith.constant 48 : index
        %get3A_829 = tpu.vector_load %arg5[%get3A_826, %get3A_827, %get3A_828] {strides = array<i32>} : memref<8x100x64xf32, #tpu.memory_space<vmem>>, vector<1x1x16xf32>,
        %get3A_830 = vector.shape_cast %get3A_829 : vector<1x1x16xf32> to vector<16xf32>
        %mul3A_831 = arith.mulf %get3A_812, %get3A_812 : vector<16xf32>
        %mul3A_832 = arith.mulf %get3A_818, %get3A_818 : vector<16xf32>
        %add3A_833 = arith.addf %mul3A_831, %mul3A_832 : vector<16xf32>
        %mul3A_834 = arith.mulf %get3A_824, %get3A_824 : vector<16xf32>
        %add3A_835 = arith.addf %add3A_833, %mul3A_834 : vector<16xf32>
        %mul3A_836 = arith.mulf %get3A_830, %get3A_830 : vector<16xf32>
        %add3A_837 = arith.addf %add3A_835, %mul3A_836 : vector<16xf32>
        %xor3A = arith.constant 8 : i32
        %xor3A_838 = vector.broadcast %xor3A : i32 to vector<16xi32>
        %xor3A_839 = arith.xori %iota3A, %xor3A_838 : vector<16xi32>
        %broadcast_in_dim3A_840 = vector.shape_cast %xor3A_839 : vector<16xi32> to vector<16x1xi32>
        %gather3A = vector.shape_cast %broadcast_in_dim3A_840 : vector<16x1xi32> to vector<16xi32>
        %gather3A_841 = tpu.dynamic_gather %add3A_837[%gather3A] in [0] : vector<16xf32>, vector<16xi32> -> vector<16xf32>
        %add3A_842 = arith.addf %add3A_837, %gather3A_841 : vector<16xf32>
        %xor3A_843 = arith.constant 4 : i32
        %xor3A_844 = vector.broadcast %xor3A_843 : i32 to vector<16xi32>
        %xor3A_845 = arith.xori %iota3A, %xor3A_844 : vector<16xi32>
        %broadcast_in_dim3A_846 = vector.shape_cast %xor3A_845 : vector<16xi32> to vector<16x1xi32>
        %gather3A_847 = vector.shape_cast %broadcast_in_dim3A_846 : vector<16x1xi32> to vector<16xi32>
        %gather3A_848 = tpu.dynamic_gather %add3A_842[%gather3A_847] in [0] : vector<16xf32>, vector<16xi32> -> vector<16xf32>
        %add3A_849 = arith.addf %add3A_842, %gather3A_848 : vector<16xf32>
        %xor3A_850 = arith.constant 2 : i32
        %xor3A_851 = vector.broadcast %xor3A_850 : i32 to vector<16xi32>
        %xor3A_852 = arith.xori %iota3A, %xor3A_851 : vector<16xi32>
        %broadcast_in_dim3A_853 = vector.shape_cast %xor3A_852 : vector<16xi32> to vector<16x1xi32>
        %gather3A_854 = vector.shape_cast %broadcast_in_dim3A_853 : vector<16x1xi32> to vector<16xi32>
        %gather3A_855 = tpu.dynamic_gather %add3A_849[%gather3A_854] in [0] : vector<16xf32>, vector<16xi32> -> vector<16xf32>
        %add3A_856 = arith.addf %add3A_849, %gather3A_855 : vector<16xf32>
        %xor3A_857 = arith.constant 1 : i32
        %xor3A_858 = vector.broadcast %xor3A_857 : i32 to vector<16xi32>
        %xor3A_859 = arith.xori %iota3A, %xor3A_858 : vector<16xi32>
        %broadcast_in_dim3A_860 = vector.shape_cast %xor3A_859 : vector<16xi32> to vector<16x1xi32>
        %gather3A_861 = vector.shape_cast %broadcast_in_dim3A_860 : vector<16x1xi32> to vector<16xi32>
        %gather3A_862 = tpu.dynamic_gather %add3A_856[%gather3A_861] in [0] : vector<16xf32>, vector<16xi32> -> vector<16xf32>
        %add3A_863 = arith.addf %add3A_856, %gather3A_862 : vector<16xf32>
        %broadcast_in_dim3A_864 = vector.broadcast %scan3A_801 : i32 to vector<16xi32>
        %gt3A = arith.cmpf ogt, %add3A_863, %scan3A_802 : vector<16xf32>
        %select_n3A_865 = arith.select %gt3A, %add3A_863, %scan3A_802 : vector<16xi1>, vector<16xf32>
        %select_n3A_866 = arith.select %gt3A, %broadcast_in_dim3A_864, %scan3A_803 : vector<16xi1>, vector<16xi32>
        %select_n3A_867 = arith.select %gt3A, %get3A_812, %scan3A_804 : vector<16xi1>, vector<16xf32>
        %select_n3A_868 = arith.select %gt3A, %get3A_818, %scan3A_805 : vector<16xi1>, vector<16xf32>
        %select_n3A_869 = arith.select %gt3A, %get3A_824, %scan3A_806 : vector<16xi1>, vector<16xf32>
        %select_n3A_870 = arith.select %gt3A, %get3A_830, %scan3A_807 : vector<16xi1>, vector<16xf32>
        scf.yield %select_n3A_865, %select_n3A_866, %select_n3A_867, %select_n3A_868, %select_n3A_869, %select_n3A_870 : vector<16xf32>, vector<16xi32>, vector<16xf32>, vector<16xf32>, vector<16xf32>, vector<16xf32>
      }
      %scan3A_57 = arith.constant 100 : i32
      %swap3A = arith.constant 0 : i32
      %swap3A_58 = arith.index_cast %swap3A : i32 to index
      %swap3A_59 = arith.constant 0 : index
      %swap3A_60 = tpu.vector_load %arg7[%swap3A_58, %swap3A_59] {strides = array<i32>} : memref<16x64xf32, #tpu.memory_space<vmem>>, vector<1x16xf32>,
      %swap3A_61 = vector.shape_cast %swap3A_60 : vector<1x16xf32> to vector<16xf32>
      %swap3A_62 = vector.shape_cast %scan3A_56#2 : vector<16xf32> to vector<1x16xf32>
      tpu.vector_store %arg7[%swap3A_58, %swap3A_59], %swap3A_62 {strides = array<i32>} : memref<16x64xf32, #tpu.memory_space<vmem>>, vector<1x16xf32>,
      %swap3A_63 = arith.constant 0 : i32
      %swap3A_64 = arith.index_cast %swap3A_63 : i32 to index
      %swap3A_65 = arith.constant 16 : index
      %swap3A_66 = tpu.vector_load %arg7[%swap3A_64, %swap3A_65] {strides = array<i32>} : memref<16x64xf32, #tpu.memory_space<vmem>>, vector<1x16xf32>,
      %swap3A_67 = vector.shape_cast %swap3A_66 : vector<1x16xf32> to vector<16xf32>
      %swap3A_68 = vector.shape_cast %scan3A_56#3 : vector<16xf32> to vector<1x16xf32>
      tpu.vector_store %arg7[%swap3A_64, %swap3A_65], %swap3A_68 {strides = array<i32>} : memref<16x64xf32, #tpu.memory_space<vmem>>, vector<1x16xf32>,
      %swap3A_69 = arith.constant 0 : i32
      %swap3A_70 = arith.index_cast %swap3A_69 : i32 to index
      %swap3A_71 = arith.constant 32 : index
      %swap3A_72 = tpu.vector_load %arg7[%swap3A_70, %swap3A_71] {strides = array<i32>} : memref<16x64xf32, #tpu.memory_space<vmem>>, vector<1x16xf32>,
      %swap3A_73 = vector.shape_cast %swap3A_72 : vector<1x16xf32> to vector<16xf32>
      %swap3A_74 = vector.shape_cast %scan3A_56#4 : vector<16xf32> to vector<1x16xf32>
      tpu.vector_store %arg7[%swap3A_70, %swap3A_71], %swap3A_74 {strides = array<i32>} : memref<16x64xf32, #tpu.memory_space<vmem>>, vector<1x16xf32>,
      %swap3A_75 = arith.constant 0 : i32
      %swap3A_76 = arith.index_cast %swap3A_75 : i32 to index
      %swap3A_77 = arith.constant 48 : index
      %swap3A_78 = tpu.vector_load %arg7[%swap3A_76, %swap3A_77] {strides = array<i32>} : memref<16x64xf32, #tpu.memory_space<vmem>>, vector<1x16xf32>,
      %swap3A_79 = vector.shape_cast %swap3A_78 : vector<1x16xf32> to vector<16xf32>
      %swap3A_80 = vector.shape_cast %scan3A_56#5 : vector<16xf32> to vector<1x16xf32>
      tpu.vector_store %arg7[%swap3A_76, %swap3A_77], %swap3A_80 {strides = array<i32>} : memref<16x64xf32, #tpu.memory_space<vmem>>, vector<1x16xf32>,
      %eq3A = arith.constant 0 : i32
      %eq3A_81 = vector.broadcast %eq3A : i32 to vector<16xi32>
      %eq3A_82 = arith.cmpi eq, %iota3A, %eq3A_81 : vector<16xi32>
      %select_n3A = arith.select %eq3A_82, %scan3A_56#1, %broadcast_in_dim3A_39 : vector<16xi1>, vector<16xi32>
      %broadcast_in_dim3A_83 = arith.constant -1.000000e+00 : f32
      %broadcast_in_dim3A_84 = vector.broadcast %broadcast_in_dim3A_83 : f32 to vector<16xf32>
      %broadcast_in_dim3A_85 = arith.constant 0 : i32
      %broadcast_in_dim3A_86 = vector.broadcast %broadcast_in_dim3A_85 : i32 to vector<16xi32>
      %broadcast_in_dim3A_87 = arith.constant 0.000000e+00 : f32
      %broadcast_in_dim3A_88 = vector.broadcast %broadcast_in_dim3A_87 : f32 to vector<16xf32>
      %broadcast_in_dim3A_89 = arith.constant 0.000000e+00 : f32
      %broadcast_in_dim3A_90 = vector.broadcast %broadcast_in_dim3A_89 : f32 to vector<16xf32>
      %broadcast_in_dim3A_91 = arith.constant 0.000000e+00 : f32
      %broadcast_in_dim3A_92 = vector.broadcast %broadcast_in_dim3A_91 : f32 to vector<16xf32>
      %broadcast_in_dim3A_93 = arith.constant 0.000000e+00 : f32
      %broadcast_in_dim3A_94 = vector.broadcast %broadcast_in_dim3A_93 : f32 to vector<16xf32>
      %scan3A_95 = arith.constant 0 : i32
      %scan3A_96 = arith.constant 100 : i32
      %scan3A_97 = arith.addi %scan3A_95, %scan3A_96 : i32
      %scan3A_98 = arith.constant 1 : i32
      %scan3A_99:6 = scf.for %scan3A_801 = %scan3A_95 to %scan3A_97 step %scan3A_98 iter_args(%scan3A_802 = %broadcast_in_dim3A_84, %scan3A_803 = %broadcast_in_dim3A_86, %scan3A_804 = %broadcast_in_dim3A_88, %scan3A_805 = %broadcast_in_dim3A_90, %scan3A_806 = %broadcast_in_dim3A_92, %scan3A_807 = %broadcast_in_dim3A_94) -> (vector<16xf32>, vector<16xi32>, vector<16xf32>, vector<16xf32>, vector<16xf32>, vector<16xf32>)  : i32 {
        %get3A = arith.constant 1 : i32
        %get3A_808 = arith.index_cast %get3A : i32 to index
        %get3A_809 = arith.index_cast %scan3A_801 : i32 to index
        %get3A_810 = arith.constant 0 : index
        %get3A_811 = tpu.vector_load %arg5[%get3A_808, %get3A_809, %get3A_810] {strides = array<i32>} : memref<8x100x64xf32, #tpu.memory_space<vmem>>, vector<1x1x16xf32>,
        %get3A_812 = vector.shape_cast %get3A_811 : vector<1x1x16xf32> to vector<16xf32>
        %get3A_813 = arith.constant 1 : i32
        %get3A_814 = arith.index_cast %get3A_813 : i32 to index
        %get3A_815 = arith.index_cast %scan3A_801 : i32 to index
        %get3A_816 = arith.constant 16 : index
        %get3A_817 = tpu.vector_load %arg5[%get3A_814, %get3A_815, %get3A_816] {strides = array<i32>} : memref<8x100x64xf32, #tpu.memory_space<vmem>>, vector<1x1x16xf32>,
        %get3A_818 = vector.shape_cast %get3A_817 : vector<1x1x16xf32> to vector<16xf32>
        %get3A_819 = arith.constant 1 : i32
        %get3A_820 = arith.index_cast %get3A_819 : i32 to index
        %get3A_821 = arith.index_cast %scan3A_801 : i32 to index
        %get3A_822 = arith.constant 32 : index
        %get3A_823 = tpu.vector_load %arg5[%get3A_820, %get3A_821, %get3A_822] {strides = array<i32>} : memref<8x100x64xf32, #tpu.memory_space<vmem>>, vector<1x1x16xf32>,
        %get3A_824 = vector.shape_cast %get3A_823 : vector<1x1x16xf32> to vector<16xf32>
        %get3A_825 = arith.constant 1 : i32
        %get3A_826 = arith.index_cast %get3A_825 : i32 to index
        %get3A_827 = arith.index_cast %scan3A_801 : i32 to index
        %get3A_828 = arith.constant 48 : index
        %get3A_829 = tpu.vector_load %arg5[%get3A_826, %get3A_827, %get3A_828] {strides = array<i32>} : memref<8x100x64xf32, #tpu.memory_space<vmem>>, vector<1x1x16xf32>,
        %get3A_830 = vector.shape_cast %get3A_829 : vector<1x1x16xf32> to vector<16xf32>
        %mul3A_831 = arith.mulf %get3A_812, %get3A_812 : vector<16xf32>
        %mul3A_832 = arith.mulf %get3A_818, %get3A_818 : vector<16xf32>
        %add3A_833 = arith.addf %mul3A_831, %mul3A_832 : vector<16xf32>
        %mul3A_834 = arith.mulf %get3A_824, %get3A_824 : vector<16xf32>
        %add3A_835 = arith.addf %add3A_833, %mul3A_834 : vector<16xf32>
        %mul3A_836 = arith.mulf %get3A_830, %get3A_830 : vector<16xf32>
        %add3A_837 = arith.addf %add3A_835, %mul3A_836 : vector<16xf32>
        %xor3A = arith.constant 8 : i32
        %xor3A_838 = vector.broadcast %xor3A : i32 to vector<16xi32>
        %xor3A_839 = arith.xori %iota3A, %xor3A_838 : vector<16xi32>
        %broadcast_in_dim3A_840 = vector.shape_cast %xor3A_839 : vector<16xi32> to vector<16x1xi32>
        %gather3A = vector.shape_cast %broadcast_in_dim3A_840 : vector<16x1xi32> to vector<16xi32>
        %gather3A_841 = tpu.dynamic_gather %add3A_837[%gather3A] in [0] : vector<16xf32>, vector<16xi32> -> vector<16xf32>
        %add3A_842 = arith.addf %add3A_837, %gather3A_841 : vector<16xf32>
        %xor3A_843 = arith.constant 4 : i32
        %xor3A_844 = vector.broadcast %xor3A_843 : i32 to vector<16xi32>
        %xor3A_845 = arith.xori %iota3A, %xor3A_844 : vector<16xi32>
        %broadcast_in_dim3A_846 = vector.shape_cast %xor3A_845 : vector<16xi32> to vector<16x1xi32>
        %gather3A_847 = vector.shape_cast %broadcast_in_dim3A_846 : vector<16x1xi32> to vector<16xi32>
        %gather3A_848 = tpu.dynamic_gather %add3A_842[%gather3A_847] in [0] : vector<16xf32>, vector<16xi32> -> vector<16xf32>
        %add3A_849 = arith.addf %add3A_842, %gather3A_848 : vector<16xf32>
        %xor3A_850 = arith.constant 2 : i32
        %xor3A_851 = vector.broadcast %xor3A_850 : i32 to vector<16xi32>
        %xor3A_852 = arith.xori %iota3A, %xor3A_851 : vector<16xi32>
        %broadcast_in_dim3A_853 = vector.shape_cast %xor3A_852 : vector<16xi32> to vector<16x1xi32>
        %gather3A_854 = vector.shape_cast %broadcast_in_dim3A_853 : vector<16x1xi32> to vector<16xi32>
        %gather3A_855 = tpu.dynamic_gather %add3A_849[%gather3A_854] in [0] : vector<16xf32>, vector<16xi32> -> vector<16xf32>
        %add3A_856 = arith.addf %add3A_849, %gather3A_855 : vector<16xf32>
        %xor3A_857 = arith.constant 1 : i32
        %xor3A_858 = vector.broadcast %xor3A_857 : i32 to vector<16xi32>
        %xor3A_859 = arith.xori %iota3A, %xor3A_858 : vector<16xi32>
        %broadcast_in_dim3A_860 = vector.shape_cast %xor3A_859 : vector<16xi32> to vector<16x1xi32>
        %gather3A_861 = vector.shape_cast %broadcast_in_dim3A_860 : vector<16x1xi32> to vector<16xi32>
        %gather3A_862 = tpu.dynamic_gather %add3A_856[%gather3A_861] in [0] : vector<16xf32>, vector<16xi32> -> vector<16xf32>
        %add3A_863 = arith.addf %add3A_856, %gather3A_862 : vector<16xf32>
        %broadcast_in_dim3A_864 = vector.broadcast %scan3A_801 : i32 to vector<16xi32>
        %gt3A = arith.cmpf ogt, %add3A_863, %scan3A_802 : vector<16xf32>
        %select_n3A_865 = arith.select %gt3A, %add3A_863, %scan3A_802 : vector<16xi1>, vector<16xf32>
        %select_n3A_866 = arith.select %gt3A, %broadcast_in_dim3A_864, %scan3A_803 : vector<16xi1>, vector<16xi32>
        %select_n3A_867 = arith.select %gt3A, %get3A_812, %scan3A_804 : vector<16xi1>, vector<16xf32>
        %select_n3A_868 = arith.select %gt3A, %get3A_818, %scan3A_805 : vector<16xi1>, vector<16xf32>
        %select_n3A_869 = arith.select %gt3A, %get3A_824, %scan3A_806 : vector<16xi1>, vector<16xf32>
        %select_n3A_870 = arith.select %gt3A, %get3A_830, %scan3A_807 : vector<16xi1>, vector<16xf32>
        scf.yield %select_n3A_865, %select_n3A_866, %select_n3A_867, %select_n3A_868, %select_n3A_869, %select_n3A_870 : vector<16xf32>, vector<16xi32>, vector<16xf32>, vector<16xf32>, vector<16xf32>, vector<16xf32>
      }
      %scan3A_100 = arith.constant 100 : i32
      %swap3A_101 = arith.constant 1 : i32
      %swap3A_102 = arith.index_cast %swap3A_101 : i32 to index
      %swap3A_103 = arith.constant 0 : index
      %swap3A_104 = tpu.vector_load %arg7[%swap3A_102, %swap3A_103] {strides = array<i32>} : memref<16x64xf32, #tpu.memory_space<vmem>>, vector<1x16xf32>,
      %swap3A_105 = vector.shape_cast %swap3A_104 : vector<1x16xf32> to vector<16xf32>
      %swap3A_106 = vector.shape_cast %scan3A_99#2 : vector<16xf32> to vector<1x16xf32>
      tpu.vector_store %arg7[%swap3A_102, %swap3A_103], %swap3A_106 {strides = array<i32>} : memref<16x64xf32, #tpu.memory_space<vmem>>, vector<1x16xf32>,
      %swap3A_107 = arith.constant 1 : i32
      %swap3A_108 = arith.index_cast %swap3A_107 : i32 to index
      %swap3A_109 = arith.constant 16 : index
      %swap3A_110 = tpu.vector_load %arg7[%swap3A_108, %swap3A_109] {strides = array<i32>} : memref<16x64xf32, #tpu.memory_space<vmem>>, vector<1x16xf32>,
      %swap3A_111 = vector.shape_cast %swap3A_110 : vector<1x16xf32> to vector<16xf32>
      %swap3A_112 = vector.shape_cast %scan3A_99#3 : vector<16xf32> to vector<1x16xf32>
      tpu.vector_store %arg7[%swap3A_108, %swap3A_109], %swap3A_112 {strides = array<i32>} : memref<16x64xf32, #tpu.memory_space<vmem>>, vector<1x16xf32>,
      %swap3A_113 = arith.constant 1 : i32
      %swap3A_114 = arith.index_cast %swap3A_113 : i32 to index
      %swap3A_115 = arith.constant 32 : index
      %swap3A_116 = tpu.vector_load %arg7[%swap3A_114, %swap3A_115] {strides = array<i32>} : memref<16x64xf32, #tpu.memory_space<vmem>>, vector<1x16xf32>,
      %swap3A_117 = vector.shape_cast %swap3A_116 : vector<1x16xf32> to vector<16xf32>
      %swap3A_118 = vector.shape_cast %scan3A_99#4 : vector<16xf32> to vector<1x16xf32>
      tpu.vector_store %arg7[%swap3A_114, %swap3A_115], %swap3A_118 {strides = array<i32>} : memref<16x64xf32, #tpu.memory_space<vmem>>, vector<1x16xf32>,
      %swap3A_119 = arith.constant 1 : i32
      %swap3A_120 = arith.index_cast %swap3A_119 : i32 to index
      %swap3A_121 = arith.constant 48 : index
      %swap3A_122 = tpu.vector_load %arg7[%swap3A_120, %swap3A_121] {strides = array<i32>} : memref<16x64xf32, #tpu.memory_space<vmem>>, vector<1x16xf32>,
      %swap3A_123 = vector.shape_cast %swap3A_122 : vector<1x16xf32> to vector<16xf32>
      %swap3A_124 = vector.shape_cast %scan3A_99#5 : vector<16xf32> to vector<1x16xf32>
      tpu.vector_store %arg7[%swap3A_120, %swap3A_121], %swap3A_124 {strides = array<i32>} : memref<16x64xf32, #tpu.memory_space<vmem>>, vector<1x16xf32>,
      %eq3A_125 = arith.constant 1 : i32
      %eq3A_126 = vector.broadcast %eq3A_125 : i32 to vector<16xi32>
      %eq3A_127 = arith.cmpi eq, %iota3A, %eq3A_126 : vector<16xi32>
      %select_n3A_128 = arith.select %eq3A_127, %scan3A_99#1, %select_n3A : vector<16xi1>, vector<16xi32>
      %broadcast_in_dim3A_129 = arith.constant -1.000000e+00 : f32
      %broadcast_in_dim3A_130 = vector.broadcast %broadcast_in_dim3A_129 : f32 to vector<16xf32>
      %broadcast_in_dim3A_131 = arith.constant 0 : i32
      %broadcast_in_dim3A_132 = vector.broadcast %broadcast_in_dim3A_131 : i32 to vector<16xi32>
      %broadcast_in_dim3A_133 = arith.constant 0.000000e+00 : f32
      %broadcast_in_dim3A_134 = vector.broadcast %broadcast_in_dim3A_133 : f32 to vector<16xf32>
      %broadcast_in_dim3A_135 = arith.constant 0.000000e+00 : f32
      %broadcast_in_dim3A_136 = vector.broadcast %broadcast_in_dim3A_135 : f32 to vector<16xf32>
      %broadcast_in_dim3A_137 = arith.constant 0.000000e+00 : f32
      %broadcast_in_dim3A_138 = vector.broadcast %broadcast_in_dim3A_137 : f32 to vector<16xf32>
      %broadcast_in_dim3A_139 = arith.constant 0.000000e+00 : f32
      %broadcast_in_dim3A_140 = vector.broadcast %broadcast_in_dim3A_139 : f32 to vector<16xf32>
      %scan3A_141 = arith.constant 0 : i32
      %scan3A_142 = arith.constant 100 : i32
      %scan3A_143 = arith.addi %scan3A_141, %scan3A_142 : i32
      %scan3A_144 = arith.constant 1 : i32
      %scan3A_145:6 = scf.for %scan3A_801 = %scan3A_141 to %scan3A_143 step %scan3A_144 iter_args(%scan3A_802 = %broadcast_in_dim3A_130, %scan3A_803 = %broadcast_in_dim3A_132, %scan3A_804 = %broadcast_in_dim3A_134, %scan3A_805 = %broadcast_in_dim3A_136, %scan3A_806 = %broadcast_in_dim3A_138, %scan3A_807 = %broadcast_in_dim3A_140) -> (vector<16xf32>, vector<16xi32>, vector<16xf32>, vector<16xf32>, vector<16xf32>, vector<16xf32>)  : i32 {
        %get3A = arith.constant 2 : i32
        %get3A_808 = arith.index_cast %get3A : i32 to index
        %get3A_809 = arith.index_cast %scan3A_801 : i32 to index
        %get3A_810 = arith.constant 0 : index
        %get3A_811 = tpu.vector_load %arg5[%get3A_808, %get3A_809, %get3A_810] {strides = array<i32>} : memref<8x100x64xf32, #tpu.memory_space<vmem>>, vector<1x1x16xf32>,
        %get3A_812 = vector.shape_cast %get3A_811 : vector<1x1x16xf32> to vector<16xf32>
        %get3A_813 = arith.constant 2 : i32
        %get3A_814 = arith.index_cast %get3A_813 : i32 to index
        %get3A_815 = arith.index_cast %scan3A_801 : i32 to index
        %get3A_816 = arith.constant 16 : index
        %get3A_817 = tpu.vector_load %arg5[%get3A_814, %get3A_815, %get3A_816] {strides = array<i32>} : memref<8x100x64xf32, #tpu.memory_space<vmem>>, vector<1x1x16xf32>,
        %get3A_818 = vector.shape_cast %get3A_817 : vector<1x1x16xf32> to vector<16xf32>
        %get3A_819 = arith.constant 2 : i32
        %get3A_820 = arith.index_cast %get3A_819 : i32 to index
        %get3A_821 = arith.index_cast %scan3A_801 : i32 to index
        %get3A_822 = arith.constant 32 : index
        %get3A_823 = tpu.vector_load %arg5[%get3A_820, %get3A_821, %get3A_822] {strides = array<i32>} : memref<8x100x64xf32, #tpu.memory_space<vmem>>, vector<1x1x16xf32>,
        %get3A_824 = vector.shape_cast %get3A_823 : vector<1x1x16xf32> to vector<16xf32>
        %get3A_825 = arith.constant 2 : i32
        %get3A_826 = arith.index_cast %get3A_825 : i32 to index
        %get3A_827 = arith.index_cast %scan3A_801 : i32 to index
        %get3A_828 = arith.constant 48 : index
        %get3A_829 = tpu.vector_load %arg5[%get3A_826, %get3A_827, %get3A_828] {strides = array<i32>} : memref<8x100x64xf32, #tpu.memory_space<vmem>>, vector<1x1x16xf32>,
        %get3A_830 = vector.shape_cast %get3A_829 : vector<1x1x16xf32> to vector<16xf32>
        %mul3A_831 = arith.mulf %get3A_812, %get3A_812 : vector<16xf32>
        %mul3A_832 = arith.mulf %get3A_818, %get3A_818 : vector<16xf32>
        %add3A_833 = arith.addf %mul3A_831, %mul3A_832 : vector<16xf32>
        %mul3A_834 = arith.mulf %get3A_824, %get3A_824 : vector<16xf32>
        %add3A_835 = arith.addf %add3A_833, %mul3A_834 : vector<16xf32>
        %mul3A_836 = arith.mulf %get3A_830, %get3A_830 : vector<16xf32>
        %add3A_837 = arith.addf %add3A_835, %mul3A_836 : vector<16xf32>
        %xor3A = arith.constant 8 : i32
        %xor3A_838 = vector.broadcast %xor3A : i32 to vector<16xi32>
        %xor3A_839 = arith.xori %iota3A, %xor3A_838 : vector<16xi32>
        %broadcast_in_dim3A_840 = vector.shape_cast %xor3A_839 : vector<16xi32> to vector<16x1xi32>
        %gather3A = vector.shape_cast %broadcast_in_dim3A_840 : vector<16x1xi32> to vector<16xi32>
        %gather3A_841 = tpu.dynamic_gather %add3A_837[%gather3A] in [0] : vector<16xf32>, vector<16xi32> -> vector<16xf32>
        %add3A_842 = arith.addf %add3A_837, %gather3A_841 : vector<16xf32>
        %xor3A_843 = arith.constant 4 : i32
        %xor3A_844 = vector.broadcast %xor3A_843 : i32 to vector<16xi32>
        %xor3A_845 = arith.xori %iota3A, %xor3A_844 : vector<16xi32>
        %broadcast_in_dim3A_846 = vector.shape_cast %xor3A_845 : vector<16xi32> to vector<16x1xi32>
        %gather3A_847 = vector.shape_cast %broadcast_in_dim3A_846 : vector<16x1xi32> to vector<16xi32>
        %gather3A_848 = tpu.dynamic_gather %add3A_842[%gather3A_847] in [0] : vector<16xf32>, vector<16xi32> -> vector<16xf32>
        %add3A_849 = arith.addf %add3A_842, %gather3A_848 : vector<16xf32>
        %xor3A_850 = arith.constant 2 : i32
        %xor3A_851 = vector.broadcast %xor3A_850 : i32 to vector<16xi32>
        %xor3A_852 = arith.xori %iota3A, %xor3A_851 : vector<16xi32>
        %broadcast_in_dim3A_853 = vector.shape_cast %xor3A_852 : vector<16xi32> to vector<16x1xi32>
        %gather3A_854 = vector.shape_cast %broadcast_in_dim3A_853 : vector<16x1xi32> to vector<16xi32>
        %gather3A_855 = tpu.dynamic_gather %add3A_849[%gather3A_854] in [0] : vector<16xf32>, vector<16xi32> -> vector<16xf32>
        %add3A_856 = arith.addf %add3A_849, %gather3A_855 : vector<16xf32>
        %xor3A_857 = arith.constant 1 : i32
        %xor3A_858 = vector.broadcast %xor3A_857 : i32 to vector<16xi32>
        %xor3A_859 = arith.xori %iota3A, %xor3A_858 : vector<16xi32>
        %broadcast_in_dim3A_860 = vector.shape_cast %xor3A_859 : vector<16xi32> to vector<16x1xi32>
        %gather3A_861 = vector.shape_cast %broadcast_in_dim3A_860 : vector<16x1xi32> to vector<16xi32>
        %gather3A_862 = tpu.dynamic_gather %add3A_856[%gather3A_861] in [0] : vector<16xf32>, vector<16xi32> -> vector<16xf32>
        %add3A_863 = arith.addf %add3A_856, %gather3A_862 : vector<16xf32>
        %broadcast_in_dim3A_864 = vector.broadcast %scan3A_801 : i32 to vector<16xi32>
        %gt3A = arith.cmpf ogt, %add3A_863, %scan3A_802 : vector<16xf32>
        %select_n3A_865 = arith.select %gt3A, %add3A_863, %scan3A_802 : vector<16xi1>, vector<16xf32>
        %select_n3A_866 = arith.select %gt3A, %broadcast_in_dim3A_864, %scan3A_803 : vector<16xi1>, vector<16xi32>
        %select_n3A_867 = arith.select %gt3A, %get3A_812, %scan3A_804 : vector<16xi1>, vector<16xf32>
        %select_n3A_868 = arith.select %gt3A, %get3A_818, %scan3A_805 : vector<16xi1>, vector<16xf32>
        %select_n3A_869 = arith.select %gt3A, %get3A_824, %scan3A_806 : vector<16xi1>, vector<16xf32>
        %select_n3A_870 = arith.select %gt3A, %get3A_830, %scan3A_807 : vector<16xi1>, vector<16xf32>
        scf.yield %select_n3A_865, %select_n3A_866, %select_n3A_867, %select_n3A_868, %select_n3A_869, %select_n3A_870 : vector<16xf32>, vector<16xi32>, vector<16xf32>, vector<16xf32>, vector<16xf32>, vector<16xf32>
      }
      %scan3A_146 = arith.constant 100 : i32
      %swap3A_147 = arith.constant 2 : i32
      %swap3A_148 = arith.index_cast %swap3A_147 : i32 to index
      %swap3A_149 = arith.constant 0 : index
      %swap3A_150 = tpu.vector_load %arg7[%swap3A_148, %swap3A_149] {strides = array<i32>} : memref<16x64xf32, #tpu.memory_space<vmem>>, vector<1x16xf32>,
      %swap3A_151 = vector.shape_cast %swap3A_150 : vector<1x16xf32> to vector<16xf32>
      %swap3A_152 = vector.shape_cast %scan3A_145#2 : vector<16xf32> to vector<1x16xf32>
      tpu.vector_store %arg7[%swap3A_148, %swap3A_149], %swap3A_152 {strides = array<i32>} : memref<16x64xf32, #tpu.memory_space<vmem>>, vector<1x16xf32>,
      %swap3A_153 = arith.constant 2 : i32
      %swap3A_154 = arith.index_cast %swap3A_153 : i32 to index
      %swap3A_155 = arith.constant 16 : index
      %swap3A_156 = tpu.vector_load %arg7[%swap3A_154, %swap3A_155] {strides = array<i32>} : memref<16x64xf32, #tpu.memory_space<vmem>>, vector<1x16xf32>,
      %swap3A_157 = vector.shape_cast %swap3A_156 : vector<1x16xf32> to vector<16xf32>
      %swap3A_158 = vector.shape_cast %scan3A_145#3 : vector<16xf32> to vector<1x16xf32>
      tpu.vector_store %arg7[%swap3A_154, %swap3A_155], %swap3A_158 {strides = array<i32>} : memref<16x64xf32, #tpu.memory_space<vmem>>, vector<1x16xf32>,
      %swap3A_159 = arith.constant 2 : i32
      %swap3A_160 = arith.index_cast %swap3A_159 : i32 to index
      %swap3A_161 = arith.constant 32 : index
      %swap3A_162 = tpu.vector_load %arg7[%swap3A_160, %swap3A_161] {strides = array<i32>} : memref<16x64xf32, #tpu.memory_space<vmem>>, vector<1x16xf32>,
      %swap3A_163 = vector.shape_cast %swap3A_162 : vector<1x16xf32> to vector<16xf32>
      %swap3A_164 = vector.shape_cast %scan3A_145#4 : vector<16xf32> to vector<1x16xf32>
      tpu.vector_store %arg7[%swap3A_160, %swap3A_161], %swap3A_164 {strides = array<i32>} : memref<16x64xf32, #tpu.memory_space<vmem>>, vector<1x16xf32>,
      %swap3A_165 = arith.constant 2 : i32
      %swap3A_166 = arith.index_cast %swap3A_165 : i32 to index
      %swap3A_167 = arith.constant 48 : index
      %swap3A_168 = tpu.vector_load %arg7[%swap3A_166, %swap3A_167] {strides = array<i32>} : memref<16x64xf32, #tpu.memory_space<vmem>>, vector<1x16xf32>,
      %swap3A_169 = vector.shape_cast %swap3A_168 : vector<1x16xf32> to vector<16xf32>
      %swap3A_170 = vector.shape_cast %scan3A_145#5 : vector<16xf32> to vector<1x16xf32>
      tpu.vector_store %arg7[%swap3A_166, %swap3A_167], %swap3A_170 {strides = array<i32>} : memref<16x64xf32, #tpu.memory_space<vmem>>, vector<1x16xf32>,
      %eq3A_171 = arith.constant 2 : i32
      %eq3A_172 = vector.broadcast %eq3A_171 : i32 to vector<16xi32>
      %eq3A_173 = arith.cmpi eq, %iota3A, %eq3A_172 : vector<16xi32>
      %select_n3A_174 = arith.select %eq3A_173, %scan3A_145#1, %select_n3A_128 : vector<16xi1>, vector<16xi32>
      %broadcast_in_dim3A_175 = arith.constant -1.000000e+00 : f32
      %broadcast_in_dim3A_176 = vector.broadcast %broadcast_in_dim3A_175 : f32 to vector<16xf32>
      %broadcast_in_dim3A_177 = arith.constant 0 : i32
      %broadcast_in_dim3A_178 = vector.broadcast %broadcast_in_dim3A_177 : i32 to vector<16xi32>
      %broadcast_in_dim3A_179 = arith.constant 0.000000e+00 : f32
      %broadcast_in_dim3A_180 = vector.broadcast %broadcast_in_dim3A_179 : f32 to vector<16xf32>
      %broadcast_in_dim3A_181 = arith.constant 0.000000e+00 : f32
      %broadcast_in_dim3A_182 = vector.broadcast %broadcast_in_dim3A_181 : f32 to vector<16xf32>
      %broadcast_in_dim3A_183 = arith.constant 0.000000e+00 : f32
      %broadcast_in_dim3A_184 = vector.broadcast %broadcast_in_dim3A_183 : f32 to vector<16xf32>
      %broadcast_in_dim3A_185 = arith.constant 0.000000e+00 : f32
      %broadcast_in_dim3A_186 = vector.broadcast %broadcast_in_dim3A_185 : f32 to vector<16xf32>
      %scan3A_187 = arith.constant 0 : i32
      %scan3A_188 = arith.constant 100 : i32
      %scan3A_189 = arith.addi %scan3A_187, %scan3A_188 : i32
      %scan3A_190 = arith.constant 1 : i32
      %scan3A_191:6 = scf.for %scan3A_801 = %scan3A_187 to %scan3A_189 step %scan3A_190 iter_args(%scan3A_802 = %broadcast_in_dim3A_176, %scan3A_803 = %broadcast_in_dim3A_178, %scan3A_804 = %broadcast_in_dim3A_180, %scan3A_805 = %broadcast_in_dim3A_182, %scan3A_806 = %broadcast_in_dim3A_184, %scan3A_807 = %broadcast_in_dim3A_186) -> (vector<16xf32>, vector<16xi32>, vector<16xf32>, vector<16xf32>, vector<16xf32>, vector<16xf32>)  : i32 {
        %get3A = arith.constant 3 : i32
        %get3A_808 = arith.index_cast %get3A : i32 to index
        %get3A_809 = arith.index_cast %scan3A_801 : i32 to index
        %get3A_810 = arith.constant 0 : index
        %get3A_811 = tpu.vector_load %arg5[%get3A_808, %get3A_809, %get3A_810] {strides = array<i32>} : memref<8x100x64xf32, #tpu.memory_space<vmem>>, vector<1x1x16xf32>,
        %get3A_812 = vector.shape_cast %get3A_811 : vector<1x1x16xf32> to vector<16xf32>
        %get3A_813 = arith.constant 3 : i32
        %get3A_814 = arith.index_cast %get3A_813 : i32 to index
        %get3A_815 = arith.index_cast %scan3A_801 : i32 to index
        %get3A_816 = arith.constant 16 : index
        %get3A_817 = tpu.vector_load %arg5[%get3A_814, %get3A_815, %get3A_816] {strides = array<i32>} : memref<8x100x64xf32, #tpu.memory_space<vmem>>, vector<1x1x16xf32>,
        %get3A_818 = vector.shape_cast %get3A_817 : vector<1x1x16xf32> to vector<16xf32>
        %get3A_819 = arith.constant 3 : i32
        %get3A_820 = arith.index_cast %get3A_819 : i32 to index
        %get3A_821 = arith.index_cast %scan3A_801 : i32 to index
        %get3A_822 = arith.constant 32 : index
        %get3A_823 = tpu.vector_load %arg5[%get3A_820, %get3A_821, %get3A_822] {strides = array<i32>} : memref<8x100x64xf32, #tpu.memory_space<vmem>>, vector<1x1x16xf32>,
        %get3A_824 = vector.shape_cast %get3A_823 : vector<1x1x16xf32> to vector<16xf32>
        %get3A_825 = arith.constant 3 : i32
        %get3A_826 = arith.index_cast %get3A_825 : i32 to index
        %get3A_827 = arith.index_cast %scan3A_801 : i32 to index
        %get3A_828 = arith.constant 48 : index
        %get3A_829 = tpu.vector_load %arg5[%get3A_826, %get3A_827, %get3A_828] {strides = array<i32>} : memref<8x100x64xf32, #tpu.memory_space<vmem>>, vector<1x1x16xf32>,
        %get3A_830 = vector.shape_cast %get3A_829 : vector<1x1x16xf32> to vector<16xf32>
        %mul3A_831 = arith.mulf %get3A_812, %get3A_812 : vector<16xf32>
        %mul3A_832 = arith.mulf %get3A_818, %get3A_818 : vector<16xf32>
        %add3A_833 = arith.addf %mul3A_831, %mul3A_832 : vector<16xf32>
        %mul3A_834 = arith.mulf %get3A_824, %get3A_824 : vector<16xf32>
        %add3A_835 = arith.addf %add3A_833, %mul3A_834 : vector<16xf32>
        %mul3A_836 = arith.mulf %get3A_830, %get3A_830 : vector<16xf32>
        %add3A_837 = arith.addf %add3A_835, %mul3A_836 : vector<16xf32>
        %xor3A = arith.constant 8 : i32
        %xor3A_838 = vector.broadcast %xor3A : i32 to vector<16xi32>
        %xor3A_839 = arith.xori %iota3A, %xor3A_838 : vector<16xi32>
        %broadcast_in_dim3A_840 = vector.shape_cast %xor3A_839 : vector<16xi32> to vector<16x1xi32>
        %gather3A = vector.shape_cast %broadcast_in_dim3A_840 : vector<16x1xi32> to vector<16xi32>
        %gather3A_841 = tpu.dynamic_gather %add3A_837[%gather3A] in [0] : vector<16xf32>, vector<16xi32> -> vector<16xf32>
        %add3A_842 = arith.addf %add3A_837, %gather3A_841 : vector<16xf32>
        %xor3A_843 = arith.constant 4 : i32
        %xor3A_844 = vector.broadcast %xor3A_843 : i32 to vector<16xi32>
        %xor3A_845 = arith.xori %iota3A, %xor3A_844 : vector<16xi32>
        %broadcast_in_dim3A_846 = vector.shape_cast %xor3A_845 : vector<16xi32> to vector<16x1xi32>
        %gather3A_847 = vector.shape_cast %broadcast_in_dim3A_846 : vector<16x1xi32> to vector<16xi32>
        %gather3A_848 = tpu.dynamic_gather %add3A_842[%gather3A_847] in [0] : vector<16xf32>, vector<16xi32> -> vector<16xf32>
        %add3A_849 = arith.addf %add3A_842, %gather3A_848 : vector<16xf32>
        %xor3A_850 = arith.constant 2 : i32
        %xor3A_851 = vector.broadcast %xor3A_850 : i32 to vector<16xi32>
        %xor3A_852 = arith.xori %iota3A, %xor3A_851 : vector<16xi32>
        %broadcast_in_dim3A_853 = vector.shape_cast %xor3A_852 : vector<16xi32> to vector<16x1xi32>
        %gather3A_854 = vector.shape_cast %broadcast_in_dim3A_853 : vector<16x1xi32> to vector<16xi32>
        %gather3A_855 = tpu.dynamic_gather %add3A_849[%gather3A_854] in [0] : vector<16xf32>, vector<16xi32> -> vector<16xf32>
        %add3A_856 = arith.addf %add3A_849, %gather3A_855 : vector<16xf32>
        %xor3A_857 = arith.constant 1 : i32
        %xor3A_858 = vector.broadcast %xor3A_857 : i32 to vector<16xi32>
        %xor3A_859 = arith.xori %iota3A, %xor3A_858 : vector<16xi32>
        %broadcast_in_dim3A_860 = vector.shape_cast %xor3A_859 : vector<16xi32> to vector<16x1xi32>
        %gather3A_861 = vector.shape_cast %broadcast_in_dim3A_860 : vector<16x1xi32> to vector<16xi32>
        %gather3A_862 = tpu.dynamic_gather %add3A_856[%gather3A_861] in [0] : vector<16xf32>, vector<16xi32> -> vector<16xf32>
        %add3A_863 = arith.addf %add3A_856, %gather3A_862 : vector<16xf32>
        %broadcast_in_dim3A_864 = vector.broadcast %scan3A_801 : i32 to vector<16xi32>
        %gt3A = arith.cmpf ogt, %add3A_863, %scan3A_802 : vector<16xf32>
        %select_n3A_865 = arith.select %gt3A, %add3A_863, %scan3A_802 : vector<16xi1>, vector<16xf32>
        %select_n3A_866 = arith.select %gt3A, %broadcast_in_dim3A_864, %scan3A_803 : vector<16xi1>, vector<16xi32>
        %select_n3A_867 = arith.select %gt3A, %get3A_812, %scan3A_804 : vector<16xi1>, vector<16xf32>
        %select_n3A_868 = arith.select %gt3A, %get3A_818, %scan3A_805 : vector<16xi1>, vector<16xf32>
        %select_n3A_869 = arith.select %gt3A, %get3A_824, %scan3A_806 : vector<16xi1>, vector<16xf32>
        %select_n3A_870 = arith.select %gt3A, %get3A_830, %scan3A_807 : vector<16xi1>, vector<16xf32>
        scf.yield %select_n3A_865, %select_n3A_866, %select_n3A_867, %select_n3A_868, %select_n3A_869, %select_n3A_870 : vector<16xf32>, vector<16xi32>, vector<16xf32>, vector<16xf32>, vector<16xf32>, vector<16xf32>
      }
      %scan3A_192 = arith.constant 100 : i32
      %swap3A_193 = arith.constant 3 : i32
      %swap3A_194 = arith.index_cast %swap3A_193 : i32 to index
      %swap3A_195 = arith.constant 0 : index
      %swap3A_196 = tpu.vector_load %arg7[%swap3A_194, %swap3A_195] {strides = array<i32>} : memref<16x64xf32, #tpu.memory_space<vmem>>, vector<1x16xf32>,
      %swap3A_197 = vector.shape_cast %swap3A_196 : vector<1x16xf32> to vector<16xf32>
      %swap3A_198 = vector.shape_cast %scan3A_191#2 : vector<16xf32> to vector<1x16xf32>
      tpu.vector_store %arg7[%swap3A_194, %swap3A_195], %swap3A_198 {strides = array<i32>} : memref<16x64xf32, #tpu.memory_space<vmem>>, vector<1x16xf32>,
      %swap3A_199 = arith.constant 3 : i32
      %swap3A_200 = arith.index_cast %swap3A_199 : i32 to index
      %swap3A_201 = arith.constant 16 : index
      %swap3A_202 = tpu.vector_load %arg7[%swap3A_200, %swap3A_201] {strides = array<i32>} : memref<16x64xf32, #tpu.memory_space<vmem>>, vector<1x16xf32>,
      %swap3A_203 = vector.shape_cast %swap3A_202 : vector<1x16xf32> to vector<16xf32>
      %swap3A_204 = vector.shape_cast %scan3A_191#3 : vector<16xf32> to vector<1x16xf32>
      tpu.vector_store %arg7[%swap3A_200, %swap3A_201], %swap3A_204 {strides = array<i32>} : memref<16x64xf32, #tpu.memory_space<vmem>>, vector<1x16xf32>,
      %swap3A_205 = arith.constant 3 : i32
      %swap3A_206 = arith.index_cast %swap3A_205 : i32 to index
      %swap3A_207 = arith.constant 32 : index
      %swap3A_208 = tpu.vector_load %arg7[%swap3A_206, %swap3A_207] {strides = array<i32>} : memref<16x64xf32, #tpu.memory_space<vmem>>, vector<1x16xf32>,
      %swap3A_209 = vector.shape_cast %swap3A_208 : vector<1x16xf32> to vector<16xf32>
      %swap3A_210 = vector.shape_cast %scan3A_191#4 : vector<16xf32> to vector<1x16xf32>
      tpu.vector_store %arg7[%swap3A_206, %swap3A_207], %swap3A_210 {strides = array<i32>} : memref<16x64xf32, #tpu.memory_space<vmem>>, vector<1x16xf32>,
      %swap3A_211 = arith.constant 3 : i32
      %swap3A_212 = arith.index_cast %swap3A_211 : i32 to index
      %swap3A_213 = arith.constant 48 : index
      %swap3A_214 = tpu.vector_load %arg7[%swap3A_212, %swap3A_213] {strides = array<i32>} : memref<16x64xf32, #tpu.memory_space<vmem>>, vector<1x16xf32>,
      %swap3A_215 = vector.shape_cast %swap3A_214 : vector<1x16xf32> to vector<16xf32>
      %swap3A_216 = vector.shape_cast %scan3A_191#5 : vector<16xf32> to vector<1x16xf32>
      tpu.vector_store %arg7[%swap3A_212, %swap3A_213], %swap3A_216 {strides = array<i32>} : memref<16x64xf32, #tpu.memory_space<vmem>>, vector<1x16xf32>,
      %eq3A_217 = arith.constant 3 : i32
      %eq3A_218 = vector.broadcast %eq3A_217 : i32 to vector<16xi32>
      %eq3A_219 = arith.cmpi eq, %iota3A, %eq3A_218 : vector<16xi32>
      %select_n3A_220 = arith.select %eq3A_219, %scan3A_191#1, %select_n3A_174 : vector<16xi1>, vector<16xi32>
      %broadcast_in_dim3A_221 = arith.constant -1.000000e+00 : f32
      %broadcast_in_dim3A_222 = vector.broadcast %broadcast_in_dim3A_221 : f32 to vector<16xf32>
      %broadcast_in_dim3A_223 = arith.constant 0 : i32
      %broadcast_in_dim3A_224 = vector.broadcast %broadcast_in_dim3A_223 : i32 to vector<16xi32>
      %broadcast_in_dim3A_225 = arith.constant 0.000000e+00 : f32
      %broadcast_in_dim3A_226 = vector.broadcast %broadcast_in_dim3A_225 : f32 to vector<16xf32>
      %broadcast_in_dim3A_227 = arith.constant 0.000000e+00 : f32
      %broadcast_in_dim3A_228 = vector.broadcast %broadcast_in_dim3A_227 : f32 to vector<16xf32>
      %broadcast_in_dim3A_229 = arith.constant 0.000000e+00 : f32
      %broadcast_in_dim3A_230 = vector.broadcast %broadcast_in_dim3A_229 : f32 to vector<16xf32>
      %broadcast_in_dim3A_231 = arith.constant 0.000000e+00 : f32
      %broadcast_in_dim3A_232 = vector.broadcast %broadcast_in_dim3A_231 : f32 to vector<16xf32>
      %scan3A_233 = arith.constant 0 : i32
      %scan3A_234 = arith.constant 100 : i32
      %scan3A_235 = arith.addi %scan3A_233, %scan3A_234 : i32
      %scan3A_236 = arith.constant 1 : i32
      %scan3A_237:6 = scf.for %scan3A_801 = %scan3A_233 to %scan3A_235 step %scan3A_236 iter_args(%scan3A_802 = %broadcast_in_dim3A_222, %scan3A_803 = %broadcast_in_dim3A_224, %scan3A_804 = %broadcast_in_dim3A_226, %scan3A_805 = %broadcast_in_dim3A_228, %scan3A_806 = %broadcast_in_dim3A_230, %scan3A_807 = %broadcast_in_dim3A_232) -> (vector<16xf32>, vector<16xi32>, vector<16xf32>, vector<16xf32>, vector<16xf32>, vector<16xf32>)  : i32 {
        %get3A = arith.constant 4 : i32
        %get3A_808 = arith.index_cast %get3A : i32 to index
        %get3A_809 = arith.index_cast %scan3A_801 : i32 to index
        %get3A_810 = arith.constant 0 : index
        %get3A_811 = tpu.vector_load %arg5[%get3A_808, %get3A_809, %get3A_810] {strides = array<i32>} : memref<8x100x64xf32, #tpu.memory_space<vmem>>, vector<1x1x16xf32>,
        %get3A_812 = vector.shape_cast %get3A_811 : vector<1x1x16xf32> to vector<16xf32>
        %get3A_813 = arith.constant 4 : i32
        %get3A_814 = arith.index_cast %get3A_813 : i32 to index
        %get3A_815 = arith.index_cast %scan3A_801 : i32 to index
        %get3A_816 = arith.constant 16 : index
        %get3A_817 = tpu.vector_load %arg5[%get3A_814, %get3A_815, %get3A_816] {strides = array<i32>} : memref<8x100x64xf32, #tpu.memory_space<vmem>>, vector<1x1x16xf32>,
        %get3A_818 = vector.shape_cast %get3A_817 : vector<1x1x16xf32> to vector<16xf32>
        %get3A_819 = arith.constant 4 : i32
        %get3A_820 = arith.index_cast %get3A_819 : i32 to index
        %get3A_821 = arith.index_cast %scan3A_801 : i32 to index
        %get3A_822 = arith.constant 32 : index
        %get3A_823 = tpu.vector_load %arg5[%get3A_820, %get3A_821, %get3A_822] {strides = array<i32>} : memref<8x100x64xf32, #tpu.memory_space<vmem>>, vector<1x1x16xf32>,
        %get3A_824 = vector.shape_cast %get3A_823 : vector<1x1x16xf32> to vector<16xf32>
        %get3A_825 = arith.constant 4 : i32
        %get3A_826 = arith.index_cast %get3A_825 : i32 to index
        %get3A_827 = arith.index_cast %scan3A_801 : i32 to index
        %get3A_828 = arith.constant 48 : index
        %get3A_829 = tpu.vector_load %arg5[%get3A_826, %get3A_827, %get3A_828] {strides = array<i32>} : memref<8x100x64xf32, #tpu.memory_space<vmem>>, vector<1x1x16xf32>,
        %get3A_830 = vector.shape_cast %get3A_829 : vector<1x1x16xf32> to vector<16xf32>
        %mul3A_831 = arith.mulf %get3A_812, %get3A_812 : vector<16xf32>
        %mul3A_832 = arith.mulf %get3A_818, %get3A_818 : vector<16xf32>
        %add3A_833 = arith.addf %mul3A_831, %mul3A_832 : vector<16xf32>
        %mul3A_834 = arith.mulf %get3A_824, %get3A_824 : vector<16xf32>
        %add3A_835 = arith.addf %add3A_833, %mul3A_834 : vector<16xf32>
        %mul3A_836 = arith.mulf %get3A_830, %get3A_830 : vector<16xf32>
        %add3A_837 = arith.addf %add3A_835, %mul3A_836 : vector<16xf32>
        %xor3A = arith.constant 8 : i32
        %xor3A_838 = vector.broadcast %xor3A : i32 to vector<16xi32>
        %xor3A_839 = arith.xori %iota3A, %xor3A_838 : vector<16xi32>
        %broadcast_in_dim3A_840 = vector.shape_cast %xor3A_839 : vector<16xi32> to vector<16x1xi32>
        %gather3A = vector.shape_cast %broadcast_in_dim3A_840 : vector<16x1xi32> to vector<16xi32>
        %gather3A_841 = tpu.dynamic_gather %add3A_837[%gather3A] in [0] : vector<16xf32>, vector<16xi32> -> vector<16xf32>
        %add3A_842 = arith.addf %add3A_837, %gather3A_841 : vector<16xf32>
        %xor3A_843 = arith.constant 4 : i32
        %xor3A_844 = vector.broadcast %xor3A_843 : i32 to vector<16xi32>
        %xor3A_845 = arith.xori %iota3A, %xor3A_844 : vector<16xi32>
        %broadcast_in_dim3A_846 = vector.shape_cast %xor3A_845 : vector<16xi32> to vector<16x1xi32>
        %gather3A_847 = vector.shape_cast %broadcast_in_dim3A_846 : vector<16x1xi32> to vector<16xi32>
        %gather3A_848 = tpu.dynamic_gather %add3A_842[%gather3A_847] in [0] : vector<16xf32>, vector<16xi32> -> vector<16xf32>
        %add3A_849 = arith.addf %add3A_842, %gather3A_848 : vector<16xf32>
        %xor3A_850 = arith.constant 2 : i32
        %xor3A_851 = vector.broadcast %xor3A_850 : i32 to vector<16xi32>
        %xor3A_852 = arith.xori %iota3A, %xor3A_851 : vector<16xi32>
        %broadcast_in_dim3A_853 = vector.shape_cast %xor3A_852 : vector<16xi32> to vector<16x1xi32>
        %gather3A_854 = vector.shape_cast %broadcast_in_dim3A_853 : vector<16x1xi32> to vector<16xi32>
        %gather3A_855 = tpu.dynamic_gather %add3A_849[%gather3A_854] in [0] : vector<16xf32>, vector<16xi32> -> vector<16xf32>
        %add3A_856 = arith.addf %add3A_849, %gather3A_855 : vector<16xf32>
        %xor3A_857 = arith.constant 1 : i32
        %xor3A_858 = vector.broadcast %xor3A_857 : i32 to vector<16xi32>
        %xor3A_859 = arith.xori %iota3A, %xor3A_858 : vector<16xi32>
        %broadcast_in_dim3A_860 = vector.shape_cast %xor3A_859 : vector<16xi32> to vector<16x1xi32>
        %gather3A_861 = vector.shape_cast %broadcast_in_dim3A_860 : vector<16x1xi32> to vector<16xi32>
        %gather3A_862 = tpu.dynamic_gather %add3A_856[%gather3A_861] in [0] : vector<16xf32>, vector<16xi32> -> vector<16xf32>
        %add3A_863 = arith.addf %add3A_856, %gather3A_862 : vector<16xf32>
        %broadcast_in_dim3A_864 = vector.broadcast %scan3A_801 : i32 to vector<16xi32>
        %gt3A = arith.cmpf ogt, %add3A_863, %scan3A_802 : vector<16xf32>
        %select_n3A_865 = arith.select %gt3A, %add3A_863, %scan3A_802 : vector<16xi1>, vector<16xf32>
        %select_n3A_866 = arith.select %gt3A, %broadcast_in_dim3A_864, %scan3A_803 : vector<16xi1>, vector<16xi32>
        %select_n3A_867 = arith.select %gt3A, %get3A_812, %scan3A_804 : vector<16xi1>, vector<16xf32>
        %select_n3A_868 = arith.select %gt3A, %get3A_818, %scan3A_805 : vector<16xi1>, vector<16xf32>
        %select_n3A_869 = arith.select %gt3A, %get3A_824, %scan3A_806 : vector<16xi1>, vector<16xf32>
        %select_n3A_870 = arith.select %gt3A, %get3A_830, %scan3A_807 : vector<16xi1>, vector<16xf32>
        scf.yield %select_n3A_865, %select_n3A_866, %select_n3A_867, %select_n3A_868, %select_n3A_869, %select_n3A_870 : vector<16xf32>, vector<16xi32>, vector<16xf32>, vector<16xf32>, vector<16xf32>, vector<16xf32>
      }
      %scan3A_238 = arith.constant 100 : i32
      %swap3A_239 = arith.constant 4 : i32
      %swap3A_240 = arith.index_cast %swap3A_239 : i32 to index
      %swap3A_241 = arith.constant 0 : index
      %swap3A_242 = tpu.vector_load %arg7[%swap3A_240, %swap3A_241] {strides = array<i32>} : memref<16x64xf32, #tpu.memory_space<vmem>>, vector<1x16xf32>,
      %swap3A_243 = vector.shape_cast %swap3A_242 : vector<1x16xf32> to vector<16xf32>
      %swap3A_244 = vector.shape_cast %scan3A_237#2 : vector<16xf32> to vector<1x16xf32>
      tpu.vector_store %arg7[%swap3A_240, %swap3A_241], %swap3A_244 {strides = array<i32>} : memref<16x64xf32, #tpu.memory_space<vmem>>, vector<1x16xf32>,
      %swap3A_245 = arith.constant 4 : i32
      %swap3A_246 = arith.index_cast %swap3A_245 : i32 to index
      %swap3A_247 = arith.constant 16 : index
      %swap3A_248 = tpu.vector_load %arg7[%swap3A_246, %swap3A_247] {strides = array<i32>} : memref<16x64xf32, #tpu.memory_space<vmem>>, vector<1x16xf32>,
      %swap3A_249 = vector.shape_cast %swap3A_248 : vector<1x16xf32> to vector<16xf32>
      %swap3A_250 = vector.shape_cast %scan3A_237#3 : vector<16xf32> to vector<1x16xf32>
      tpu.vector_store %arg7[%swap3A_246, %swap3A_247], %swap3A_250 {strides = array<i32>} : memref<16x64xf32, #tpu.memory_space<vmem>>, vector<1x16xf32>,
      %swap3A_251 = arith.constant 4 : i32
      %swap3A_252 = arith.index_cast %swap3A_251 : i32 to index
      %swap3A_253 = arith.constant 32 : index
      %swap3A_254 = tpu.vector_load %arg7[%swap3A_252, %swap3A_253] {strides = array<i32>} : memref<16x64xf32, #tpu.memory_space<vmem>>, vector<1x16xf32>,
      %swap3A_255 = vector.shape_cast %swap3A_254 : vector<1x16xf32> to vector<16xf32>
      %swap3A_256 = vector.shape_cast %scan3A_237#4 : vector<16xf32> to vector<1x16xf32>
      tpu.vector_store %arg7[%swap3A_252, %swap3A_253], %swap3A_256 {strides = array<i32>} : memref<16x64xf32, #tpu.memory_space<vmem>>, vector<1x16xf32>,
      %swap3A_257 = arith.constant 4 : i32
      %swap3A_258 = arith.index_cast %swap3A_257 : i32 to index
      %swap3A_259 = arith.constant 48 : index
      %swap3A_260 = tpu.vector_load %arg7[%swap3A_258, %swap3A_259] {strides = array<i32>} : memref<16x64xf32, #tpu.memory_space<vmem>>, vector<1x16xf32>,
      %swap3A_261 = vector.shape_cast %swap3A_260 : vector<1x16xf32> to vector<16xf32>
      %swap3A_262 = vector.shape_cast %scan3A_237#5 : vector<16xf32> to vector<1x16xf32>
      tpu.vector_store %arg7[%swap3A_258, %swap3A_259], %swap3A_262 {strides = array<i32>} : memref<16x64xf32, #tpu.memory_space<vmem>>, vector<1x16xf32>,
      %eq3A_263 = arith.constant 4 : i32
      %eq3A_264 = vector.broadcast %eq3A_263 : i32 to vector<16xi32>
      %eq3A_265 = arith.cmpi eq, %iota3A, %eq3A_264 : vector<16xi32>
      %select_n3A_266 = arith.select %eq3A_265, %scan3A_237#1, %select_n3A_220 : vector<16xi1>, vector<16xi32>
      %broadcast_in_dim3A_267 = arith.constant -1.000000e+00 : f32
      %broadcast_in_dim3A_268 = vector.broadcast %broadcast_in_dim3A_267 : f32 to vector<16xf32>
      %broadcast_in_dim3A_269 = arith.constant 0 : i32
      %broadcast_in_dim3A_270 = vector.broadcast %broadcast_in_dim3A_269 : i32 to vector<16xi32>
      %broadcast_in_dim3A_271 = arith.constant 0.000000e+00 : f32
      %broadcast_in_dim3A_272 = vector.broadcast %broadcast_in_dim3A_271 : f32 to vector<16xf32>
      %broadcast_in_dim3A_273 = arith.constant 0.000000e+00 : f32
      %broadcast_in_dim3A_274 = vector.broadcast %broadcast_in_dim3A_273 : f32 to vector<16xf32>
      %broadcast_in_dim3A_275 = arith.constant 0.000000e+00 : f32
      %broadcast_in_dim3A_276 = vector.broadcast %broadcast_in_dim3A_275 : f32 to vector<16xf32>
      %broadcast_in_dim3A_277 = arith.constant 0.000000e+00 : f32
      %broadcast_in_dim3A_278 = vector.broadcast %broadcast_in_dim3A_277 : f32 to vector<16xf32>
      %scan3A_279 = arith.constant 0 : i32
      %scan3A_280 = arith.constant 100 : i32
      %scan3A_281 = arith.addi %scan3A_279, %scan3A_280 : i32
      %scan3A_282 = arith.constant 1 : i32
      %scan3A_283:6 = scf.for %scan3A_801 = %scan3A_279 to %scan3A_281 step %scan3A_282 iter_args(%scan3A_802 = %broadcast_in_dim3A_268, %scan3A_803 = %broadcast_in_dim3A_270, %scan3A_804 = %broadcast_in_dim3A_272, %scan3A_805 = %broadcast_in_dim3A_274, %scan3A_806 = %broadcast_in_dim3A_276, %scan3A_807 = %broadcast_in_dim3A_278) -> (vector<16xf32>, vector<16xi32>, vector<16xf32>, vector<16xf32>, vector<16xf32>, vector<16xf32>)  : i32 {
        %get3A = arith.constant 5 : i32
        %get3A_808 = arith.index_cast %get3A : i32 to index
        %get3A_809 = arith.index_cast %scan3A_801 : i32 to index
        %get3A_810 = arith.constant 0 : index
        %get3A_811 = tpu.vector_load %arg5[%get3A_808, %get3A_809, %get3A_810] {strides = array<i32>} : memref<8x100x64xf32, #tpu.memory_space<vmem>>, vector<1x1x16xf32>,
        %get3A_812 = vector.shape_cast %get3A_811 : vector<1x1x16xf32> to vector<16xf32>
        %get3A_813 = arith.constant 5 : i32
        %get3A_814 = arith.index_cast %get3A_813 : i32 to index
        %get3A_815 = arith.index_cast %scan3A_801 : i32 to index
        %get3A_816 = arith.constant 16 : index
        %get3A_817 = tpu.vector_load %arg5[%get3A_814, %get3A_815, %get3A_816] {strides = array<i32>} : memref<8x100x64xf32, #tpu.memory_space<vmem>>, vector<1x1x16xf32>,
        %get3A_818 = vector.shape_cast %get3A_817 : vector<1x1x16xf32> to vector<16xf32>
        %get3A_819 = arith.constant 5 : i32
        %get3A_820 = arith.index_cast %get3A_819 : i32 to index
        %get3A_821 = arith.index_cast %scan3A_801 : i32 to index
        %get3A_822 = arith.constant 32 : index
        %get3A_823 = tpu.vector_load %arg5[%get3A_820, %get3A_821, %get3A_822] {strides = array<i32>} : memref<8x100x64xf32, #tpu.memory_space<vmem>>, vector<1x1x16xf32>,
        %get3A_824 = vector.shape_cast %get3A_823 : vector<1x1x16xf32> to vector<16xf32>
        %get3A_825 = arith.constant 5 : i32
        %get3A_826 = arith.index_cast %get3A_825 : i32 to index
        %get3A_827 = arith.index_cast %scan3A_801 : i32 to index
        %get3A_828 = arith.constant 48 : index
        %get3A_829 = tpu.vector_load %arg5[%get3A_826, %get3A_827, %get3A_828] {strides = array<i32>} : memref<8x100x64xf32, #tpu.memory_space<vmem>>, vector<1x1x16xf32>,
        %get3A_830 = vector.shape_cast %get3A_829 : vector<1x1x16xf32> to vector<16xf32>
        %mul3A_831 = arith.mulf %get3A_812, %get3A_812 : vector<16xf32>
        %mul3A_832 = arith.mulf %get3A_818, %get3A_818 : vector<16xf32>
        %add3A_833 = arith.addf %mul3A_831, %mul3A_832 : vector<16xf32>
        %mul3A_834 = arith.mulf %get3A_824, %get3A_824 : vector<16xf32>
        %add3A_835 = arith.addf %add3A_833, %mul3A_834 : vector<16xf32>
        %mul3A_836 = arith.mulf %get3A_830, %get3A_830 : vector<16xf32>
        %add3A_837 = arith.addf %add3A_835, %mul3A_836 : vector<16xf32>
        %xor3A = arith.constant 8 : i32
        %xor3A_838 = vector.broadcast %xor3A : i32 to vector<16xi32>
        %xor3A_839 = arith.xori %iota3A, %xor3A_838 : vector<16xi32>
        %broadcast_in_dim3A_840 = vector.shape_cast %xor3A_839 : vector<16xi32> to vector<16x1xi32>
        %gather3A = vector.shape_cast %broadcast_in_dim3A_840 : vector<16x1xi32> to vector<16xi32>
        %gather3A_841 = tpu.dynamic_gather %add3A_837[%gather3A] in [0] : vector<16xf32>, vector<16xi32> -> vector<16xf32>
        %add3A_842 = arith.addf %add3A_837, %gather3A_841 : vector<16xf32>
        %xor3A_843 = arith.constant 4 : i32
        %xor3A_844 = vector.broadcast %xor3A_843 : i32 to vector<16xi32>
        %xor3A_845 = arith.xori %iota3A, %xor3A_844 : vector<16xi32>
        %broadcast_in_dim3A_846 = vector.shape_cast %xor3A_845 : vector<16xi32> to vector<16x1xi32>
        %gather3A_847 = vector.shape_cast %broadcast_in_dim3A_846 : vector<16x1xi32> to vector<16xi32>
        %gather3A_848 = tpu.dynamic_gather %add3A_842[%gather3A_847] in [0] : vector<16xf32>, vector<16xi32> -> vector<16xf32>
        %add3A_849 = arith.addf %add3A_842, %gather3A_848 : vector<16xf32>
        %xor3A_850 = arith.constant 2 : i32
        %xor3A_851 = vector.broadcast %xor3A_850 : i32 to vector<16xi32>
        %xor3A_852 = arith.xori %iota3A, %xor3A_851 : vector<16xi32>
        %broadcast_in_dim3A_853 = vector.shape_cast %xor3A_852 : vector<16xi32> to vector<16x1xi32>
        %gather3A_854 = vector.shape_cast %broadcast_in_dim3A_853 : vector<16x1xi32> to vector<16xi32>
        %gather3A_855 = tpu.dynamic_gather %add3A_849[%gather3A_854] in [0] : vector<16xf32>, vector<16xi32> -> vector<16xf32>
        %add3A_856 = arith.addf %add3A_849, %gather3A_855 : vector<16xf32>
        %xor3A_857 = arith.constant 1 : i32
        %xor3A_858 = vector.broadcast %xor3A_857 : i32 to vector<16xi32>
        %xor3A_859 = arith.xori %iota3A, %xor3A_858 : vector<16xi32>
        %broadcast_in_dim3A_860 = vector.shape_cast %xor3A_859 : vector<16xi32> to vector<16x1xi32>
        %gather3A_861 = vector.shape_cast %broadcast_in_dim3A_860 : vector<16x1xi32> to vector<16xi32>
        %gather3A_862 = tpu.dynamic_gather %add3A_856[%gather3A_861] in [0] : vector<16xf32>, vector<16xi32> -> vector<16xf32>
        %add3A_863 = arith.addf %add3A_856, %gather3A_862 : vector<16xf32>
        %broadcast_in_dim3A_864 = vector.broadcast %scan3A_801 : i32 to vector<16xi32>
        %gt3A = arith.cmpf ogt, %add3A_863, %scan3A_802 : vector<16xf32>
        %select_n3A_865 = arith.select %gt3A, %add3A_863, %scan3A_802 : vector<16xi1>, vector<16xf32>
        %select_n3A_866 = arith.select %gt3A, %broadcast_in_dim3A_864, %scan3A_803 : vector<16xi1>, vector<16xi32>
        %select_n3A_867 = arith.select %gt3A, %get3A_812, %scan3A_804 : vector<16xi1>, vector<16xf32>
        %select_n3A_868 = arith.select %gt3A, %get3A_818, %scan3A_805 : vector<16xi1>, vector<16xf32>
        %select_n3A_869 = arith.select %gt3A, %get3A_824, %scan3A_806 : vector<16xi1>, vector<16xf32>
        %select_n3A_870 = arith.select %gt3A, %get3A_830, %scan3A_807 : vector<16xi1>, vector<16xf32>
        scf.yield %select_n3A_865, %select_n3A_866, %select_n3A_867, %select_n3A_868, %select_n3A_869, %select_n3A_870 : vector<16xf32>, vector<16xi32>, vector<16xf32>, vector<16xf32>, vector<16xf32>, vector<16xf32>
      }
      %scan3A_284 = arith.constant 100 : i32
      %swap3A_285 = arith.constant 5 : i32
      %swap3A_286 = arith.index_cast %swap3A_285 : i32 to index
      %swap3A_287 = arith.constant 0 : index
      %swap3A_288 = tpu.vector_load %arg7[%swap3A_286, %swap3A_287] {strides = array<i32>} : memref<16x64xf32, #tpu.memory_space<vmem>>, vector<1x16xf32>,
      %swap3A_289 = vector.shape_cast %swap3A_288 : vector<1x16xf32> to vector<16xf32>
      %swap3A_290 = vector.shape_cast %scan3A_283#2 : vector<16xf32> to vector<1x16xf32>
      tpu.vector_store %arg7[%swap3A_286, %swap3A_287], %swap3A_290 {strides = array<i32>} : memref<16x64xf32, #tpu.memory_space<vmem>>, vector<1x16xf32>,
      %swap3A_291 = arith.constant 5 : i32
      %swap3A_292 = arith.index_cast %swap3A_291 : i32 to index
      %swap3A_293 = arith.constant 16 : index
      %swap3A_294 = tpu.vector_load %arg7[%swap3A_292, %swap3A_293] {strides = array<i32>} : memref<16x64xf32, #tpu.memory_space<vmem>>, vector<1x16xf32>,
      %swap3A_295 = vector.shape_cast %swap3A_294 : vector<1x16xf32> to vector<16xf32>
      %swap3A_296 = vector.shape_cast %scan3A_283#3 : vector<16xf32> to vector<1x16xf32>
      tpu.vector_store %arg7[%swap3A_292, %swap3A_293], %swap3A_296 {strides = array<i32>} : memref<16x64xf32, #tpu.memory_space<vmem>>, vector<1x16xf32>,
      %swap3A_297 = arith.constant 5 : i32
      %swap3A_298 = arith.index_cast %swap3A_297 : i32 to index
      %swap3A_299 = arith.constant 32 : index
      %swap3A_300 = tpu.vector_load %arg7[%swap3A_298, %swap3A_299] {strides = array<i32>} : memref<16x64xf32, #tpu.memory_space<vmem>>, vector<1x16xf32>,
      %swap3A_301 = vector.shape_cast %swap3A_300 : vector<1x16xf32> to vector<16xf32>
      %swap3A_302 = vector.shape_cast %scan3A_283#4 : vector<16xf32> to vector<1x16xf32>
      tpu.vector_store %arg7[%swap3A_298, %swap3A_299], %swap3A_302 {strides = array<i32>} : memref<16x64xf32, #tpu.memory_space<vmem>>, vector<1x16xf32>,
      %swap3A_303 = arith.constant 5 : i32
      %swap3A_304 = arith.index_cast %swap3A_303 : i32 to index
      %swap3A_305 = arith.constant 48 : index
      %swap3A_306 = tpu.vector_load %arg7[%swap3A_304, %swap3A_305] {strides = array<i32>} : memref<16x64xf32, #tpu.memory_space<vmem>>, vector<1x16xf32>,
      %swap3A_307 = vector.shape_cast %swap3A_306 : vector<1x16xf32> to vector<16xf32>
      %swap3A_308 = vector.shape_cast %scan3A_283#5 : vector<16xf32> to vector<1x16xf32>
      tpu.vector_store %arg7[%swap3A_304, %swap3A_305], %swap3A_308 {strides = array<i32>} : memref<16x64xf32, #tpu.memory_space<vmem>>, vector<1x16xf32>,
      %eq3A_309 = arith.constant 5 : i32
      %eq3A_310 = vector.broadcast %eq3A_309 : i32 to vector<16xi32>
      %eq3A_311 = arith.cmpi eq, %iota3A, %eq3A_310 : vector<16xi32>
      %select_n3A_312 = arith.select %eq3A_311, %scan3A_283#1, %select_n3A_266 : vector<16xi1>, vector<16xi32>
      %broadcast_in_dim3A_313 = arith.constant -1.000000e+00 : f32
      %broadcast_in_dim3A_314 = vector.broadcast %broadcast_in_dim3A_313 : f32 to vector<16xf32>
      %broadcast_in_dim3A_315 = arith.constant 0 : i32
      %broadcast_in_dim3A_316 = vector.broadcast %broadcast_in_dim3A_315 : i32 to vector<16xi32>
      %broadcast_in_dim3A_317 = arith.constant 0.000000e+00 : f32
      %broadcast_in_dim3A_318 = vector.broadcast %broadcast_in_dim3A_317 : f32 to vector<16xf32>
      %broadcast_in_dim3A_319 = arith.constant 0.000000e+00 : f32
      %broadcast_in_dim3A_320 = vector.broadcast %broadcast_in_dim3A_319 : f32 to vector<16xf32>
      %broadcast_in_dim3A_321 = arith.constant 0.000000e+00 : f32
      %broadcast_in_dim3A_322 = vector.broadcast %broadcast_in_dim3A_321 : f32 to vector<16xf32>
      %broadcast_in_dim3A_323 = arith.constant 0.000000e+00 : f32
      %broadcast_in_dim3A_324 = vector.broadcast %broadcast_in_dim3A_323 : f32 to vector<16xf32>
      %scan3A_325 = arith.constant 0 : i32
      %scan3A_326 = arith.constant 100 : i32
      %scan3A_327 = arith.addi %scan3A_325, %scan3A_326 : i32
      %scan3A_328 = arith.constant 1 : i32
      %scan3A_329:6 = scf.for %scan3A_801 = %scan3A_325 to %scan3A_327 step %scan3A_328 iter_args(%scan3A_802 = %broadcast_in_dim3A_314, %scan3A_803 = %broadcast_in_dim3A_316, %scan3A_804 = %broadcast_in_dim3A_318, %scan3A_805 = %broadcast_in_dim3A_320, %scan3A_806 = %broadcast_in_dim3A_322, %scan3A_807 = %broadcast_in_dim3A_324) -> (vector<16xf32>, vector<16xi32>, vector<16xf32>, vector<16xf32>, vector<16xf32>, vector<16xf32>)  : i32 {
        %get3A = arith.constant 6 : i32
        %get3A_808 = arith.index_cast %get3A : i32 to index
        %get3A_809 = arith.index_cast %scan3A_801 : i32 to index
        %get3A_810 = arith.constant 0 : index
        %get3A_811 = tpu.vector_load %arg5[%get3A_808, %get3A_809, %get3A_810] {strides = array<i32>} : memref<8x100x64xf32, #tpu.memory_space<vmem>>, vector<1x1x16xf32>,
        %get3A_812 = vector.shape_cast %get3A_811 : vector<1x1x16xf32> to vector<16xf32>
        %get3A_813 = arith.constant 6 : i32
        %get3A_814 = arith.index_cast %get3A_813 : i32 to index
        %get3A_815 = arith.index_cast %scan3A_801 : i32 to index
        %get3A_816 = arith.constant 16 : index
        %get3A_817 = tpu.vector_load %arg5[%get3A_814, %get3A_815, %get3A_816] {strides = array<i32>} : memref<8x100x64xf32, #tpu.memory_space<vmem>>, vector<1x1x16xf32>,
        %get3A_818 = vector.shape_cast %get3A_817 : vector<1x1x16xf32> to vector<16xf32>
        %get3A_819 = arith.constant 6 : i32
        %get3A_820 = arith.index_cast %get3A_819 : i32 to index
        %get3A_821 = arith.index_cast %scan3A_801 : i32 to index
        %get3A_822 = arith.constant 32 : index
        %get3A_823 = tpu.vector_load %arg5[%get3A_820, %get3A_821, %get3A_822] {strides = array<i32>} : memref<8x100x64xf32, #tpu.memory_space<vmem>>, vector<1x1x16xf32>,
        %get3A_824 = vector.shape_cast %get3A_823 : vector<1x1x16xf32> to vector<16xf32>
        %get3A_825 = arith.constant 6 : i32
        %get3A_826 = arith.index_cast %get3A_825 : i32 to index
        %get3A_827 = arith.index_cast %scan3A_801 : i32 to index
        %get3A_828 = arith.constant 48 : index
        %get3A_829 = tpu.vector_load %arg5[%get3A_826, %get3A_827, %get3A_828] {strides = array<i32>} : memref<8x100x64xf32, #tpu.memory_space<vmem>>, vector<1x1x16xf32>,
        %get3A_830 = vector.shape_cast %get3A_829 : vector<1x1x16xf32> to vector<16xf32>
        %mul3A_831 = arith.mulf %get3A_812, %get3A_812 : vector<16xf32>
        %mul3A_832 = arith.mulf %get3A_818, %get3A_818 : vector<16xf32>
        %add3A_833 = arith.addf %mul3A_831, %mul3A_832 : vector<16xf32>
        %mul3A_834 = arith.mulf %get3A_824, %get3A_824 : vector<16xf32>
        %add3A_835 = arith.addf %add3A_833, %mul3A_834 : vector<16xf32>
        %mul3A_836 = arith.mulf %get3A_830, %get3A_830 : vector<16xf32>
        %add3A_837 = arith.addf %add3A_835, %mul3A_836 : vector<16xf32>
        %xor3A = arith.constant 8 : i32
        %xor3A_838 = vector.broadcast %xor3A : i32 to vector<16xi32>
        %xor3A_839 = arith.xori %iota3A, %xor3A_838 : vector<16xi32>
        %broadcast_in_dim3A_840 = vector.shape_cast %xor3A_839 : vector<16xi32> to vector<16x1xi32>
        %gather3A = vector.shape_cast %broadcast_in_dim3A_840 : vector<16x1xi32> to vector<16xi32>
        %gather3A_841 = tpu.dynamic_gather %add3A_837[%gather3A] in [0] : vector<16xf32>, vector<16xi32> -> vector<16xf32>
        %add3A_842 = arith.addf %add3A_837, %gather3A_841 : vector<16xf32>
        %xor3A_843 = arith.constant 4 : i32
        %xor3A_844 = vector.broadcast %xor3A_843 : i32 to vector<16xi32>
        %xor3A_845 = arith.xori %iota3A, %xor3A_844 : vector<16xi32>
        %broadcast_in_dim3A_846 = vector.shape_cast %xor3A_845 : vector<16xi32> to vector<16x1xi32>
        %gather3A_847 = vector.shape_cast %broadcast_in_dim3A_846 : vector<16x1xi32> to vector<16xi32>
        %gather3A_848 = tpu.dynamic_gather %add3A_842[%gather3A_847] in [0] : vector<16xf32>, vector<16xi32> -> vector<16xf32>
        %add3A_849 = arith.addf %add3A_842, %gather3A_848 : vector<16xf32>
        %xor3A_850 = arith.constant 2 : i32
        %xor3A_851 = vector.broadcast %xor3A_850 : i32 to vector<16xi32>
        %xor3A_852 = arith.xori %iota3A, %xor3A_851 : vector<16xi32>
        %broadcast_in_dim3A_853 = vector.shape_cast %xor3A_852 : vector<16xi32> to vector<16x1xi32>
        %gather3A_854 = vector.shape_cast %broadcast_in_dim3A_853 : vector<16x1xi32> to vector<16xi32>
        %gather3A_855 = tpu.dynamic_gather %add3A_849[%gather3A_854] in [0] : vector<16xf32>, vector<16xi32> -> vector<16xf32>
        %add3A_856 = arith.addf %add3A_849, %gather3A_855 : vector<16xf32>
        %xor3A_857 = arith.constant 1 : i32
        %xor3A_858 = vector.broadcast %xor3A_857 : i32 to vector<16xi32>
        %xor3A_859 = arith.xori %iota3A, %xor3A_858 : vector<16xi32>
        %broadcast_in_dim3A_860 = vector.shape_cast %xor3A_859 : vector<16xi32> to vector<16x1xi32>
        %gather3A_861 = vector.shape_cast %broadcast_in_dim3A_860 : vector<16x1xi32> to vector<16xi32>
        %gather3A_862 = tpu.dynamic_gather %add3A_856[%gather3A_861] in [0] : vector<16xf32>, vector<16xi32> -> vector<16xf32>
        %add3A_863 = arith.addf %add3A_856, %gather3A_862 : vector<16xf32>
        %broadcast_in_dim3A_864 = vector.broadcast %scan3A_801 : i32 to vector<16xi32>
        %gt3A = arith.cmpf ogt, %add3A_863, %scan3A_802 : vector<16xf32>
        %select_n3A_865 = arith.select %gt3A, %add3A_863, %scan3A_802 : vector<16xi1>, vector<16xf32>
        %select_n3A_866 = arith.select %gt3A, %broadcast_in_dim3A_864, %scan3A_803 : vector<16xi1>, vector<16xi32>
        %select_n3A_867 = arith.select %gt3A, %get3A_812, %scan3A_804 : vector<16xi1>, vector<16xf32>
        %select_n3A_868 = arith.select %gt3A, %get3A_818, %scan3A_805 : vector<16xi1>, vector<16xf32>
        %select_n3A_869 = arith.select %gt3A, %get3A_824, %scan3A_806 : vector<16xi1>, vector<16xf32>
        %select_n3A_870 = arith.select %gt3A, %get3A_830, %scan3A_807 : vector<16xi1>, vector<16xf32>
        scf.yield %select_n3A_865, %select_n3A_866, %select_n3A_867, %select_n3A_868, %select_n3A_869, %select_n3A_870 : vector<16xf32>, vector<16xi32>, vector<16xf32>, vector<16xf32>, vector<16xf32>, vector<16xf32>
      }
      %scan3A_330 = arith.constant 100 : i32
      %swap3A_331 = arith.constant 6 : i32
      %swap3A_332 = arith.index_cast %swap3A_331 : i32 to index
      %swap3A_333 = arith.constant 0 : index
      %swap3A_334 = tpu.vector_load %arg7[%swap3A_332, %swap3A_333] {strides = array<i32>} : memref<16x64xf32, #tpu.memory_space<vmem>>, vector<1x16xf32>,
      %swap3A_335 = vector.shape_cast %swap3A_334 : vector<1x16xf32> to vector<16xf32>
      %swap3A_336 = vector.shape_cast %scan3A_329#2 : vector<16xf32> to vector<1x16xf32>
      tpu.vector_store %arg7[%swap3A_332, %swap3A_333], %swap3A_336 {strides = array<i32>} : memref<16x64xf32, #tpu.memory_space<vmem>>, vector<1x16xf32>,
      %swap3A_337 = arith.constant 6 : i32
      %swap3A_338 = arith.index_cast %swap3A_337 : i32 to index
      %swap3A_339 = arith.constant 16 : index
      %swap3A_340 = tpu.vector_load %arg7[%swap3A_338, %swap3A_339] {strides = array<i32>} : memref<16x64xf32, #tpu.memory_space<vmem>>, vector<1x16xf32>,
      %swap3A_341 = vector.shape_cast %swap3A_340 : vector<1x16xf32> to vector<16xf32>
      %swap3A_342 = vector.shape_cast %scan3A_329#3 : vector<16xf32> to vector<1x16xf32>
      tpu.vector_store %arg7[%swap3A_338, %swap3A_339], %swap3A_342 {strides = array<i32>} : memref<16x64xf32, #tpu.memory_space<vmem>>, vector<1x16xf32>,
      %swap3A_343 = arith.constant 6 : i32
      %swap3A_344 = arith.index_cast %swap3A_343 : i32 to index
      %swap3A_345 = arith.constant 32 : index
      %swap3A_346 = tpu.vector_load %arg7[%swap3A_344, %swap3A_345] {strides = array<i32>} : memref<16x64xf32, #tpu.memory_space<vmem>>, vector<1x16xf32>,
      %swap3A_347 = vector.shape_cast %swap3A_346 : vector<1x16xf32> to vector<16xf32>
      %swap3A_348 = vector.shape_cast %scan3A_329#4 : vector<16xf32> to vector<1x16xf32>
      tpu.vector_store %arg7[%swap3A_344, %swap3A_345], %swap3A_348 {strides = array<i32>} : memref<16x64xf32, #tpu.memory_space<vmem>>, vector<1x16xf32>,
      %swap3A_349 = arith.constant 6 : i32
      %swap3A_350 = arith.index_cast %swap3A_349 : i32 to index
      %swap3A_351 = arith.constant 48 : index
      %swap3A_352 = tpu.vector_load %arg7[%swap3A_350, %swap3A_351] {strides = array<i32>} : memref<16x64xf32, #tpu.memory_space<vmem>>, vector<1x16xf32>,
      %swap3A_353 = vector.shape_cast %swap3A_352 : vector<1x16xf32> to vector<16xf32>
      %swap3A_354 = vector.shape_cast %scan3A_329#5 : vector<16xf32> to vector<1x16xf32>
      tpu.vector_store %arg7[%swap3A_350, %swap3A_351], %swap3A_354 {strides = array<i32>} : memref<16x64xf32, #tpu.memory_space<vmem>>, vector<1x16xf32>,
      %eq3A_355 = arith.constant 6 : i32
      %eq3A_356 = vector.broadcast %eq3A_355 : i32 to vector<16xi32>
      %eq3A_357 = arith.cmpi eq, %iota3A, %eq3A_356 : vector<16xi32>
      %select_n3A_358 = arith.select %eq3A_357, %scan3A_329#1, %select_n3A_312 : vector<16xi1>, vector<16xi32>
      %broadcast_in_dim3A_359 = arith.constant -1.000000e+00 : f32
      %broadcast_in_dim3A_360 = vector.broadcast %broadcast_in_dim3A_359 : f32 to vector<16xf32>
      %broadcast_in_dim3A_361 = arith.constant 0 : i32
      %broadcast_in_dim3A_362 = vector.broadcast %broadcast_in_dim3A_361 : i32 to vector<16xi32>
      %broadcast_in_dim3A_363 = arith.constant 0.000000e+00 : f32
      %broadcast_in_dim3A_364 = vector.broadcast %broadcast_in_dim3A_363 : f32 to vector<16xf32>
      %broadcast_in_dim3A_365 = arith.constant 0.000000e+00 : f32
      %broadcast_in_dim3A_366 = vector.broadcast %broadcast_in_dim3A_365 : f32 to vector<16xf32>
      %broadcast_in_dim3A_367 = arith.constant 0.000000e+00 : f32
      %broadcast_in_dim3A_368 = vector.broadcast %broadcast_in_dim3A_367 : f32 to vector<16xf32>
      %broadcast_in_dim3A_369 = arith.constant 0.000000e+00 : f32
      %broadcast_in_dim3A_370 = vector.broadcast %broadcast_in_dim3A_369 : f32 to vector<16xf32>
      %scan3A_371 = arith.constant 0 : i32
      %scan3A_372 = arith.constant 100 : i32
      %scan3A_373 = arith.addi %scan3A_371, %scan3A_372 : i32
      %scan3A_374 = arith.constant 1 : i32
      %scan3A_375:6 = scf.for %scan3A_801 = %scan3A_371 to %scan3A_373 step %scan3A_374 iter_args(%scan3A_802 = %broadcast_in_dim3A_360, %scan3A_803 = %broadcast_in_dim3A_362, %scan3A_804 = %broadcast_in_dim3A_364, %scan3A_805 = %broadcast_in_dim3A_366, %scan3A_806 = %broadcast_in_dim3A_368, %scan3A_807 = %broadcast_in_dim3A_370) -> (vector<16xf32>, vector<16xi32>, vector<16xf32>, vector<16xf32>, vector<16xf32>, vector<16xf32>)  : i32 {
        %get3A = arith.constant 7 : i32
        %get3A_808 = arith.index_cast %get3A : i32 to index
        %get3A_809 = arith.index_cast %scan3A_801 : i32 to index
        %get3A_810 = arith.constant 0 : index
        %get3A_811 = tpu.vector_load %arg5[%get3A_808, %get3A_809, %get3A_810] {strides = array<i32>} : memref<8x100x64xf32, #tpu.memory_space<vmem>>, vector<1x1x16xf32>,
        %get3A_812 = vector.shape_cast %get3A_811 : vector<1x1x16xf32> to vector<16xf32>
        %get3A_813 = arith.constant 7 : i32
        %get3A_814 = arith.index_cast %get3A_813 : i32 to index
        %get3A_815 = arith.index_cast %scan3A_801 : i32 to index
        %get3A_816 = arith.constant 16 : index
        %get3A_817 = tpu.vector_load %arg5[%get3A_814, %get3A_815, %get3A_816] {strides = array<i32>} : memref<8x100x64xf32, #tpu.memory_space<vmem>>, vector<1x1x16xf32>,
        %get3A_818 = vector.shape_cast %get3A_817 : vector<1x1x16xf32> to vector<16xf32>
        %get3A_819 = arith.constant 7 : i32
        %get3A_820 = arith.index_cast %get3A_819 : i32 to index
        %get3A_821 = arith.index_cast %scan3A_801 : i32 to index
        %get3A_822 = arith.constant 32 : index
        %get3A_823 = tpu.vector_load %arg5[%get3A_820, %get3A_821, %get3A_822] {strides = array<i32>} : memref<8x100x64xf32, #tpu.memory_space<vmem>>, vector<1x1x16xf32>,
        %get3A_824 = vector.shape_cast %get3A_823 : vector<1x1x16xf32> to vector<16xf32>
        %get3A_825 = arith.constant 7 : i32
        %get3A_826 = arith.index_cast %get3A_825 : i32 to index
        %get3A_827 = arith.index_cast %scan3A_801 : i32 to index
        %get3A_828 = arith.constant 48 : index
        %get3A_829 = tpu.vector_load %arg5[%get3A_826, %get3A_827, %get3A_828] {strides = array<i32>} : memref<8x100x64xf32, #tpu.memory_space<vmem>>, vector<1x1x16xf32>,
        %get3A_830 = vector.shape_cast %get3A_829 : vector<1x1x16xf32> to vector<16xf32>
        %mul3A_831 = arith.mulf %get3A_812, %get3A_812 : vector<16xf32>
        %mul3A_832 = arith.mulf %get3A_818, %get3A_818 : vector<16xf32>
        %add3A_833 = arith.addf %mul3A_831, %mul3A_832 : vector<16xf32>
        %mul3A_834 = arith.mulf %get3A_824, %get3A_824 : vector<16xf32>
        %add3A_835 = arith.addf %add3A_833, %mul3A_834 : vector<16xf32>
        %mul3A_836 = arith.mulf %get3A_830, %get3A_830 : vector<16xf32>
        %add3A_837 = arith.addf %add3A_835, %mul3A_836 : vector<16xf32>
        %xor3A = arith.constant 8 : i32
        %xor3A_838 = vector.broadcast %xor3A : i32 to vector<16xi32>
        %xor3A_839 = arith.xori %iota3A, %xor3A_838 : vector<16xi32>
        %broadcast_in_dim3A_840 = vector.shape_cast %xor3A_839 : vector<16xi32> to vector<16x1xi32>
        %gather3A = vector.shape_cast %broadcast_in_dim3A_840 : vector<16x1xi32> to vector<16xi32>
        %gather3A_841 = tpu.dynamic_gather %add3A_837[%gather3A] in [0] : vector<16xf32>, vector<16xi32> -> vector<16xf32>
        %add3A_842 = arith.addf %add3A_837, %gather3A_841 : vector<16xf32>
        %xor3A_843 = arith.constant 4 : i32
        %xor3A_844 = vector.broadcast %xor3A_843 : i32 to vector<16xi32>
        %xor3A_845 = arith.xori %iota3A, %xor3A_844 : vector<16xi32>
        %broadcast_in_dim3A_846 = vector.shape_cast %xor3A_845 : vector<16xi32> to vector<16x1xi32>
        %gather3A_847 = vector.shape_cast %broadcast_in_dim3A_846 : vector<16x1xi32> to vector<16xi32>
        %gather3A_848 = tpu.dynamic_gather %add3A_842[%gather3A_847] in [0] : vector<16xf32>, vector<16xi32> -> vector<16xf32>
        %add3A_849 = arith.addf %add3A_842, %gather3A_848 : vector<16xf32>
        %xor3A_850 = arith.constant 2 : i32
        %xor3A_851 = vector.broadcast %xor3A_850 : i32 to vector<16xi32>
        %xor3A_852 = arith.xori %iota3A, %xor3A_851 : vector<16xi32>
        %broadcast_in_dim3A_853 = vector.shape_cast %xor3A_852 : vector<16xi32> to vector<16x1xi32>
        %gather3A_854 = vector.shape_cast %broadcast_in_dim3A_853 : vector<16x1xi32> to vector<16xi32>
        %gather3A_855 = tpu.dynamic_gather %add3A_849[%gather3A_854] in [0] : vector<16xf32>, vector<16xi32> -> vector<16xf32>
        %add3A_856 = arith.addf %add3A_849, %gather3A_855 : vector<16xf32>
        %xor3A_857 = arith.constant 1 : i32
        %xor3A_858 = vector.broadcast %xor3A_857 : i32 to vector<16xi32>
        %xor3A_859 = arith.xori %iota3A, %xor3A_858 : vector<16xi32>
        %broadcast_in_dim3A_860 = vector.shape_cast %xor3A_859 : vector<16xi32> to vector<16x1xi32>
        %gather3A_861 = vector.shape_cast %broadcast_in_dim3A_860 : vector<16x1xi32> to vector<16xi32>
        %gather3A_862 = tpu.dynamic_gather %add3A_856[%gather3A_861] in [0] : vector<16xf32>, vector<16xi32> -> vector<16xf32>
        %add3A_863 = arith.addf %add3A_856, %gather3A_862 : vector<16xf32>
        %broadcast_in_dim3A_864 = vector.broadcast %scan3A_801 : i32 to vector<16xi32>
        %gt3A = arith.cmpf ogt, %add3A_863, %scan3A_802 : vector<16xf32>
        %select_n3A_865 = arith.select %gt3A, %add3A_863, %scan3A_802 : vector<16xi1>, vector<16xf32>
        %select_n3A_866 = arith.select %gt3A, %broadcast_in_dim3A_864, %scan3A_803 : vector<16xi1>, vector<16xi32>
        %select_n3A_867 = arith.select %gt3A, %get3A_812, %scan3A_804 : vector<16xi1>, vector<16xf32>
        %select_n3A_868 = arith.select %gt3A, %get3A_818, %scan3A_805 : vector<16xi1>, vector<16xf32>
        %select_n3A_869 = arith.select %gt3A, %get3A_824, %scan3A_806 : vector<16xi1>, vector<16xf32>
        %select_n3A_870 = arith.select %gt3A, %get3A_830, %scan3A_807 : vector<16xi1>, vector<16xf32>
        scf.yield %select_n3A_865, %select_n3A_866, %select_n3A_867, %select_n3A_868, %select_n3A_869, %select_n3A_870 : vector<16xf32>, vector<16xi32>, vector<16xf32>, vector<16xf32>, vector<16xf32>, vector<16xf32>
      }
      %scan3A_376 = arith.constant 100 : i32
      %swap3A_377 = arith.constant 7 : i32
      %swap3A_378 = arith.index_cast %swap3A_377 : i32 to index
      %swap3A_379 = arith.constant 0 : index
      %swap3A_380 = tpu.vector_load %arg7[%swap3A_378, %swap3A_379] {strides = array<i32>} : memref<16x64xf32, #tpu.memory_space<vmem>>, vector<1x16xf32>,
      %swap3A_381 = vector.shape_cast %swap3A_380 : vector<1x16xf32> to vector<16xf32>
      %swap3A_382 = vector.shape_cast %scan3A_375#2 : vector<16xf32> to vector<1x16xf32>
      tpu.vector_store %arg7[%swap3A_378, %swap3A_379], %swap3A_382 {strides = array<i32>} : memref<16x64xf32, #tpu.memory_space<vmem>>, vector<1x16xf32>,
      %swap3A_383 = arith.constant 7 : i32
      %swap3A_384 = arith.index_cast %swap3A_383 : i32 to index
      %swap3A_385 = arith.constant 16 : index
      %swap3A_386 = tpu.vector_load %arg7[%swap3A_384, %swap3A_385] {strides = array<i32>} : memref<16x64xf32, #tpu.memory_space<vmem>>, vector<1x16xf32>,
      %swap3A_387 = vector.shape_cast %swap3A_386 : vector<1x16xf32> to vector<16xf32>
      %swap3A_388 = vector.shape_cast %scan3A_375#3 : vector<16xf32> to vector<1x16xf32>
      tpu.vector_store %arg7[%swap3A_384, %swap3A_385], %swap3A_388 {strides = array<i32>} : memref<16x64xf32, #tpu.memory_space<vmem>>, vector<1x16xf32>,
      %swap3A_389 = arith.constant 7 : i32
      %swap3A_390 = arith.index_cast %swap3A_389 : i32 to index
      %swap3A_391 = arith.constant 32 : index
      %swap3A_392 = tpu.vector_load %arg7[%swap3A_390, %swap3A_391] {strides = array<i32>} : memref<16x64xf32, #tpu.memory_space<vmem>>, vector<1x16xf32>,
      %swap3A_393 = vector.shape_cast %swap3A_392 : vector<1x16xf32> to vector<16xf32>
      %swap3A_394 = vector.shape_cast %scan3A_375#4 : vector<16xf32> to vector<1x16xf32>
      tpu.vector_store %arg7[%swap3A_390, %swap3A_391], %swap3A_394 {strides = array<i32>} : memref<16x64xf32, #tpu.memory_space<vmem>>, vector<1x16xf32>,
      %swap3A_395 = arith.constant 7 : i32
      %swap3A_396 = arith.index_cast %swap3A_395 : i32 to index
      %swap3A_397 = arith.constant 48 : index
      %swap3A_398 = tpu.vector_load %arg7[%swap3A_396, %swap3A_397] {strides = array<i32>} : memref<16x64xf32, #tpu.memory_space<vmem>>, vector<1x16xf32>,
      %swap3A_399 = vector.shape_cast %swap3A_398 : vector<1x16xf32> to vector<16xf32>
      %swap3A_400 = vector.shape_cast %scan3A_375#5 : vector<16xf32> to vector<1x16xf32>
      tpu.vector_store %arg7[%swap3A_396, %swap3A_397], %swap3A_400 {strides = array<i32>} : memref<16x64xf32, #tpu.memory_space<vmem>>, vector<1x16xf32>,
      %eq3A_401 = arith.constant 7 : i32
      %eq3A_402 = vector.broadcast %eq3A_401 : i32 to vector<16xi32>
      %eq3A_403 = arith.cmpi eq, %iota3A, %eq3A_402 : vector<16xi32>
      %select_n3A_404 = arith.select %eq3A_403, %scan3A_375#1, %select_n3A_358 : vector<16xi1>, vector<16xi32>
      %add3A_405 = arith.constant 1 : i32
      %add3A_406 = arith.addi %mul3A_19, %add3A_405 : i32
      %mul3A_407 = arith.constant 8 : i32
      %mul3A_408 = arith.muli %add3A_406, %mul3A_407 : i32
      %add3A_409 = arith.addi %mul3A_2, %mul3A_408 : i32
      %dma_wait3A_410 = arith.constant 0 : i32
      %dma_wait3A_411 = arith.constant 0 : i32
      %dma_wait3A_412 = tpu.memref_slice %arg2[%add3A_409, %dma_wait3A_410, %dma_wait3A_411] : memref<16384x100x64xf32, #tpu.memory_space<hbm>> -> memref<8x100x64xf32, #tpu.memory_space<hbm>>
      %dma_wait3A_413 = arith.constant 0 : i32
      %dma_wait3A_414 = arith.constant 0 : i32
      %dma_wait3A_415 = tpu.memref_slice %arg2[%add3A_409, %dma_wait3A_413, %dma_wait3A_414] : memref<16384x100x64xf32, #tpu.memory_space<hbm>> -> memref<8x100x64xf32, #tpu.memory_space<hbm>>
      tpu.wait_dma2 semaphore(%arg10 : memref<!tpu.dma_semaphore, #tpu.memory_space<semaphore_mem>>) src(%dma_wait3A_415 : memref<8x100x64xf32, #tpu.memory_space<hbm>>) dst(%arg6 : memref<8x100x64xf32, #tpu.memory_space<vmem>>)
      %add3A_416 = arith.constant 1 : i32
      %add3A_417 = arith.addi %scan3A_16, %add3A_416 : i32
      %lt3A = arith.constant 32 : i32
      %lt3A_418 = arith.cmpi slt, %add3A_417, %lt3A : i32
      %convert_element_type3A = arith.extui %lt3A_418 : i1 to i32
      %cond3A = arith.constant 0 : i32
      %cond3A_419 = arith.cmpi ne, %convert_element_type3A, %cond3A : i32
      scf.if %cond3A_419 {
        %add3A_801 = arith.constant 2 : i32
        %add3A_802 = arith.addi %mul3A_19, %add3A_801 : i32
        %mul3A_803 = arith.constant 8 : i32
        %mul3A_804 = arith.muli %add3A_802, %mul3A_803 : i32
        %add3A_805 = arith.addi %mul3A_2, %mul3A_804 : i32
        %dma_start3A_806 = arith.constant 0 : i32
        %dma_start3A_807 = arith.constant 0 : i32
        %dma_start3A_808 = tpu.memref_slice %arg2[%add3A_805, %dma_start3A_806, %dma_start3A_807] : memref<16384x100x64xf32, #tpu.memory_space<hbm>> -> memref<8x100x64xf32, #tpu.memory_space<hbm>>
        %dma_start3A_809 = arith.constant 0 : i32
        %dma_start3A_810 = arith.constant 0 : i32
        %dma_start3A_811 = tpu.memref_slice %arg2[%add3A_805, %dma_start3A_809, %dma_start3A_810] : memref<16384x100x64xf32, #tpu.memory_space<hbm>> -> memref<8x100x64xf32, #tpu.memory_space<hbm>>
        tpu.enqueue_dma source(%dma_start3A_811 : memref<8x100x64xf32, #tpu.memory_space<hbm>>) target(%arg5 : memref<8x100x64xf32, #tpu.memory_space<vmem>>) target_semaphore(%arg9 : memref<!tpu.dma_semaphore, #tpu.memory_space<semaphore_mem>>)
      } else {
      }
      %iota3A_420 = tpu.iota {dimensions = array<i32: 0>} : vector<16xi32>
      %broadcast_in_dim3A_421 = arith.constant -1.000000e+00 : f32
      %broadcast_in_dim3A_422 = vector.broadcast %broadcast_in_dim3A_421 : f32 to vector<16xf32>
      %broadcast_in_dim3A_423 = arith.constant 0 : i32
      %broadcast_in_dim3A_424 = vector.broadcast %broadcast_in_dim3A_423 : i32 to vector<16xi32>
      %broadcast_in_dim3A_425 = arith.constant 0.000000e+00 : f32
      %broadcast_in_dim3A_426 = vector.broadcast %broadcast_in_dim3A_425 : f32 to vector<16xf32>
      %broadcast_in_dim3A_427 = arith.constant 0.000000e+00 : f32
      %broadcast_in_dim3A_428 = vector.broadcast %broadcast_in_dim3A_427 : f32 to vector<16xf32>
      %broadcast_in_dim3A_429 = arith.constant 0.000000e+00 : f32
      %broadcast_in_dim3A_430 = vector.broadcast %broadcast_in_dim3A_429 : f32 to vector<16xf32>
      %broadcast_in_dim3A_431 = arith.constant 0.000000e+00 : f32
      %broadcast_in_dim3A_432 = vector.broadcast %broadcast_in_dim3A_431 : f32 to vector<16xf32>
      %scan3A_433 = arith.constant 0 : i32
      %scan3A_434 = arith.constant 100 : i32
      %scan3A_435 = arith.addi %scan3A_433, %scan3A_434 : i32
      %scan3A_436 = arith.constant 1 : i32
      %scan3A_437:6 = scf.for %scan3A_801 = %scan3A_433 to %scan3A_435 step %scan3A_436 iter_args(%scan3A_802 = %broadcast_in_dim3A_422, %scan3A_803 = %broadcast_in_dim3A_424, %scan3A_804 = %broadcast_in_dim3A_426, %scan3A_805 = %broadcast_in_dim3A_428, %scan3A_806 = %broadcast_in_dim3A_430, %scan3A_807 = %broadcast_in_dim3A_432) -> (vector<16xf32>, vector<16xi32>, vector<16xf32>, vector<16xf32>, vector<16xf32>, vector<16xf32>)  : i32 {
        %get3A = arith.constant 0 : i32
        %get3A_808 = arith.index_cast %get3A : i32 to index
        %get3A_809 = arith.index_cast %scan3A_801 : i32 to index
        %get3A_810 = arith.constant 0 : index
        %get3A_811 = tpu.vector_load %arg6[%get3A_808, %get3A_809, %get3A_810] {strides = array<i32>} : memref<8x100x64xf32, #tpu.memory_space<vmem>>, vector<1x1x16xf32>,
        %get3A_812 = vector.shape_cast %get3A_811 : vector<1x1x16xf32> to vector<16xf32>
        %get3A_813 = arith.constant 0 : i32
        %get3A_814 = arith.index_cast %get3A_813 : i32 to index
        %get3A_815 = arith.index_cast %scan3A_801 : i32 to index
        %get3A_816 = arith.constant 16 : index
        %get3A_817 = tpu.vector_load %arg6[%get3A_814, %get3A_815, %get3A_816] {strides = array<i32>} : memref<8x100x64xf32, #tpu.memory_space<vmem>>, vector<1x1x16xf32>,
        %get3A_818 = vector.shape_cast %get3A_817 : vector<1x1x16xf32> to vector<16xf32>
        %get3A_819 = arith.constant 0 : i32
        %get3A_820 = arith.index_cast %get3A_819 : i32 to index
        %get3A_821 = arith.index_cast %scan3A_801 : i32 to index
        %get3A_822 = arith.constant 32 : index
        %get3A_823 = tpu.vector_load %arg6[%get3A_820, %get3A_821, %get3A_822] {strides = array<i32>} : memref<8x100x64xf32, #tpu.memory_space<vmem>>, vector<1x1x16xf32>,
        %get3A_824 = vector.shape_cast %get3A_823 : vector<1x1x16xf32> to vector<16xf32>
        %get3A_825 = arith.constant 0 : i32
        %get3A_826 = arith.index_cast %get3A_825 : i32 to index
        %get3A_827 = arith.index_cast %scan3A_801 : i32 to index
        %get3A_828 = arith.constant 48 : index
        %get3A_829 = tpu.vector_load %arg6[%get3A_826, %get3A_827, %get3A_828] {strides = array<i32>} : memref<8x100x64xf32, #tpu.memory_space<vmem>>, vector<1x1x16xf32>,
        %get3A_830 = vector.shape_cast %get3A_829 : vector<1x1x16xf32> to vector<16xf32>
        %mul3A_831 = arith.mulf %get3A_812, %get3A_812 : vector<16xf32>
        %mul3A_832 = arith.mulf %get3A_818, %get3A_818 : vector<16xf32>
        %add3A_833 = arith.addf %mul3A_831, %mul3A_832 : vector<16xf32>
        %mul3A_834 = arith.mulf %get3A_824, %get3A_824 : vector<16xf32>
        %add3A_835 = arith.addf %add3A_833, %mul3A_834 : vector<16xf32>
        %mul3A_836 = arith.mulf %get3A_830, %get3A_830 : vector<16xf32>
        %add3A_837 = arith.addf %add3A_835, %mul3A_836 : vector<16xf32>
        %xor3A = arith.constant 8 : i32
        %xor3A_838 = vector.broadcast %xor3A : i32 to vector<16xi32>
        %xor3A_839 = arith.xori %iota3A_420, %xor3A_838 : vector<16xi32>
        %broadcast_in_dim3A_840 = vector.shape_cast %xor3A_839 : vector<16xi32> to vector<16x1xi32>
        %gather3A = vector.shape_cast %broadcast_in_dim3A_840 : vector<16x1xi32> to vector<16xi32>
        %gather3A_841 = tpu.dynamic_gather %add3A_837[%gather3A] in [0] : vector<16xf32>, vector<16xi32> -> vector<16xf32>
        %add3A_842 = arith.addf %add3A_837, %gather3A_841 : vector<16xf32>
        %xor3A_843 = arith.constant 4 : i32
        %xor3A_844 = vector.broadcast %xor3A_843 : i32 to vector<16xi32>
        %xor3A_845 = arith.xori %iota3A_420, %xor3A_844 : vector<16xi32>
        %broadcast_in_dim3A_846 = vector.shape_cast %xor3A_845 : vector<16xi32> to vector<16x1xi32>
        %gather3A_847 = vector.shape_cast %broadcast_in_dim3A_846 : vector<16x1xi32> to vector<16xi32>
        %gather3A_848 = tpu.dynamic_gather %add3A_842[%gather3A_847] in [0] : vector<16xf32>, vector<16xi32> -> vector<16xf32>
        %add3A_849 = arith.addf %add3A_842, %gather3A_848 : vector<16xf32>
        %xor3A_850 = arith.constant 2 : i32
        %xor3A_851 = vector.broadcast %xor3A_850 : i32 to vector<16xi32>
        %xor3A_852 = arith.xori %iota3A_420, %xor3A_851 : vector<16xi32>
        %broadcast_in_dim3A_853 = vector.shape_cast %xor3A_852 : vector<16xi32> to vector<16x1xi32>
        %gather3A_854 = vector.shape_cast %broadcast_in_dim3A_853 : vector<16x1xi32> to vector<16xi32>
        %gather3A_855 = tpu.dynamic_gather %add3A_849[%gather3A_854] in [0] : vector<16xf32>, vector<16xi32> -> vector<16xf32>
        %add3A_856 = arith.addf %add3A_849, %gather3A_855 : vector<16xf32>
        %xor3A_857 = arith.constant 1 : i32
        %xor3A_858 = vector.broadcast %xor3A_857 : i32 to vector<16xi32>
        %xor3A_859 = arith.xori %iota3A_420, %xor3A_858 : vector<16xi32>
        %broadcast_in_dim3A_860 = vector.shape_cast %xor3A_859 : vector<16xi32> to vector<16x1xi32>
        %gather3A_861 = vector.shape_cast %broadcast_in_dim3A_860 : vector<16x1xi32> to vector<16xi32>
        %gather3A_862 = tpu.dynamic_gather %add3A_856[%gather3A_861] in [0] : vector<16xf32>, vector<16xi32> -> vector<16xf32>
        %add3A_863 = arith.addf %add3A_856, %gather3A_862 : vector<16xf32>
        %broadcast_in_dim3A_864 = vector.broadcast %scan3A_801 : i32 to vector<16xi32>
        %gt3A = arith.cmpf ogt, %add3A_863, %scan3A_802 : vector<16xf32>
        %select_n3A_865 = arith.select %gt3A, %add3A_863, %scan3A_802 : vector<16xi1>, vector<16xf32>
        %select_n3A_866 = arith.select %gt3A, %broadcast_in_dim3A_864, %scan3A_803 : vector<16xi1>, vector<16xi32>
        %select_n3A_867 = arith.select %gt3A, %get3A_812, %scan3A_804 : vector<16xi1>, vector<16xf32>
        %select_n3A_868 = arith.select %gt3A, %get3A_818, %scan3A_805 : vector<16xi1>, vector<16xf32>
        %select_n3A_869 = arith.select %gt3A, %get3A_824, %scan3A_806 : vector<16xi1>, vector<16xf32>
        %select_n3A_870 = arith.select %gt3A, %get3A_830, %scan3A_807 : vector<16xi1>, vector<16xf32>
        scf.yield %select_n3A_865, %select_n3A_866, %select_n3A_867, %select_n3A_868, %select_n3A_869, %select_n3A_870 : vector<16xf32>, vector<16xi32>, vector<16xf32>, vector<16xf32>, vector<16xf32>, vector<16xf32>
      }
      %scan3A_438 = arith.constant 100 : i32
      %swap3A_439 = arith.constant 8 : i32
      %swap3A_440 = arith.index_cast %swap3A_439 : i32 to index
      %swap3A_441 = arith.constant 0 : index
      %swap3A_442 = tpu.vector_load %arg7[%swap3A_440, %swap3A_441] {strides = array<i32>} : memref<16x64xf32, #tpu.memory_space<vmem>>, vector<1x16xf32>,
      %swap3A_443 = vector.shape_cast %swap3A_442 : vector<1x16xf32> to vector<16xf32>
      %swap3A_444 = vector.shape_cast %scan3A_437#2 : vector<16xf32> to vector<1x16xf32>
      tpu.vector_store %arg7[%swap3A_440, %swap3A_441], %swap3A_444 {strides = array<i32>} : memref<16x64xf32, #tpu.memory_space<vmem>>, vector<1x16xf32>,
      %swap3A_445 = arith.constant 8 : i32
      %swap3A_446 = arith.index_cast %swap3A_445 : i32 to index
      %swap3A_447 = arith.constant 16 : index
      %swap3A_448 = tpu.vector_load %arg7[%swap3A_446, %swap3A_447] {strides = array<i32>} : memref<16x64xf32, #tpu.memory_space<vmem>>, vector<1x16xf32>,
      %swap3A_449 = vector.shape_cast %swap3A_448 : vector<1x16xf32> to vector<16xf32>
      %swap3A_450 = vector.shape_cast %scan3A_437#3 : vector<16xf32> to vector<1x16xf32>
      tpu.vector_store %arg7[%swap3A_446, %swap3A_447], %swap3A_450 {strides = array<i32>} : memref<16x64xf32, #tpu.memory_space<vmem>>, vector<1x16xf32>,
      %swap3A_451 = arith.constant 8 : i32
      %swap3A_452 = arith.index_cast %swap3A_451 : i32 to index
      %swap3A_453 = arith.constant 32 : index
      %swap3A_454 = tpu.vector_load %arg7[%swap3A_452, %swap3A_453] {strides = array<i32>} : memref<16x64xf32, #tpu.memory_space<vmem>>, vector<1x16xf32>,
      %swap3A_455 = vector.shape_cast %swap3A_454 : vector<1x16xf32> to vector<16xf32>
      %swap3A_456 = vector.shape_cast %scan3A_437#4 : vector<16xf32> to vector<1x16xf32>
      tpu.vector_store %arg7[%swap3A_452, %swap3A_453], %swap3A_456 {strides = array<i32>} : memref<16x64xf32, #tpu.memory_space<vmem>>, vector<1x16xf32>,
      %swap3A_457 = arith.constant 8 : i32
      %swap3A_458 = arith.index_cast %swap3A_457 : i32 to index
      %swap3A_459 = arith.constant 48 : index
      %swap3A_460 = tpu.vector_load %arg7[%swap3A_458, %swap3A_459] {strides = array<i32>} : memref<16x64xf32, #tpu.memory_space<vmem>>, vector<1x16xf32>,
      %swap3A_461 = vector.shape_cast %swap3A_460 : vector<1x16xf32> to vector<16xf32>
      %swap3A_462 = vector.shape_cast %scan3A_437#5 : vector<16xf32> to vector<1x16xf32>
      tpu.vector_store %arg7[%swap3A_458, %swap3A_459], %swap3A_462 {strides = array<i32>} : memref<16x64xf32, #tpu.memory_space<vmem>>, vector<1x16xf32>,
      %eq3A_463 = arith.constant 8 : i32
      %eq3A_464 = vector.broadcast %eq3A_463 : i32 to vector<16xi32>
      %eq3A_465 = arith.cmpi eq, %iota3A_420, %eq3A_464 : vector<16xi32>
      %select_n3A_466 = arith.select %eq3A_465, %scan3A_437#1, %select_n3A_404 : vector<16xi1>, vector<16xi32>
      %broadcast_in_dim3A_467 = arith.constant -1.000000e+00 : f32
      %broadcast_in_dim3A_468 = vector.broadcast %broadcast_in_dim3A_467 : f32 to vector<16xf32>
      %broadcast_in_dim3A_469 = arith.constant 0 : i32
      %broadcast_in_dim3A_470 = vector.broadcast %broadcast_in_dim3A_469 : i32 to vector<16xi32>
      %broadcast_in_dim3A_471 = arith.constant 0.000000e+00 : f32
      %broadcast_in_dim3A_472 = vector.broadcast %broadcast_in_dim3A_471 : f32 to vector<16xf32>
      %broadcast_in_dim3A_473 = arith.constant 0.000000e+00 : f32
      %broadcast_in_dim3A_474 = vector.broadcast %broadcast_in_dim3A_473 : f32 to vector<16xf32>
      %broadcast_in_dim3A_475 = arith.constant 0.000000e+00 : f32
      %broadcast_in_dim3A_476 = vector.broadcast %broadcast_in_dim3A_475 : f32 to vector<16xf32>
      %broadcast_in_dim3A_477 = arith.constant 0.000000e+00 : f32
      %broadcast_in_dim3A_478 = vector.broadcast %broadcast_in_dim3A_477 : f32 to vector<16xf32>
      %scan3A_479 = arith.constant 0 : i32
      %scan3A_480 = arith.constant 100 : i32
      %scan3A_481 = arith.addi %scan3A_479, %scan3A_480 : i32
      %scan3A_482 = arith.constant 1 : i32
      %scan3A_483:6 = scf.for %scan3A_801 = %scan3A_479 to %scan3A_481 step %scan3A_482 iter_args(%scan3A_802 = %broadcast_in_dim3A_468, %scan3A_803 = %broadcast_in_dim3A_470, %scan3A_804 = %broadcast_in_dim3A_472, %scan3A_805 = %broadcast_in_dim3A_474, %scan3A_806 = %broadcast_in_dim3A_476, %scan3A_807 = %broadcast_in_dim3A_478) -> (vector<16xf32>, vector<16xi32>, vector<16xf32>, vector<16xf32>, vector<16xf32>, vector<16xf32>)  : i32 {
        %get3A = arith.constant 1 : i32
        %get3A_808 = arith.index_cast %get3A : i32 to index
        %get3A_809 = arith.index_cast %scan3A_801 : i32 to index
        %get3A_810 = arith.constant 0 : index
        %get3A_811 = tpu.vector_load %arg6[%get3A_808, %get3A_809, %get3A_810] {strides = array<i32>} : memref<8x100x64xf32, #tpu.memory_space<vmem>>, vector<1x1x16xf32>,
        %get3A_812 = vector.shape_cast %get3A_811 : vector<1x1x16xf32> to vector<16xf32>
        %get3A_813 = arith.constant 1 : i32
        %get3A_814 = arith.index_cast %get3A_813 : i32 to index
        %get3A_815 = arith.index_cast %scan3A_801 : i32 to index
        %get3A_816 = arith.constant 16 : index
        %get3A_817 = tpu.vector_load %arg6[%get3A_814, %get3A_815, %get3A_816] {strides = array<i32>} : memref<8x100x64xf32, #tpu.memory_space<vmem>>, vector<1x1x16xf32>,
        %get3A_818 = vector.shape_cast %get3A_817 : vector<1x1x16xf32> to vector<16xf32>
        %get3A_819 = arith.constant 1 : i32
        %get3A_820 = arith.index_cast %get3A_819 : i32 to index
        %get3A_821 = arith.index_cast %scan3A_801 : i32 to index
        %get3A_822 = arith.constant 32 : index
        %get3A_823 = tpu.vector_load %arg6[%get3A_820, %get3A_821, %get3A_822] {strides = array<i32>} : memref<8x100x64xf32, #tpu.memory_space<vmem>>, vector<1x1x16xf32>,
        %get3A_824 = vector.shape_cast %get3A_823 : vector<1x1x16xf32> to vector<16xf32>
        %get3A_825 = arith.constant 1 : i32
        %get3A_826 = arith.index_cast %get3A_825 : i32 to index
        %get3A_827 = arith.index_cast %scan3A_801 : i32 to index
        %get3A_828 = arith.constant 48 : index
        %get3A_829 = tpu.vector_load %arg6[%get3A_826, %get3A_827, %get3A_828] {strides = array<i32>} : memref<8x100x64xf32, #tpu.memory_space<vmem>>, vector<1x1x16xf32>,
        %get3A_830 = vector.shape_cast %get3A_829 : vector<1x1x16xf32> to vector<16xf32>
        %mul3A_831 = arith.mulf %get3A_812, %get3A_812 : vector<16xf32>
        %mul3A_832 = arith.mulf %get3A_818, %get3A_818 : vector<16xf32>
        %add3A_833 = arith.addf %mul3A_831, %mul3A_832 : vector<16xf32>
        %mul3A_834 = arith.mulf %get3A_824, %get3A_824 : vector<16xf32>
        %add3A_835 = arith.addf %add3A_833, %mul3A_834 : vector<16xf32>
        %mul3A_836 = arith.mulf %get3A_830, %get3A_830 : vector<16xf32>
        %add3A_837 = arith.addf %add3A_835, %mul3A_836 : vector<16xf32>
        %xor3A = arith.constant 8 : i32
        %xor3A_838 = vector.broadcast %xor3A : i32 to vector<16xi32>
        %xor3A_839 = arith.xori %iota3A_420, %xor3A_838 : vector<16xi32>
        %broadcast_in_dim3A_840 = vector.shape_cast %xor3A_839 : vector<16xi32> to vector<16x1xi32>
        %gather3A = vector.shape_cast %broadcast_in_dim3A_840 : vector<16x1xi32> to vector<16xi32>
        %gather3A_841 = tpu.dynamic_gather %add3A_837[%gather3A] in [0] : vector<16xf32>, vector<16xi32> -> vector<16xf32>
        %add3A_842 = arith.addf %add3A_837, %gather3A_841 : vector<16xf32>
        %xor3A_843 = arith.constant 4 : i32
        %xor3A_844 = vector.broadcast %xor3A_843 : i32 to vector<16xi32>
        %xor3A_845 = arith.xori %iota3A_420, %xor3A_844 : vector<16xi32>
        %broadcast_in_dim3A_846 = vector.shape_cast %xor3A_845 : vector<16xi32> to vector<16x1xi32>
        %gather3A_847 = vector.shape_cast %broadcast_in_dim3A_846 : vector<16x1xi32> to vector<16xi32>
        %gather3A_848 = tpu.dynamic_gather %add3A_842[%gather3A_847] in [0] : vector<16xf32>, vector<16xi32> -> vector<16xf32>
        %add3A_849 = arith.addf %add3A_842, %gather3A_848 : vector<16xf32>
        %xor3A_850 = arith.constant 2 : i32
        %xor3A_851 = vector.broadcast %xor3A_850 : i32 to vector<16xi32>
        %xor3A_852 = arith.xori %iota3A_420, %xor3A_851 : vector<16xi32>
        %broadcast_in_dim3A_853 = vector.shape_cast %xor3A_852 : vector<16xi32> to vector<16x1xi32>
        %gather3A_854 = vector.shape_cast %broadcast_in_dim3A_853 : vector<16x1xi32> to vector<16xi32>
        %gather3A_855 = tpu.dynamic_gather %add3A_849[%gather3A_854] in [0] : vector<16xf32>, vector<16xi32> -> vector<16xf32>
        %add3A_856 = arith.addf %add3A_849, %gather3A_855 : vector<16xf32>
        %xor3A_857 = arith.constant 1 : i32
        %xor3A_858 = vector.broadcast %xor3A_857 : i32 to vector<16xi32>
        %xor3A_859 = arith.xori %iota3A_420, %xor3A_858 : vector<16xi32>
        %broadcast_in_dim3A_860 = vector.shape_cast %xor3A_859 : vector<16xi32> to vector<16x1xi32>
        %gather3A_861 = vector.shape_cast %broadcast_in_dim3A_860 : vector<16x1xi32> to vector<16xi32>
        %gather3A_862 = tpu.dynamic_gather %add3A_856[%gather3A_861] in [0] : vector<16xf32>, vector<16xi32> -> vector<16xf32>
        %add3A_863 = arith.addf %add3A_856, %gather3A_862 : vector<16xf32>
        %broadcast_in_dim3A_864 = vector.broadcast %scan3A_801 : i32 to vector<16xi32>
        %gt3A = arith.cmpf ogt, %add3A_863, %scan3A_802 : vector<16xf32>
        %select_n3A_865 = arith.select %gt3A, %add3A_863, %scan3A_802 : vector<16xi1>, vector<16xf32>
        %select_n3A_866 = arith.select %gt3A, %broadcast_in_dim3A_864, %scan3A_803 : vector<16xi1>, vector<16xi32>
        %select_n3A_867 = arith.select %gt3A, %get3A_812, %scan3A_804 : vector<16xi1>, vector<16xf32>
        %select_n3A_868 = arith.select %gt3A, %get3A_818, %scan3A_805 : vector<16xi1>, vector<16xf32>
        %select_n3A_869 = arith.select %gt3A, %get3A_824, %scan3A_806 : vector<16xi1>, vector<16xf32>
        %select_n3A_870 = arith.select %gt3A, %get3A_830, %scan3A_807 : vector<16xi1>, vector<16xf32>
        scf.yield %select_n3A_865, %select_n3A_866, %select_n3A_867, %select_n3A_868, %select_n3A_869, %select_n3A_870 : vector<16xf32>, vector<16xi32>, vector<16xf32>, vector<16xf32>, vector<16xf32>, vector<16xf32>
      }
      %scan3A_484 = arith.constant 100 : i32
      %swap3A_485 = arith.constant 9 : i32
      %swap3A_486 = arith.index_cast %swap3A_485 : i32 to index
      %swap3A_487 = arith.constant 0 : index
      %swap3A_488 = tpu.vector_load %arg7[%swap3A_486, %swap3A_487] {strides = array<i32>} : memref<16x64xf32, #tpu.memory_space<vmem>>, vector<1x16xf32>,
      %swap3A_489 = vector.shape_cast %swap3A_488 : vector<1x16xf32> to vector<16xf32>
      %swap3A_490 = vector.shape_cast %scan3A_483#2 : vector<16xf32> to vector<1x16xf32>
      tpu.vector_store %arg7[%swap3A_486, %swap3A_487], %swap3A_490 {strides = array<i32>} : memref<16x64xf32, #tpu.memory_space<vmem>>, vector<1x16xf32>,
      %swap3A_491 = arith.constant 9 : i32
      %swap3A_492 = arith.index_cast %swap3A_491 : i32 to index
      %swap3A_493 = arith.constant 16 : index
      %swap3A_494 = tpu.vector_load %arg7[%swap3A_492, %swap3A_493] {strides = array<i32>} : memref<16x64xf32, #tpu.memory_space<vmem>>, vector<1x16xf32>,
      %swap3A_495 = vector.shape_cast %swap3A_494 : vector<1x16xf32> to vector<16xf32>
      %swap3A_496 = vector.shape_cast %scan3A_483#3 : vector<16xf32> to vector<1x16xf32>
      tpu.vector_store %arg7[%swap3A_492, %swap3A_493], %swap3A_496 {strides = array<i32>} : memref<16x64xf32, #tpu.memory_space<vmem>>, vector<1x16xf32>,
      %swap3A_497 = arith.constant 9 : i32
      %swap3A_498 = arith.index_cast %swap3A_497 : i32 to index
      %swap3A_499 = arith.constant 32 : index
      %swap3A_500 = tpu.vector_load %arg7[%swap3A_498, %swap3A_499] {strides = array<i32>} : memref<16x64xf32, #tpu.memory_space<vmem>>, vector<1x16xf32>,
      %swap3A_501 = vector.shape_cast %swap3A_500 : vector<1x16xf32> to vector<16xf32>
      %swap3A_502 = vector.shape_cast %scan3A_483#4 : vector<16xf32> to vector<1x16xf32>
      tpu.vector_store %arg7[%swap3A_498, %swap3A_499], %swap3A_502 {strides = array<i32>} : memref<16x64xf32, #tpu.memory_space<vmem>>, vector<1x16xf32>,
      %swap3A_503 = arith.constant 9 : i32
      %swap3A_504 = arith.index_cast %swap3A_503 : i32 to index
      %swap3A_505 = arith.constant 48 : index
      %swap3A_506 = tpu.vector_load %arg7[%swap3A_504, %swap3A_505] {strides = array<i32>} : memref<16x64xf32, #tpu.memory_space<vmem>>, vector<1x16xf32>,
      %swap3A_507 = vector.shape_cast %swap3A_506 : vector<1x16xf32> to vector<16xf32>
      %swap3A_508 = vector.shape_cast %scan3A_483#5 : vector<16xf32> to vector<1x16xf32>
      tpu.vector_store %arg7[%swap3A_504, %swap3A_505], %swap3A_508 {strides = array<i32>} : memref<16x64xf32, #tpu.memory_space<vmem>>, vector<1x16xf32>,
      %eq3A_509 = arith.constant 9 : i32
      %eq3A_510 = vector.broadcast %eq3A_509 : i32 to vector<16xi32>
      %eq3A_511 = arith.cmpi eq, %iota3A_420, %eq3A_510 : vector<16xi32>
      %select_n3A_512 = arith.select %eq3A_511, %scan3A_483#1, %select_n3A_466 : vector<16xi1>, vector<16xi32>
      %broadcast_in_dim3A_513 = arith.constant -1.000000e+00 : f32
      %broadcast_in_dim3A_514 = vector.broadcast %broadcast_in_dim3A_513 : f32 to vector<16xf32>
      %broadcast_in_dim3A_515 = arith.constant 0 : i32
      %broadcast_in_dim3A_516 = vector.broadcast %broadcast_in_dim3A_515 : i32 to vector<16xi32>
      %broadcast_in_dim3A_517 = arith.constant 0.000000e+00 : f32
      %broadcast_in_dim3A_518 = vector.broadcast %broadcast_in_dim3A_517 : f32 to vector<16xf32>
      %broadcast_in_dim3A_519 = arith.constant 0.000000e+00 : f32
      %broadcast_in_dim3A_520 = vector.broadcast %broadcast_in_dim3A_519 : f32 to vector<16xf32>
      %broadcast_in_dim3A_521 = arith.constant 0.000000e+00 : f32
      %broadcast_in_dim3A_522 = vector.broadcast %broadcast_in_dim3A_521 : f32 to vector<16xf32>
      %broadcast_in_dim3A_523 = arith.constant 0.000000e+00 : f32
      %broadcast_in_dim3A_524 = vector.broadcast %broadcast_in_dim3A_523 : f32 to vector<16xf32>
      %scan3A_525 = arith.constant 0 : i32
      %scan3A_526 = arith.constant 100 : i32
      %scan3A_527 = arith.addi %scan3A_525, %scan3A_526 : i32
      %scan3A_528 = arith.constant 1 : i32
      %scan3A_529:6 = scf.for %scan3A_801 = %scan3A_525 to %scan3A_527 step %scan3A_528 iter_args(%scan3A_802 = %broadcast_in_dim3A_514, %scan3A_803 = %broadcast_in_dim3A_516, %scan3A_804 = %broadcast_in_dim3A_518, %scan3A_805 = %broadcast_in_dim3A_520, %scan3A_806 = %broadcast_in_dim3A_522, %scan3A_807 = %broadcast_in_dim3A_524) -> (vector<16xf32>, vector<16xi32>, vector<16xf32>, vector<16xf32>, vector<16xf32>, vector<16xf32>)  : i32 {
        %get3A = arith.constant 2 : i32
        %get3A_808 = arith.index_cast %get3A : i32 to index
        %get3A_809 = arith.index_cast %scan3A_801 : i32 to index
        %get3A_810 = arith.constant 0 : index
        %get3A_811 = tpu.vector_load %arg6[%get3A_808, %get3A_809, %get3A_810] {strides = array<i32>} : memref<8x100x64xf32, #tpu.memory_space<vmem>>, vector<1x1x16xf32>,
        %get3A_812 = vector.shape_cast %get3A_811 : vector<1x1x16xf32> to vector<16xf32>
        %get3A_813 = arith.constant 2 : i32
        %get3A_814 = arith.index_cast %get3A_813 : i32 to index
        %get3A_815 = arith.index_cast %scan3A_801 : i32 to index
        %get3A_816 = arith.constant 16 : index
        %get3A_817 = tpu.vector_load %arg6[%get3A_814, %get3A_815, %get3A_816] {strides = array<i32>} : memref<8x100x64xf32, #tpu.memory_space<vmem>>, vector<1x1x16xf32>,
        %get3A_818 = vector.shape_cast %get3A_817 : vector<1x1x16xf32> to vector<16xf32>
        %get3A_819 = arith.constant 2 : i32
        %get3A_820 = arith.index_cast %get3A_819 : i32 to index
        %get3A_821 = arith.index_cast %scan3A_801 : i32 to index
        %get3A_822 = arith.constant 32 : index
        %get3A_823 = tpu.vector_load %arg6[%get3A_820, %get3A_821, %get3A_822] {strides = array<i32>} : memref<8x100x64xf32, #tpu.memory_space<vmem>>, vector<1x1x16xf32>,
        %get3A_824 = vector.shape_cast %get3A_823 : vector<1x1x16xf32> to vector<16xf32>
        %get3A_825 = arith.constant 2 : i32
        %get3A_826 = arith.index_cast %get3A_825 : i32 to index
        %get3A_827 = arith.index_cast %scan3A_801 : i32 to index
        %get3A_828 = arith.constant 48 : index
        %get3A_829 = tpu.vector_load %arg6[%get3A_826, %get3A_827, %get3A_828] {strides = array<i32>} : memref<8x100x64xf32, #tpu.memory_space<vmem>>, vector<1x1x16xf32>,
        %get3A_830 = vector.shape_cast %get3A_829 : vector<1x1x16xf32> to vector<16xf32>
        %mul3A_831 = arith.mulf %get3A_812, %get3A_812 : vector<16xf32>
        %mul3A_832 = arith.mulf %get3A_818, %get3A_818 : vector<16xf32>
        %add3A_833 = arith.addf %mul3A_831, %mul3A_832 : vector<16xf32>
        %mul3A_834 = arith.mulf %get3A_824, %get3A_824 : vector<16xf32>
        %add3A_835 = arith.addf %add3A_833, %mul3A_834 : vector<16xf32>
        %mul3A_836 = arith.mulf %get3A_830, %get3A_830 : vector<16xf32>
        %add3A_837 = arith.addf %add3A_835, %mul3A_836 : vector<16xf32>
        %xor3A = arith.constant 8 : i32
        %xor3A_838 = vector.broadcast %xor3A : i32 to vector<16xi32>
        %xor3A_839 = arith.xori %iota3A_420, %xor3A_838 : vector<16xi32>
        %broadcast_in_dim3A_840 = vector.shape_cast %xor3A_839 : vector<16xi32> to vector<16x1xi32>
        %gather3A = vector.shape_cast %broadcast_in_dim3A_840 : vector<16x1xi32> to vector<16xi32>
        %gather3A_841 = tpu.dynamic_gather %add3A_837[%gather3A] in [0] : vector<16xf32>, vector<16xi32> -> vector<16xf32>
        %add3A_842 = arith.addf %add3A_837, %gather3A_841 : vector<16xf32>
        %xor3A_843 = arith.constant 4 : i32
        %xor3A_844 = vector.broadcast %xor3A_843 : i32 to vector<16xi32>
        %xor3A_845 = arith.xori %iota3A_420, %xor3A_844 : vector<16xi32>
        %broadcast_in_dim3A_846 = vector.shape_cast %xor3A_845 : vector<16xi32> to vector<16x1xi32>
        %gather3A_847 = vector.shape_cast %broadcast_in_dim3A_846 : vector<16x1xi32> to vector<16xi32>
        %gather3A_848 = tpu.dynamic_gather %add3A_842[%gather3A_847] in [0] : vector<16xf32>, vector<16xi32> -> vector<16xf32>
        %add3A_849 = arith.addf %add3A_842, %gather3A_848 : vector<16xf32>
        %xor3A_850 = arith.constant 2 : i32
        %xor3A_851 = vector.broadcast %xor3A_850 : i32 to vector<16xi32>
        %xor3A_852 = arith.xori %iota3A_420, %xor3A_851 : vector<16xi32>
        %broadcast_in_dim3A_853 = vector.shape_cast %xor3A_852 : vector<16xi32> to vector<16x1xi32>
        %gather3A_854 = vector.shape_cast %broadcast_in_dim3A_853 : vector<16x1xi32> to vector<16xi32>
        %gather3A_855 = tpu.dynamic_gather %add3A_849[%gather3A_854] in [0] : vector<16xf32>, vector<16xi32> -> vector<16xf32>
        %add3A_856 = arith.addf %add3A_849, %gather3A_855 : vector<16xf32>
        %xor3A_857 = arith.constant 1 : i32
        %xor3A_858 = vector.broadcast %xor3A_857 : i32 to vector<16xi32>
        %xor3A_859 = arith.xori %iota3A_420, %xor3A_858 : vector<16xi32>
        %broadcast_in_dim3A_860 = vector.shape_cast %xor3A_859 : vector<16xi32> to vector<16x1xi32>
        %gather3A_861 = vector.shape_cast %broadcast_in_dim3A_860 : vector<16x1xi32> to vector<16xi32>
        %gather3A_862 = tpu.dynamic_gather %add3A_856[%gather3A_861] in [0] : vector<16xf32>, vector<16xi32> -> vector<16xf32>
        %add3A_863 = arith.addf %add3A_856, %gather3A_862 : vector<16xf32>
        %broadcast_in_dim3A_864 = vector.broadcast %scan3A_801 : i32 to vector<16xi32>
        %gt3A = arith.cmpf ogt, %add3A_863, %scan3A_802 : vector<16xf32>
        %select_n3A_865 = arith.select %gt3A, %add3A_863, %scan3A_802 : vector<16xi1>, vector<16xf32>
        %select_n3A_866 = arith.select %gt3A, %broadcast_in_dim3A_864, %scan3A_803 : vector<16xi1>, vector<16xi32>
        %select_n3A_867 = arith.select %gt3A, %get3A_812, %scan3A_804 : vector<16xi1>, vector<16xf32>
        %select_n3A_868 = arith.select %gt3A, %get3A_818, %scan3A_805 : vector<16xi1>, vector<16xf32>
        %select_n3A_869 = arith.select %gt3A, %get3A_824, %scan3A_806 : vector<16xi1>, vector<16xf32>
        %select_n3A_870 = arith.select %gt3A, %get3A_830, %scan3A_807 : vector<16xi1>, vector<16xf32>
        scf.yield %select_n3A_865, %select_n3A_866, %select_n3A_867, %select_n3A_868, %select_n3A_869, %select_n3A_870 : vector<16xf32>, vector<16xi32>, vector<16xf32>, vector<16xf32>, vector<16xf32>, vector<16xf32>
      }
      %scan3A_530 = arith.constant 100 : i32
      %swap3A_531 = arith.constant 10 : i32
      %swap3A_532 = arith.index_cast %swap3A_531 : i32 to index
      %swap3A_533 = arith.constant 0 : index
      %swap3A_534 = tpu.vector_load %arg7[%swap3A_532, %swap3A_533] {strides = array<i32>} : memref<16x64xf32, #tpu.memory_space<vmem>>, vector<1x16xf32>,
      %swap3A_535 = vector.shape_cast %swap3A_534 : vector<1x16xf32> to vector<16xf32>
      %swap3A_536 = vector.shape_cast %scan3A_529#2 : vector<16xf32> to vector<1x16xf32>
      tpu.vector_store %arg7[%swap3A_532, %swap3A_533], %swap3A_536 {strides = array<i32>} : memref<16x64xf32, #tpu.memory_space<vmem>>, vector<1x16xf32>,
      %swap3A_537 = arith.constant 10 : i32
      %swap3A_538 = arith.index_cast %swap3A_537 : i32 to index
      %swap3A_539 = arith.constant 16 : index
      %swap3A_540 = tpu.vector_load %arg7[%swap3A_538, %swap3A_539] {strides = array<i32>} : memref<16x64xf32, #tpu.memory_space<vmem>>, vector<1x16xf32>,
      %swap3A_541 = vector.shape_cast %swap3A_540 : vector<1x16xf32> to vector<16xf32>
      %swap3A_542 = vector.shape_cast %scan3A_529#3 : vector<16xf32> to vector<1x16xf32>
      tpu.vector_store %arg7[%swap3A_538, %swap3A_539], %swap3A_542 {strides = array<i32>} : memref<16x64xf32, #tpu.memory_space<vmem>>, vector<1x16xf32>,
      %swap3A_543 = arith.constant 10 : i32
      %swap3A_544 = arith.index_cast %swap3A_543 : i32 to index
      %swap3A_545 = arith.constant 32 : index
      %swap3A_546 = tpu.vector_load %arg7[%swap3A_544, %swap3A_545] {strides = array<i32>} : memref<16x64xf32, #tpu.memory_space<vmem>>, vector<1x16xf32>,
      %swap3A_547 = vector.shape_cast %swap3A_546 : vector<1x16xf32> to vector<16xf32>
      %swap3A_548 = vector.shape_cast %scan3A_529#4 : vector<16xf32> to vector<1x16xf32>
      tpu.vector_store %arg7[%swap3A_544, %swap3A_545], %swap3A_548 {strides = array<i32>} : memref<16x64xf32, #tpu.memory_space<vmem>>, vector<1x16xf32>,
      %swap3A_549 = arith.constant 10 : i32
      %swap3A_550 = arith.index_cast %swap3A_549 : i32 to index
      %swap3A_551 = arith.constant 48 : index
      %swap3A_552 = tpu.vector_load %arg7[%swap3A_550, %swap3A_551] {strides = array<i32>} : memref<16x64xf32, #tpu.memory_space<vmem>>, vector<1x16xf32>,
      %swap3A_553 = vector.shape_cast %swap3A_552 : vector<1x16xf32> to vector<16xf32>
      %swap3A_554 = vector.shape_cast %scan3A_529#5 : vector<16xf32> to vector<1x16xf32>
      tpu.vector_store %arg7[%swap3A_550, %swap3A_551], %swap3A_554 {strides = array<i32>} : memref<16x64xf32, #tpu.memory_space<vmem>>, vector<1x16xf32>,
      %eq3A_555 = arith.constant 10 : i32
      %eq3A_556 = vector.broadcast %eq3A_555 : i32 to vector<16xi32>
      %eq3A_557 = arith.cmpi eq, %iota3A_420, %eq3A_556 : vector<16xi32>
      %select_n3A_558 = arith.select %eq3A_557, %scan3A_529#1, %select_n3A_512 : vector<16xi1>, vector<16xi32>
      %broadcast_in_dim3A_559 = arith.constant -1.000000e+00 : f32
      %broadcast_in_dim3A_560 = vector.broadcast %broadcast_in_dim3A_559 : f32 to vector<16xf32>
      %broadcast_in_dim3A_561 = arith.constant 0 : i32
      %broadcast_in_dim3A_562 = vector.broadcast %broadcast_in_dim3A_561 : i32 to vector<16xi32>
      %broadcast_in_dim3A_563 = arith.constant 0.000000e+00 : f32
      %broadcast_in_dim3A_564 = vector.broadcast %broadcast_in_dim3A_563 : f32 to vector<16xf32>
      %broadcast_in_dim3A_565 = arith.constant 0.000000e+00 : f32
      %broadcast_in_dim3A_566 = vector.broadcast %broadcast_in_dim3A_565 : f32 to vector<16xf32>
      %broadcast_in_dim3A_567 = arith.constant 0.000000e+00 : f32
      %broadcast_in_dim3A_568 = vector.broadcast %broadcast_in_dim3A_567 : f32 to vector<16xf32>
      %broadcast_in_dim3A_569 = arith.constant 0.000000e+00 : f32
      %broadcast_in_dim3A_570 = vector.broadcast %broadcast_in_dim3A_569 : f32 to vector<16xf32>
      %scan3A_571 = arith.constant 0 : i32
      %scan3A_572 = arith.constant 100 : i32
      %scan3A_573 = arith.addi %scan3A_571, %scan3A_572 : i32
      %scan3A_574 = arith.constant 1 : i32
      %scan3A_575:6 = scf.for %scan3A_801 = %scan3A_571 to %scan3A_573 step %scan3A_574 iter_args(%scan3A_802 = %broadcast_in_dim3A_560, %scan3A_803 = %broadcast_in_dim3A_562, %scan3A_804 = %broadcast_in_dim3A_564, %scan3A_805 = %broadcast_in_dim3A_566, %scan3A_806 = %broadcast_in_dim3A_568, %scan3A_807 = %broadcast_in_dim3A_570) -> (vector<16xf32>, vector<16xi32>, vector<16xf32>, vector<16xf32>, vector<16xf32>, vector<16xf32>)  : i32 {
        %get3A = arith.constant 3 : i32
        %get3A_808 = arith.index_cast %get3A : i32 to index
        %get3A_809 = arith.index_cast %scan3A_801 : i32 to index
        %get3A_810 = arith.constant 0 : index
        %get3A_811 = tpu.vector_load %arg6[%get3A_808, %get3A_809, %get3A_810] {strides = array<i32>} : memref<8x100x64xf32, #tpu.memory_space<vmem>>, vector<1x1x16xf32>,
        %get3A_812 = vector.shape_cast %get3A_811 : vector<1x1x16xf32> to vector<16xf32>
        %get3A_813 = arith.constant 3 : i32
        %get3A_814 = arith.index_cast %get3A_813 : i32 to index
        %get3A_815 = arith.index_cast %scan3A_801 : i32 to index
        %get3A_816 = arith.constant 16 : index
        %get3A_817 = tpu.vector_load %arg6[%get3A_814, %get3A_815, %get3A_816] {strides = array<i32>} : memref<8x100x64xf32, #tpu.memory_space<vmem>>, vector<1x1x16xf32>,
        %get3A_818 = vector.shape_cast %get3A_817 : vector<1x1x16xf32> to vector<16xf32>
        %get3A_819 = arith.constant 3 : i32
        %get3A_820 = arith.index_cast %get3A_819 : i32 to index
        %get3A_821 = arith.index_cast %scan3A_801 : i32 to index
        %get3A_822 = arith.constant 32 : index
        %get3A_823 = tpu.vector_load %arg6[%get3A_820, %get3A_821, %get3A_822] {strides = array<i32>} : memref<8x100x64xf32, #tpu.memory_space<vmem>>, vector<1x1x16xf32>,
        %get3A_824 = vector.shape_cast %get3A_823 : vector<1x1x16xf32> to vector<16xf32>
        %get3A_825 = arith.constant 3 : i32
        %get3A_826 = arith.index_cast %get3A_825 : i32 to index
        %get3A_827 = arith.index_cast %scan3A_801 : i32 to index
        %get3A_828 = arith.constant 48 : index
        %get3A_829 = tpu.vector_load %arg6[%get3A_826, %get3A_827, %get3A_828] {strides = array<i32>} : memref<8x100x64xf32, #tpu.memory_space<vmem>>, vector<1x1x16xf32>,
        %get3A_830 = vector.shape_cast %get3A_829 : vector<1x1x16xf32> to vector<16xf32>
        %mul3A_831 = arith.mulf %get3A_812, %get3A_812 : vector<16xf32>
        %mul3A_832 = arith.mulf %get3A_818, %get3A_818 : vector<16xf32>
        %add3A_833 = arith.addf %mul3A_831, %mul3A_832 : vector<16xf32>
        %mul3A_834 = arith.mulf %get3A_824, %get3A_824 : vector<16xf32>
        %add3A_835 = arith.addf %add3A_833, %mul3A_834 : vector<16xf32>
        %mul3A_836 = arith.mulf %get3A_830, %get3A_830 : vector<16xf32>
        %add3A_837 = arith.addf %add3A_835, %mul3A_836 : vector<16xf32>
        %xor3A = arith.constant 8 : i32
        %xor3A_838 = vector.broadcast %xor3A : i32 to vector<16xi32>
        %xor3A_839 = arith.xori %iota3A_420, %xor3A_838 : vector<16xi32>
        %broadcast_in_dim3A_840 = vector.shape_cast %xor3A_839 : vector<16xi32> to vector<16x1xi32>
        %gather3A = vector.shape_cast %broadcast_in_dim3A_840 : vector<16x1xi32> to vector<16xi32>
        %gather3A_841 = tpu.dynamic_gather %add3A_837[%gather3A] in [0] : vector<16xf32>, vector<16xi32> -> vector<16xf32>
        %add3A_842 = arith.addf %add3A_837, %gather3A_841 : vector<16xf32>
        %xor3A_843 = arith.constant 4 : i32
        %xor3A_844 = vector.broadcast %xor3A_843 : i32 to vector<16xi32>
        %xor3A_845 = arith.xori %iota3A_420, %xor3A_844 : vector<16xi32>
        %broadcast_in_dim3A_846 = vector.shape_cast %xor3A_845 : vector<16xi32> to vector<16x1xi32>
        %gather3A_847 = vector.shape_cast %broadcast_in_dim3A_846 : vector<16x1xi32> to vector<16xi32>
        %gather3A_848 = tpu.dynamic_gather %add3A_842[%gather3A_847] in [0] : vector<16xf32>, vector<16xi32> -> vector<16xf32>
        %add3A_849 = arith.addf %add3A_842, %gather3A_848 : vector<16xf32>
        %xor3A_850 = arith.constant 2 : i32
        %xor3A_851 = vector.broadcast %xor3A_850 : i32 to vector<16xi32>
        %xor3A_852 = arith.xori %iota3A_420, %xor3A_851 : vector<16xi32>
        %broadcast_in_dim3A_853 = vector.shape_cast %xor3A_852 : vector<16xi32> to vector<16x1xi32>
        %gather3A_854 = vector.shape_cast %broadcast_in_dim3A_853 : vector<16x1xi32> to vector<16xi32>
        %gather3A_855 = tpu.dynamic_gather %add3A_849[%gather3A_854] in [0] : vector<16xf32>, vector<16xi32> -> vector<16xf32>
        %add3A_856 = arith.addf %add3A_849, %gather3A_855 : vector<16xf32>
        %xor3A_857 = arith.constant 1 : i32
        %xor3A_858 = vector.broadcast %xor3A_857 : i32 to vector<16xi32>
        %xor3A_859 = arith.xori %iota3A_420, %xor3A_858 : vector<16xi32>
        %broadcast_in_dim3A_860 = vector.shape_cast %xor3A_859 : vector<16xi32> to vector<16x1xi32>
        %gather3A_861 = vector.shape_cast %broadcast_in_dim3A_860 : vector<16x1xi32> to vector<16xi32>
        %gather3A_862 = tpu.dynamic_gather %add3A_856[%gather3A_861] in [0] : vector<16xf32>, vector<16xi32> -> vector<16xf32>
        %add3A_863 = arith.addf %add3A_856, %gather3A_862 : vector<16xf32>
        %broadcast_in_dim3A_864 = vector.broadcast %scan3A_801 : i32 to vector<16xi32>
        %gt3A = arith.cmpf ogt, %add3A_863, %scan3A_802 : vector<16xf32>
        %select_n3A_865 = arith.select %gt3A, %add3A_863, %scan3A_802 : vector<16xi1>, vector<16xf32>
        %select_n3A_866 = arith.select %gt3A, %broadcast_in_dim3A_864, %scan3A_803 : vector<16xi1>, vector<16xi32>
        %select_n3A_867 = arith.select %gt3A, %get3A_812, %scan3A_804 : vector<16xi1>, vector<16xf32>
        %select_n3A_868 = arith.select %gt3A, %get3A_818, %scan3A_805 : vector<16xi1>, vector<16xf32>
        %select_n3A_869 = arith.select %gt3A, %get3A_824, %scan3A_806 : vector<16xi1>, vector<16xf32>
        %select_n3A_870 = arith.select %gt3A, %get3A_830, %scan3A_807 : vector<16xi1>, vector<16xf32>
        scf.yield %select_n3A_865, %select_n3A_866, %select_n3A_867, %select_n3A_868, %select_n3A_869, %select_n3A_870 : vector<16xf32>, vector<16xi32>, vector<16xf32>, vector<16xf32>, vector<16xf32>, vector<16xf32>
      }
      %scan3A_576 = arith.constant 100 : i32
      %swap3A_577 = arith.constant 11 : i32
      %swap3A_578 = arith.index_cast %swap3A_577 : i32 to index
      %swap3A_579 = arith.constant 0 : index
      %swap3A_580 = tpu.vector_load %arg7[%swap3A_578, %swap3A_579] {strides = array<i32>} : memref<16x64xf32, #tpu.memory_space<vmem>>, vector<1x16xf32>,
      %swap3A_581 = vector.shape_cast %swap3A_580 : vector<1x16xf32> to vector<16xf32>
      %swap3A_582 = vector.shape_cast %scan3A_575#2 : vector<16xf32> to vector<1x16xf32>
      tpu.vector_store %arg7[%swap3A_578, %swap3A_579], %swap3A_582 {strides = array<i32>} : memref<16x64xf32, #tpu.memory_space<vmem>>, vector<1x16xf32>,
      %swap3A_583 = arith.constant 11 : i32
      %swap3A_584 = arith.index_cast %swap3A_583 : i32 to index
      %swap3A_585 = arith.constant 16 : index
      %swap3A_586 = tpu.vector_load %arg7[%swap3A_584, %swap3A_585] {strides = array<i32>} : memref<16x64xf32, #tpu.memory_space<vmem>>, vector<1x16xf32>,
      %swap3A_587 = vector.shape_cast %swap3A_586 : vector<1x16xf32> to vector<16xf32>
      %swap3A_588 = vector.shape_cast %scan3A_575#3 : vector<16xf32> to vector<1x16xf32>
      tpu.vector_store %arg7[%swap3A_584, %swap3A_585], %swap3A_588 {strides = array<i32>} : memref<16x64xf32, #tpu.memory_space<vmem>>, vector<1x16xf32>,
      %swap3A_589 = arith.constant 11 : i32
      %swap3A_590 = arith.index_cast %swap3A_589 : i32 to index
      %swap3A_591 = arith.constant 32 : index
      %swap3A_592 = tpu.vector_load %arg7[%swap3A_590, %swap3A_591] {strides = array<i32>} : memref<16x64xf32, #tpu.memory_space<vmem>>, vector<1x16xf32>,
      %swap3A_593 = vector.shape_cast %swap3A_592 : vector<1x16xf32> to vector<16xf32>
      %swap3A_594 = vector.shape_cast %scan3A_575#4 : vector<16xf32> to vector<1x16xf32>
      tpu.vector_store %arg7[%swap3A_590, %swap3A_591], %swap3A_594 {strides = array<i32>} : memref<16x64xf32, #tpu.memory_space<vmem>>, vector<1x16xf32>,
      %swap3A_595 = arith.constant 11 : i32
      %swap3A_596 = arith.index_cast %swap3A_595 : i32 to index
      %swap3A_597 = arith.constant 48 : index
      %swap3A_598 = tpu.vector_load %arg7[%swap3A_596, %swap3A_597] {strides = array<i32>} : memref<16x64xf32, #tpu.memory_space<vmem>>, vector<1x16xf32>,
      %swap3A_599 = vector.shape_cast %swap3A_598 : vector<1x16xf32> to vector<16xf32>
      %swap3A_600 = vector.shape_cast %scan3A_575#5 : vector<16xf32> to vector<1x16xf32>
      tpu.vector_store %arg7[%swap3A_596, %swap3A_597], %swap3A_600 {strides = array<i32>} : memref<16x64xf32, #tpu.memory_space<vmem>>, vector<1x16xf32>,
      %eq3A_601 = arith.constant 11 : i32
      %eq3A_602 = vector.broadcast %eq3A_601 : i32 to vector<16xi32>
      %eq3A_603 = arith.cmpi eq, %iota3A_420, %eq3A_602 : vector<16xi32>
      %select_n3A_604 = arith.select %eq3A_603, %scan3A_575#1, %select_n3A_558 : vector<16xi1>, vector<16xi32>
      %broadcast_in_dim3A_605 = arith.constant -1.000000e+00 : f32
      %broadcast_in_dim3A_606 = vector.broadcast %broadcast_in_dim3A_605 : f32 to vector<16xf32>
      %broadcast_in_dim3A_607 = arith.constant 0 : i32
      %broadcast_in_dim3A_608 = vector.broadcast %broadcast_in_dim3A_607 : i32 to vector<16xi32>
      %broadcast_in_dim3A_609 = arith.constant 0.000000e+00 : f32
      %broadcast_in_dim3A_610 = vector.broadcast %broadcast_in_dim3A_609 : f32 to vector<16xf32>
      %broadcast_in_dim3A_611 = arith.constant 0.000000e+00 : f32
      %broadcast_in_dim3A_612 = vector.broadcast %broadcast_in_dim3A_611 : f32 to vector<16xf32>
      %broadcast_in_dim3A_613 = arith.constant 0.000000e+00 : f32
      %broadcast_in_dim3A_614 = vector.broadcast %broadcast_in_dim3A_613 : f32 to vector<16xf32>
      %broadcast_in_dim3A_615 = arith.constant 0.000000e+00 : f32
      %broadcast_in_dim3A_616 = vector.broadcast %broadcast_in_dim3A_615 : f32 to vector<16xf32>
      %scan3A_617 = arith.constant 0 : i32
      %scan3A_618 = arith.constant 100 : i32
      %scan3A_619 = arith.addi %scan3A_617, %scan3A_618 : i32
      %scan3A_620 = arith.constant 1 : i32
      %scan3A_621:6 = scf.for %scan3A_801 = %scan3A_617 to %scan3A_619 step %scan3A_620 iter_args(%scan3A_802 = %broadcast_in_dim3A_606, %scan3A_803 = %broadcast_in_dim3A_608, %scan3A_804 = %broadcast_in_dim3A_610, %scan3A_805 = %broadcast_in_dim3A_612, %scan3A_806 = %broadcast_in_dim3A_614, %scan3A_807 = %broadcast_in_dim3A_616) -> (vector<16xf32>, vector<16xi32>, vector<16xf32>, vector<16xf32>, vector<16xf32>, vector<16xf32>)  : i32 {
        %get3A = arith.constant 4 : i32
        %get3A_808 = arith.index_cast %get3A : i32 to index
        %get3A_809 = arith.index_cast %scan3A_801 : i32 to index
        %get3A_810 = arith.constant 0 : index
        %get3A_811 = tpu.vector_load %arg6[%get3A_808, %get3A_809, %get3A_810] {strides = array<i32>} : memref<8x100x64xf32, #tpu.memory_space<vmem>>, vector<1x1x16xf32>,
        %get3A_812 = vector.shape_cast %get3A_811 : vector<1x1x16xf32> to vector<16xf32>
        %get3A_813 = arith.constant 4 : i32
        %get3A_814 = arith.index_cast %get3A_813 : i32 to index
        %get3A_815 = arith.index_cast %scan3A_801 : i32 to index
        %get3A_816 = arith.constant 16 : index
        %get3A_817 = tpu.vector_load %arg6[%get3A_814, %get3A_815, %get3A_816] {strides = array<i32>} : memref<8x100x64xf32, #tpu.memory_space<vmem>>, vector<1x1x16xf32>,
        %get3A_818 = vector.shape_cast %get3A_817 : vector<1x1x16xf32> to vector<16xf32>
        %get3A_819 = arith.constant 4 : i32
        %get3A_820 = arith.index_cast %get3A_819 : i32 to index
        %get3A_821 = arith.index_cast %scan3A_801 : i32 to index
        %get3A_822 = arith.constant 32 : index
        %get3A_823 = tpu.vector_load %arg6[%get3A_820, %get3A_821, %get3A_822] {strides = array<i32>} : memref<8x100x64xf32, #tpu.memory_space<vmem>>, vector<1x1x16xf32>,
        %get3A_824 = vector.shape_cast %get3A_823 : vector<1x1x16xf32> to vector<16xf32>
        %get3A_825 = arith.constant 4 : i32
        %get3A_826 = arith.index_cast %get3A_825 : i32 to index
        %get3A_827 = arith.index_cast %scan3A_801 : i32 to index
        %get3A_828 = arith.constant 48 : index
        %get3A_829 = tpu.vector_load %arg6[%get3A_826, %get3A_827, %get3A_828] {strides = array<i32>} : memref<8x100x64xf32, #tpu.memory_space<vmem>>, vector<1x1x16xf32>,
        %get3A_830 = vector.shape_cast %get3A_829 : vector<1x1x16xf32> to vector<16xf32>
        %mul3A_831 = arith.mulf %get3A_812, %get3A_812 : vector<16xf32>
        %mul3A_832 = arith.mulf %get3A_818, %get3A_818 : vector<16xf32>
        %add3A_833 = arith.addf %mul3A_831, %mul3A_832 : vector<16xf32>
        %mul3A_834 = arith.mulf %get3A_824, %get3A_824 : vector<16xf32>
        %add3A_835 = arith.addf %add3A_833, %mul3A_834 : vector<16xf32>
        %mul3A_836 = arith.mulf %get3A_830, %get3A_830 : vector<16xf32>
        %add3A_837 = arith.addf %add3A_835, %mul3A_836 : vector<16xf32>
        %xor3A = arith.constant 8 : i32
        %xor3A_838 = vector.broadcast %xor3A : i32 to vector<16xi32>
        %xor3A_839 = arith.xori %iota3A_420, %xor3A_838 : vector<16xi32>
        %broadcast_in_dim3A_840 = vector.shape_cast %xor3A_839 : vector<16xi32> to vector<16x1xi32>
        %gather3A = vector.shape_cast %broadcast_in_dim3A_840 : vector<16x1xi32> to vector<16xi32>
        %gather3A_841 = tpu.dynamic_gather %add3A_837[%gather3A] in [0] : vector<16xf32>, vector<16xi32> -> vector<16xf32>
        %add3A_842 = arith.addf %add3A_837, %gather3A_841 : vector<16xf32>
        %xor3A_843 = arith.constant 4 : i32
        %xor3A_844 = vector.broadcast %xor3A_843 : i32 to vector<16xi32>
        %xor3A_845 = arith.xori %iota3A_420, %xor3A_844 : vector<16xi32>
        %broadcast_in_dim3A_846 = vector.shape_cast %xor3A_845 : vector<16xi32> to vector<16x1xi32>
        %gather3A_847 = vector.shape_cast %broadcast_in_dim3A_846 : vector<16x1xi32> to vector<16xi32>
        %gather3A_848 = tpu.dynamic_gather %add3A_842[%gather3A_847] in [0] : vector<16xf32>, vector<16xi32> -> vector<16xf32>
        %add3A_849 = arith.addf %add3A_842, %gather3A_848 : vector<16xf32>
        %xor3A_850 = arith.constant 2 : i32
        %xor3A_851 = vector.broadcast %xor3A_850 : i32 to vector<16xi32>
        %xor3A_852 = arith.xori %iota3A_420, %xor3A_851 : vector<16xi32>
        %broadcast_in_dim3A_853 = vector.shape_cast %xor3A_852 : vector<16xi32> to vector<16x1xi32>
        %gather3A_854 = vector.shape_cast %broadcast_in_dim3A_853 : vector<16x1xi32> to vector<16xi32>
        %gather3A_855 = tpu.dynamic_gather %add3A_849[%gather3A_854] in [0] : vector<16xf32>, vector<16xi32> -> vector<16xf32>
        %add3A_856 = arith.addf %add3A_849, %gather3A_855 : vector<16xf32>
        %xor3A_857 = arith.constant 1 : i32
        %xor3A_858 = vector.broadcast %xor3A_857 : i32 to vector<16xi32>
        %xor3A_859 = arith.xori %iota3A_420, %xor3A_858 : vector<16xi32>
        %broadcast_in_dim3A_860 = vector.shape_cast %xor3A_859 : vector<16xi32> to vector<16x1xi32>
        %gather3A_861 = vector.shape_cast %broadcast_in_dim3A_860 : vector<16x1xi32> to vector<16xi32>
        %gather3A_862 = tpu.dynamic_gather %add3A_856[%gather3A_861] in [0] : vector<16xf32>, vector<16xi32> -> vector<16xf32>
        %add3A_863 = arith.addf %add3A_856, %gather3A_862 : vector<16xf32>
        %broadcast_in_dim3A_864 = vector.broadcast %scan3A_801 : i32 to vector<16xi32>
        %gt3A = arith.cmpf ogt, %add3A_863, %scan3A_802 : vector<16xf32>
        %select_n3A_865 = arith.select %gt3A, %add3A_863, %scan3A_802 : vector<16xi1>, vector<16xf32>
        %select_n3A_866 = arith.select %gt3A, %broadcast_in_dim3A_864, %scan3A_803 : vector<16xi1>, vector<16xi32>
        %select_n3A_867 = arith.select %gt3A, %get3A_812, %scan3A_804 : vector<16xi1>, vector<16xf32>
        %select_n3A_868 = arith.select %gt3A, %get3A_818, %scan3A_805 : vector<16xi1>, vector<16xf32>
        %select_n3A_869 = arith.select %gt3A, %get3A_824, %scan3A_806 : vector<16xi1>, vector<16xf32>
        %select_n3A_870 = arith.select %gt3A, %get3A_830, %scan3A_807 : vector<16xi1>, vector<16xf32>
        scf.yield %select_n3A_865, %select_n3A_866, %select_n3A_867, %select_n3A_868, %select_n3A_869, %select_n3A_870 : vector<16xf32>, vector<16xi32>, vector<16xf32>, vector<16xf32>, vector<16xf32>, vector<16xf32>
      }
      %scan3A_622 = arith.constant 100 : i32
      %swap3A_623 = arith.constant 12 : i32
      %swap3A_624 = arith.index_cast %swap3A_623 : i32 to index
      %swap3A_625 = arith.constant 0 : index
      %swap3A_626 = tpu.vector_load %arg7[%swap3A_624, %swap3A_625] {strides = array<i32>} : memref<16x64xf32, #tpu.memory_space<vmem>>, vector<1x16xf32>,
      %swap3A_627 = vector.shape_cast %swap3A_626 : vector<1x16xf32> to vector<16xf32>
      %swap3A_628 = vector.shape_cast %scan3A_621#2 : vector<16xf32> to vector<1x16xf32>
      tpu.vector_store %arg7[%swap3A_624, %swap3A_625], %swap3A_628 {strides = array<i32>} : memref<16x64xf32, #tpu.memory_space<vmem>>, vector<1x16xf32>,
      %swap3A_629 = arith.constant 12 : i32
      %swap3A_630 = arith.index_cast %swap3A_629 : i32 to index
      %swap3A_631 = arith.constant 16 : index
      %swap3A_632 = tpu.vector_load %arg7[%swap3A_630, %swap3A_631] {strides = array<i32>} : memref<16x64xf32, #tpu.memory_space<vmem>>, vector<1x16xf32>,
      %swap3A_633 = vector.shape_cast %swap3A_632 : vector<1x16xf32> to vector<16xf32>
      %swap3A_634 = vector.shape_cast %scan3A_621#3 : vector<16xf32> to vector<1x16xf32>
      tpu.vector_store %arg7[%swap3A_630, %swap3A_631], %swap3A_634 {strides = array<i32>} : memref<16x64xf32, #tpu.memory_space<vmem>>, vector<1x16xf32>,
      %swap3A_635 = arith.constant 12 : i32
      %swap3A_636 = arith.index_cast %swap3A_635 : i32 to index
      %swap3A_637 = arith.constant 32 : index
      %swap3A_638 = tpu.vector_load %arg7[%swap3A_636, %swap3A_637] {strides = array<i32>} : memref<16x64xf32, #tpu.memory_space<vmem>>, vector<1x16xf32>,
      %swap3A_639 = vector.shape_cast %swap3A_638 : vector<1x16xf32> to vector<16xf32>
      %swap3A_640 = vector.shape_cast %scan3A_621#4 : vector<16xf32> to vector<1x16xf32>
      tpu.vector_store %arg7[%swap3A_636, %swap3A_637], %swap3A_640 {strides = array<i32>} : memref<16x64xf32, #tpu.memory_space<vmem>>, vector<1x16xf32>,
      %swap3A_641 = arith.constant 12 : i32
      %swap3A_642 = arith.index_cast %swap3A_641 : i32 to index
      %swap3A_643 = arith.constant 48 : index
      %swap3A_644 = tpu.vector_load %arg7[%swap3A_642, %swap3A_643] {strides = array<i32>} : memref<16x64xf32, #tpu.memory_space<vmem>>, vector<1x16xf32>,
      %swap3A_645 = vector.shape_cast %swap3A_644 : vector<1x16xf32> to vector<16xf32>
      %swap3A_646 = vector.shape_cast %scan3A_621#5 : vector<16xf32> to vector<1x16xf32>
      tpu.vector_store %arg7[%swap3A_642, %swap3A_643], %swap3A_646 {strides = array<i32>} : memref<16x64xf32, #tpu.memory_space<vmem>>, vector<1x16xf32>,
      %eq3A_647 = arith.constant 12 : i32
      %eq3A_648 = vector.broadcast %eq3A_647 : i32 to vector<16xi32>
      %eq3A_649 = arith.cmpi eq, %iota3A_420, %eq3A_648 : vector<16xi32>
      %select_n3A_650 = arith.select %eq3A_649, %scan3A_621#1, %select_n3A_604 : vector<16xi1>, vector<16xi32>
      %broadcast_in_dim3A_651 = arith.constant -1.000000e+00 : f32
      %broadcast_in_dim3A_652 = vector.broadcast %broadcast_in_dim3A_651 : f32 to vector<16xf32>
      %broadcast_in_dim3A_653 = arith.constant 0 : i32
      %broadcast_in_dim3A_654 = vector.broadcast %broadcast_in_dim3A_653 : i32 to vector<16xi32>
      %broadcast_in_dim3A_655 = arith.constant 0.000000e+00 : f32
      %broadcast_in_dim3A_656 = vector.broadcast %broadcast_in_dim3A_655 : f32 to vector<16xf32>
      %broadcast_in_dim3A_657 = arith.constant 0.000000e+00 : f32
      %broadcast_in_dim3A_658 = vector.broadcast %broadcast_in_dim3A_657 : f32 to vector<16xf32>
      %broadcast_in_dim3A_659 = arith.constant 0.000000e+00 : f32
      %broadcast_in_dim3A_660 = vector.broadcast %broadcast_in_dim3A_659 : f32 to vector<16xf32>
      %broadcast_in_dim3A_661 = arith.constant 0.000000e+00 : f32
      %broadcast_in_dim3A_662 = vector.broadcast %broadcast_in_dim3A_661 : f32 to vector<16xf32>
      %scan3A_663 = arith.constant 0 : i32
      %scan3A_664 = arith.constant 100 : i32
      %scan3A_665 = arith.addi %scan3A_663, %scan3A_664 : i32
      %scan3A_666 = arith.constant 1 : i32
      %scan3A_667:6 = scf.for %scan3A_801 = %scan3A_663 to %scan3A_665 step %scan3A_666 iter_args(%scan3A_802 = %broadcast_in_dim3A_652, %scan3A_803 = %broadcast_in_dim3A_654, %scan3A_804 = %broadcast_in_dim3A_656, %scan3A_805 = %broadcast_in_dim3A_658, %scan3A_806 = %broadcast_in_dim3A_660, %scan3A_807 = %broadcast_in_dim3A_662) -> (vector<16xf32>, vector<16xi32>, vector<16xf32>, vector<16xf32>, vector<16xf32>, vector<16xf32>)  : i32 {
        %get3A = arith.constant 5 : i32
        %get3A_808 = arith.index_cast %get3A : i32 to index
        %get3A_809 = arith.index_cast %scan3A_801 : i32 to index
        %get3A_810 = arith.constant 0 : index
        %get3A_811 = tpu.vector_load %arg6[%get3A_808, %get3A_809, %get3A_810] {strides = array<i32>} : memref<8x100x64xf32, #tpu.memory_space<vmem>>, vector<1x1x16xf32>,
        %get3A_812 = vector.shape_cast %get3A_811 : vector<1x1x16xf32> to vector<16xf32>
        %get3A_813 = arith.constant 5 : i32
        %get3A_814 = arith.index_cast %get3A_813 : i32 to index
        %get3A_815 = arith.index_cast %scan3A_801 : i32 to index
        %get3A_816 = arith.constant 16 : index
        %get3A_817 = tpu.vector_load %arg6[%get3A_814, %get3A_815, %get3A_816] {strides = array<i32>} : memref<8x100x64xf32, #tpu.memory_space<vmem>>, vector<1x1x16xf32>,
        %get3A_818 = vector.shape_cast %get3A_817 : vector<1x1x16xf32> to vector<16xf32>
        %get3A_819 = arith.constant 5 : i32
        %get3A_820 = arith.index_cast %get3A_819 : i32 to index
        %get3A_821 = arith.index_cast %scan3A_801 : i32 to index
        %get3A_822 = arith.constant 32 : index
        %get3A_823 = tpu.vector_load %arg6[%get3A_820, %get3A_821, %get3A_822] {strides = array<i32>} : memref<8x100x64xf32, #tpu.memory_space<vmem>>, vector<1x1x16xf32>,
        %get3A_824 = vector.shape_cast %get3A_823 : vector<1x1x16xf32> to vector<16xf32>
        %get3A_825 = arith.constant 5 : i32
        %get3A_826 = arith.index_cast %get3A_825 : i32 to index
        %get3A_827 = arith.index_cast %scan3A_801 : i32 to index
        %get3A_828 = arith.constant 48 : index
        %get3A_829 = tpu.vector_load %arg6[%get3A_826, %get3A_827, %get3A_828] {strides = array<i32>} : memref<8x100x64xf32, #tpu.memory_space<vmem>>, vector<1x1x16xf32>,
        %get3A_830 = vector.shape_cast %get3A_829 : vector<1x1x16xf32> to vector<16xf32>
        %mul3A_831 = arith.mulf %get3A_812, %get3A_812 : vector<16xf32>
        %mul3A_832 = arith.mulf %get3A_818, %get3A_818 : vector<16xf32>
        %add3A_833 = arith.addf %mul3A_831, %mul3A_832 : vector<16xf32>
        %mul3A_834 = arith.mulf %get3A_824, %get3A_824 : vector<16xf32>
        %add3A_835 = arith.addf %add3A_833, %mul3A_834 : vector<16xf32>
        %mul3A_836 = arith.mulf %get3A_830, %get3A_830 : vector<16xf32>
        %add3A_837 = arith.addf %add3A_835, %mul3A_836 : vector<16xf32>
        %xor3A = arith.constant 8 : i32
        %xor3A_838 = vector.broadcast %xor3A : i32 to vector<16xi32>
        %xor3A_839 = arith.xori %iota3A_420, %xor3A_838 : vector<16xi32>
        %broadcast_in_dim3A_840 = vector.shape_cast %xor3A_839 : vector<16xi32> to vector<16x1xi32>
        %gather3A = vector.shape_cast %broadcast_in_dim3A_840 : vector<16x1xi32> to vector<16xi32>
        %gather3A_841 = tpu.dynamic_gather %add3A_837[%gather3A] in [0] : vector<16xf32>, vector<16xi32> -> vector<16xf32>
        %add3A_842 = arith.addf %add3A_837, %gather3A_841 : vector<16xf32>
        %xor3A_843 = arith.constant 4 : i32
        %xor3A_844 = vector.broadcast %xor3A_843 : i32 to vector<16xi32>
        %xor3A_845 = arith.xori %iota3A_420, %xor3A_844 : vector<16xi32>
        %broadcast_in_dim3A_846 = vector.shape_cast %xor3A_845 : vector<16xi32> to vector<16x1xi32>
        %gather3A_847 = vector.shape_cast %broadcast_in_dim3A_846 : vector<16x1xi32> to vector<16xi32>
        %gather3A_848 = tpu.dynamic_gather %add3A_842[%gather3A_847] in [0] : vector<16xf32>, vector<16xi32> -> vector<16xf32>
        %add3A_849 = arith.addf %add3A_842, %gather3A_848 : vector<16xf32>
        %xor3A_850 = arith.constant 2 : i32
        %xor3A_851 = vector.broadcast %xor3A_850 : i32 to vector<16xi32>
        %xor3A_852 = arith.xori %iota3A_420, %xor3A_851 : vector<16xi32>
        %broadcast_in_dim3A_853 = vector.shape_cast %xor3A_852 : vector<16xi32> to vector<16x1xi32>
        %gather3A_854 = vector.shape_cast %broadcast_in_dim3A_853 : vector<16x1xi32> to vector<16xi32>
        %gather3A_855 = tpu.dynamic_gather %add3A_849[%gather3A_854] in [0] : vector<16xf32>, vector<16xi32> -> vector<16xf32>
        %add3A_856 = arith.addf %add3A_849, %gather3A_855 : vector<16xf32>
        %xor3A_857 = arith.constant 1 : i32
        %xor3A_858 = vector.broadcast %xor3A_857 : i32 to vector<16xi32>
        %xor3A_859 = arith.xori %iota3A_420, %xor3A_858 : vector<16xi32>
        %broadcast_in_dim3A_860 = vector.shape_cast %xor3A_859 : vector<16xi32> to vector<16x1xi32>
        %gather3A_861 = vector.shape_cast %broadcast_in_dim3A_860 : vector<16x1xi32> to vector<16xi32>
        %gather3A_862 = tpu.dynamic_gather %add3A_856[%gather3A_861] in [0] : vector<16xf32>, vector<16xi32> -> vector<16xf32>
        %add3A_863 = arith.addf %add3A_856, %gather3A_862 : vector<16xf32>
        %broadcast_in_dim3A_864 = vector.broadcast %scan3A_801 : i32 to vector<16xi32>
        %gt3A = arith.cmpf ogt, %add3A_863, %scan3A_802 : vector<16xf32>
        %select_n3A_865 = arith.select %gt3A, %add3A_863, %scan3A_802 : vector<16xi1>, vector<16xf32>
        %select_n3A_866 = arith.select %gt3A, %broadcast_in_dim3A_864, %scan3A_803 : vector<16xi1>, vector<16xi32>
        %select_n3A_867 = arith.select %gt3A, %get3A_812, %scan3A_804 : vector<16xi1>, vector<16xf32>
        %select_n3A_868 = arith.select %gt3A, %get3A_818, %scan3A_805 : vector<16xi1>, vector<16xf32>
        %select_n3A_869 = arith.select %gt3A, %get3A_824, %scan3A_806 : vector<16xi1>, vector<16xf32>
        %select_n3A_870 = arith.select %gt3A, %get3A_830, %scan3A_807 : vector<16xi1>, vector<16xf32>
        scf.yield %select_n3A_865, %select_n3A_866, %select_n3A_867, %select_n3A_868, %select_n3A_869, %select_n3A_870 : vector<16xf32>, vector<16xi32>, vector<16xf32>, vector<16xf32>, vector<16xf32>, vector<16xf32>
      }
      %scan3A_668 = arith.constant 100 : i32
      %swap3A_669 = arith.constant 13 : i32
      %swap3A_670 = arith.index_cast %swap3A_669 : i32 to index
      %swap3A_671 = arith.constant 0 : index
      %swap3A_672 = tpu.vector_load %arg7[%swap3A_670, %swap3A_671] {strides = array<i32>} : memref<16x64xf32, #tpu.memory_space<vmem>>, vector<1x16xf32>,
      %swap3A_673 = vector.shape_cast %swap3A_672 : vector<1x16xf32> to vector<16xf32>
      %swap3A_674 = vector.shape_cast %scan3A_667#2 : vector<16xf32> to vector<1x16xf32>
      tpu.vector_store %arg7[%swap3A_670, %swap3A_671], %swap3A_674 {strides = array<i32>} : memref<16x64xf32, #tpu.memory_space<vmem>>, vector<1x16xf32>,
      %swap3A_675 = arith.constant 13 : i32
      %swap3A_676 = arith.index_cast %swap3A_675 : i32 to index
      %swap3A_677 = arith.constant 16 : index
      %swap3A_678 = tpu.vector_load %arg7[%swap3A_676, %swap3A_677] {strides = array<i32>} : memref<16x64xf32, #tpu.memory_space<vmem>>, vector<1x16xf32>,
      %swap3A_679 = vector.shape_cast %swap3A_678 : vector<1x16xf32> to vector<16xf32>
      %swap3A_680 = vector.shape_cast %scan3A_667#3 : vector<16xf32> to vector<1x16xf32>
      tpu.vector_store %arg7[%swap3A_676, %swap3A_677], %swap3A_680 {strides = array<i32>} : memref<16x64xf32, #tpu.memory_space<vmem>>, vector<1x16xf32>,
      %swap3A_681 = arith.constant 13 : i32
      %swap3A_682 = arith.index_cast %swap3A_681 : i32 to index
      %swap3A_683 = arith.constant 32 : index
      %swap3A_684 = tpu.vector_load %arg7[%swap3A_682, %swap3A_683] {strides = array<i32>} : memref<16x64xf32, #tpu.memory_space<vmem>>, vector<1x16xf32>,
      %swap3A_685 = vector.shape_cast %swap3A_684 : vector<1x16xf32> to vector<16xf32>
      %swap3A_686 = vector.shape_cast %scan3A_667#4 : vector<16xf32> to vector<1x16xf32>
      tpu.vector_store %arg7[%swap3A_682, %swap3A_683], %swap3A_686 {strides = array<i32>} : memref<16x64xf32, #tpu.memory_space<vmem>>, vector<1x16xf32>,
      %swap3A_687 = arith.constant 13 : i32
      %swap3A_688 = arith.index_cast %swap3A_687 : i32 to index
      %swap3A_689 = arith.constant 48 : index
      %swap3A_690 = tpu.vector_load %arg7[%swap3A_688, %swap3A_689] {strides = array<i32>} : memref<16x64xf32, #tpu.memory_space<vmem>>, vector<1x16xf32>,
      %swap3A_691 = vector.shape_cast %swap3A_690 : vector<1x16xf32> to vector<16xf32>
      %swap3A_692 = vector.shape_cast %scan3A_667#5 : vector<16xf32> to vector<1x16xf32>
      tpu.vector_store %arg7[%swap3A_688, %swap3A_689], %swap3A_692 {strides = array<i32>} : memref<16x64xf32, #tpu.memory_space<vmem>>, vector<1x16xf32>,
      %eq3A_693 = arith.constant 13 : i32
      %eq3A_694 = vector.broadcast %eq3A_693 : i32 to vector<16xi32>
      %eq3A_695 = arith.cmpi eq, %iota3A_420, %eq3A_694 : vector<16xi32>
      %select_n3A_696 = arith.select %eq3A_695, %scan3A_667#1, %select_n3A_650 : vector<16xi1>, vector<16xi32>
      %broadcast_in_dim3A_697 = arith.constant -1.000000e+00 : f32
      %broadcast_in_dim3A_698 = vector.broadcast %broadcast_in_dim3A_697 : f32 to vector<16xf32>
      %broadcast_in_dim3A_699 = arith.constant 0 : i32
      %broadcast_in_dim3A_700 = vector.broadcast %broadcast_in_dim3A_699 : i32 to vector<16xi32>
      %broadcast_in_dim3A_701 = arith.constant 0.000000e+00 : f32
      %broadcast_in_dim3A_702 = vector.broadcast %broadcast_in_dim3A_701 : f32 to vector<16xf32>
      %broadcast_in_dim3A_703 = arith.constant 0.000000e+00 : f32
      %broadcast_in_dim3A_704 = vector.broadcast %broadcast_in_dim3A_703 : f32 to vector<16xf32>
      %broadcast_in_dim3A_705 = arith.constant 0.000000e+00 : f32
      %broadcast_in_dim3A_706 = vector.broadcast %broadcast_in_dim3A_705 : f32 to vector<16xf32>
      %broadcast_in_dim3A_707 = arith.constant 0.000000e+00 : f32
      %broadcast_in_dim3A_708 = vector.broadcast %broadcast_in_dim3A_707 : f32 to vector<16xf32>
      %scan3A_709 = arith.constant 0 : i32
      %scan3A_710 = arith.constant 100 : i32
      %scan3A_711 = arith.addi %scan3A_709, %scan3A_710 : i32
      %scan3A_712 = arith.constant 1 : i32
      %scan3A_713:6 = scf.for %scan3A_801 = %scan3A_709 to %scan3A_711 step %scan3A_712 iter_args(%scan3A_802 = %broadcast_in_dim3A_698, %scan3A_803 = %broadcast_in_dim3A_700, %scan3A_804 = %broadcast_in_dim3A_702, %scan3A_805 = %broadcast_in_dim3A_704, %scan3A_806 = %broadcast_in_dim3A_706, %scan3A_807 = %broadcast_in_dim3A_708) -> (vector<16xf32>, vector<16xi32>, vector<16xf32>, vector<16xf32>, vector<16xf32>, vector<16xf32>)  : i32 {
        %get3A = arith.constant 6 : i32
        %get3A_808 = arith.index_cast %get3A : i32 to index
        %get3A_809 = arith.index_cast %scan3A_801 : i32 to index
        %get3A_810 = arith.constant 0 : index
        %get3A_811 = tpu.vector_load %arg6[%get3A_808, %get3A_809, %get3A_810] {strides = array<i32>} : memref<8x100x64xf32, #tpu.memory_space<vmem>>, vector<1x1x16xf32>,
        %get3A_812 = vector.shape_cast %get3A_811 : vector<1x1x16xf32> to vector<16xf32>
        %get3A_813 = arith.constant 6 : i32
        %get3A_814 = arith.index_cast %get3A_813 : i32 to index
        %get3A_815 = arith.index_cast %scan3A_801 : i32 to index
        %get3A_816 = arith.constant 16 : index
        %get3A_817 = tpu.vector_load %arg6[%get3A_814, %get3A_815, %get3A_816] {strides = array<i32>} : memref<8x100x64xf32, #tpu.memory_space<vmem>>, vector<1x1x16xf32>,
        %get3A_818 = vector.shape_cast %get3A_817 : vector<1x1x16xf32> to vector<16xf32>
        %get3A_819 = arith.constant 6 : i32
        %get3A_820 = arith.index_cast %get3A_819 : i32 to index
        %get3A_821 = arith.index_cast %scan3A_801 : i32 to index
        %get3A_822 = arith.constant 32 : index
        %get3A_823 = tpu.vector_load %arg6[%get3A_820, %get3A_821, %get3A_822] {strides = array<i32>} : memref<8x100x64xf32, #tpu.memory_space<vmem>>, vector<1x1x16xf32>,
        %get3A_824 = vector.shape_cast %get3A_823 : vector<1x1x16xf32> to vector<16xf32>
        %get3A_825 = arith.constant 6 : i32
        %get3A_826 = arith.index_cast %get3A_825 : i32 to index
        %get3A_827 = arith.index_cast %scan3A_801 : i32 to index
        %get3A_828 = arith.constant 48 : index
        %get3A_829 = tpu.vector_load %arg6[%get3A_826, %get3A_827, %get3A_828] {strides = array<i32>} : memref<8x100x64xf32, #tpu.memory_space<vmem>>, vector<1x1x16xf32>,
        %get3A_830 = vector.shape_cast %get3A_829 : vector<1x1x16xf32> to vector<16xf32>
        %mul3A_831 = arith.mulf %get3A_812, %get3A_812 : vector<16xf32>
        %mul3A_832 = arith.mulf %get3A_818, %get3A_818 : vector<16xf32>
        %add3A_833 = arith.addf %mul3A_831, %mul3A_832 : vector<16xf32>
        %mul3A_834 = arith.mulf %get3A_824, %get3A_824 : vector<16xf32>
        %add3A_835 = arith.addf %add3A_833, %mul3A_834 : vector<16xf32>
        %mul3A_836 = arith.mulf %get3A_830, %get3A_830 : vector<16xf32>
        %add3A_837 = arith.addf %add3A_835, %mul3A_836 : vector<16xf32>
        %xor3A = arith.constant 8 : i32
        %xor3A_838 = vector.broadcast %xor3A : i32 to vector<16xi32>
        %xor3A_839 = arith.xori %iota3A_420, %xor3A_838 : vector<16xi32>
        %broadcast_in_dim3A_840 = vector.shape_cast %xor3A_839 : vector<16xi32> to vector<16x1xi32>
        %gather3A = vector.shape_cast %broadcast_in_dim3A_840 : vector<16x1xi32> to vector<16xi32>
        %gather3A_841 = tpu.dynamic_gather %add3A_837[%gather3A] in [0] : vector<16xf32>, vector<16xi32> -> vector<16xf32>
        %add3A_842 = arith.addf %add3A_837, %gather3A_841 : vector<16xf32>
        %xor3A_843 = arith.constant 4 : i32
        %xor3A_844 = vector.broadcast %xor3A_843 : i32 to vector<16xi32>
        %xor3A_845 = arith.xori %iota3A_420, %xor3A_844 : vector<16xi32>
        %broadcast_in_dim3A_846 = vector.shape_cast %xor3A_845 : vector<16xi32> to vector<16x1xi32>
        %gather3A_847 = vector.shape_cast %broadcast_in_dim3A_846 : vector<16x1xi32> to vector<16xi32>
        %gather3A_848 = tpu.dynamic_gather %add3A_842[%gather3A_847] in [0] : vector<16xf32>, vector<16xi32> -> vector<16xf32>
        %add3A_849 = arith.addf %add3A_842, %gather3A_848 : vector<16xf32>
        %xor3A_850 = arith.constant 2 : i32
        %xor3A_851 = vector.broadcast %xor3A_850 : i32 to vector<16xi32>
        %xor3A_852 = arith.xori %iota3A_420, %xor3A_851 : vector<16xi32>
        %broadcast_in_dim3A_853 = vector.shape_cast %xor3A_852 : vector<16xi32> to vector<16x1xi32>
        %gather3A_854 = vector.shape_cast %broadcast_in_dim3A_853 : vector<16x1xi32> to vector<16xi32>
        %gather3A_855 = tpu.dynamic_gather %add3A_849[%gather3A_854] in [0] : vector<16xf32>, vector<16xi32> -> vector<16xf32>
        %add3A_856 = arith.addf %add3A_849, %gather3A_855 : vector<16xf32>
        %xor3A_857 = arith.constant 1 : i32
        %xor3A_858 = vector.broadcast %xor3A_857 : i32 to vector<16xi32>
        %xor3A_859 = arith.xori %iota3A_420, %xor3A_858 : vector<16xi32>
        %broadcast_in_dim3A_860 = vector.shape_cast %xor3A_859 : vector<16xi32> to vector<16x1xi32>
        %gather3A_861 = vector.shape_cast %broadcast_in_dim3A_860 : vector<16x1xi32> to vector<16xi32>
        %gather3A_862 = tpu.dynamic_gather %add3A_856[%gather3A_861] in [0] : vector<16xf32>, vector<16xi32> -> vector<16xf32>
        %add3A_863 = arith.addf %add3A_856, %gather3A_862 : vector<16xf32>
        %broadcast_in_dim3A_864 = vector.broadcast %scan3A_801 : i32 to vector<16xi32>
        %gt3A = arith.cmpf ogt, %add3A_863, %scan3A_802 : vector<16xf32>
        %select_n3A_865 = arith.select %gt3A, %add3A_863, %scan3A_802 : vector<16xi1>, vector<16xf32>
        %select_n3A_866 = arith.select %gt3A, %broadcast_in_dim3A_864, %scan3A_803 : vector<16xi1>, vector<16xi32>
        %select_n3A_867 = arith.select %gt3A, %get3A_812, %scan3A_804 : vector<16xi1>, vector<16xf32>
        %select_n3A_868 = arith.select %gt3A, %get3A_818, %scan3A_805 : vector<16xi1>, vector<16xf32>
        %select_n3A_869 = arith.select %gt3A, %get3A_824, %scan3A_806 : vector<16xi1>, vector<16xf32>
        %select_n3A_870 = arith.select %gt3A, %get3A_830, %scan3A_807 : vector<16xi1>, vector<16xf32>
        scf.yield %select_n3A_865, %select_n3A_866, %select_n3A_867, %select_n3A_868, %select_n3A_869, %select_n3A_870 : vector<16xf32>, vector<16xi32>, vector<16xf32>, vector<16xf32>, vector<16xf32>, vector<16xf32>
      }
      %scan3A_714 = arith.constant 100 : i32
      %swap3A_715 = arith.constant 14 : i32
      %swap3A_716 = arith.index_cast %swap3A_715 : i32 to index
      %swap3A_717 = arith.constant 0 : index
      %swap3A_718 = tpu.vector_load %arg7[%swap3A_716, %swap3A_717] {strides = array<i32>} : memref<16x64xf32, #tpu.memory_space<vmem>>, vector<1x16xf32>,
      %swap3A_719 = vector.shape_cast %swap3A_718 : vector<1x16xf32> to vector<16xf32>
      %swap3A_720 = vector.shape_cast %scan3A_713#2 : vector<16xf32> to vector<1x16xf32>
      tpu.vector_store %arg7[%swap3A_716, %swap3A_717], %swap3A_720 {strides = array<i32>} : memref<16x64xf32, #tpu.memory_space<vmem>>, vector<1x16xf32>,
      %swap3A_721 = arith.constant 14 : i32
      %swap3A_722 = arith.index_cast %swap3A_721 : i32 to index
      %swap3A_723 = arith.constant 16 : index
      %swap3A_724 = tpu.vector_load %arg7[%swap3A_722, %swap3A_723] {strides = array<i32>} : memref<16x64xf32, #tpu.memory_space<vmem>>, vector<1x16xf32>,
      %swap3A_725 = vector.shape_cast %swap3A_724 : vector<1x16xf32> to vector<16xf32>
      %swap3A_726 = vector.shape_cast %scan3A_713#3 : vector<16xf32> to vector<1x16xf32>
      tpu.vector_store %arg7[%swap3A_722, %swap3A_723], %swap3A_726 {strides = array<i32>} : memref<16x64xf32, #tpu.memory_space<vmem>>, vector<1x16xf32>,
      %swap3A_727 = arith.constant 14 : i32
      %swap3A_728 = arith.index_cast %swap3A_727 : i32 to index
      %swap3A_729 = arith.constant 32 : index
      %swap3A_730 = tpu.vector_load %arg7[%swap3A_728, %swap3A_729] {strides = array<i32>} : memref<16x64xf32, #tpu.memory_space<vmem>>, vector<1x16xf32>,
      %swap3A_731 = vector.shape_cast %swap3A_730 : vector<1x16xf32> to vector<16xf32>
      %swap3A_732 = vector.shape_cast %scan3A_713#4 : vector<16xf32> to vector<1x16xf32>
      tpu.vector_store %arg7[%swap3A_728, %swap3A_729], %swap3A_732 {strides = array<i32>} : memref<16x64xf32, #tpu.memory_space<vmem>>, vector<1x16xf32>,
      %swap3A_733 = arith.constant 14 : i32
      %swap3A_734 = arith.index_cast %swap3A_733 : i32 to index
      %swap3A_735 = arith.constant 48 : index
      %swap3A_736 = tpu.vector_load %arg7[%swap3A_734, %swap3A_735] {strides = array<i32>} : memref<16x64xf32, #tpu.memory_space<vmem>>, vector<1x16xf32>,
      %swap3A_737 = vector.shape_cast %swap3A_736 : vector<1x16xf32> to vector<16xf32>
      %swap3A_738 = vector.shape_cast %scan3A_713#5 : vector<16xf32> to vector<1x16xf32>
      tpu.vector_store %arg7[%swap3A_734, %swap3A_735], %swap3A_738 {strides = array<i32>} : memref<16x64xf32, #tpu.memory_space<vmem>>, vector<1x16xf32>,
      %eq3A_739 = arith.constant 14 : i32
      %eq3A_740 = vector.broadcast %eq3A_739 : i32 to vector<16xi32>
      %eq3A_741 = arith.cmpi eq, %iota3A_420, %eq3A_740 : vector<16xi32>
      %select_n3A_742 = arith.select %eq3A_741, %scan3A_713#1, %select_n3A_696 : vector<16xi1>, vector<16xi32>
      %broadcast_in_dim3A_743 = arith.constant -1.000000e+00 : f32
      %broadcast_in_dim3A_744 = vector.broadcast %broadcast_in_dim3A_743 : f32 to vector<16xf32>
      %broadcast_in_dim3A_745 = arith.constant 0 : i32
      %broadcast_in_dim3A_746 = vector.broadcast %broadcast_in_dim3A_745 : i32 to vector<16xi32>
      %broadcast_in_dim3A_747 = arith.constant 0.000000e+00 : f32
      %broadcast_in_dim3A_748 = vector.broadcast %broadcast_in_dim3A_747 : f32 to vector<16xf32>
      %broadcast_in_dim3A_749 = arith.constant 0.000000e+00 : f32
      %broadcast_in_dim3A_750 = vector.broadcast %broadcast_in_dim3A_749 : f32 to vector<16xf32>
      %broadcast_in_dim3A_751 = arith.constant 0.000000e+00 : f32
      %broadcast_in_dim3A_752 = vector.broadcast %broadcast_in_dim3A_751 : f32 to vector<16xf32>
      %broadcast_in_dim3A_753 = arith.constant 0.000000e+00 : f32
      %broadcast_in_dim3A_754 = vector.broadcast %broadcast_in_dim3A_753 : f32 to vector<16xf32>
      %scan3A_755 = arith.constant 0 : i32
      %scan3A_756 = arith.constant 100 : i32
      %scan3A_757 = arith.addi %scan3A_755, %scan3A_756 : i32
      %scan3A_758 = arith.constant 1 : i32
      %scan3A_759:6 = scf.for %scan3A_801 = %scan3A_755 to %scan3A_757 step %scan3A_758 iter_args(%scan3A_802 = %broadcast_in_dim3A_744, %scan3A_803 = %broadcast_in_dim3A_746, %scan3A_804 = %broadcast_in_dim3A_748, %scan3A_805 = %broadcast_in_dim3A_750, %scan3A_806 = %broadcast_in_dim3A_752, %scan3A_807 = %broadcast_in_dim3A_754) -> (vector<16xf32>, vector<16xi32>, vector<16xf32>, vector<16xf32>, vector<16xf32>, vector<16xf32>)  : i32 {
        %get3A = arith.constant 7 : i32
        %get3A_808 = arith.index_cast %get3A : i32 to index
        %get3A_809 = arith.index_cast %scan3A_801 : i32 to index
        %get3A_810 = arith.constant 0 : index
        %get3A_811 = tpu.vector_load %arg6[%get3A_808, %get3A_809, %get3A_810] {strides = array<i32>} : memref<8x100x64xf32, #tpu.memory_space<vmem>>, vector<1x1x16xf32>,
        %get3A_812 = vector.shape_cast %get3A_811 : vector<1x1x16xf32> to vector<16xf32>
        %get3A_813 = arith.constant 7 : i32
        %get3A_814 = arith.index_cast %get3A_813 : i32 to index
        %get3A_815 = arith.index_cast %scan3A_801 : i32 to index
        %get3A_816 = arith.constant 16 : index
        %get3A_817 = tpu.vector_load %arg6[%get3A_814, %get3A_815, %get3A_816] {strides = array<i32>} : memref<8x100x64xf32, #tpu.memory_space<vmem>>, vector<1x1x16xf32>,
        %get3A_818 = vector.shape_cast %get3A_817 : vector<1x1x16xf32> to vector<16xf32>
        %get3A_819 = arith.constant 7 : i32
        %get3A_820 = arith.index_cast %get3A_819 : i32 to index
        %get3A_821 = arith.index_cast %scan3A_801 : i32 to index
        %get3A_822 = arith.constant 32 : index
        %get3A_823 = tpu.vector_load %arg6[%get3A_820, %get3A_821, %get3A_822] {strides = array<i32>} : memref<8x100x64xf32, #tpu.memory_space<vmem>>, vector<1x1x16xf32>,
        %get3A_824 = vector.shape_cast %get3A_823 : vector<1x1x16xf32> to vector<16xf32>
        %get3A_825 = arith.constant 7 : i32
        %get3A_826 = arith.index_cast %get3A_825 : i32 to index
        %get3A_827 = arith.index_cast %scan3A_801 : i32 to index
        %get3A_828 = arith.constant 48 : index
        %get3A_829 = tpu.vector_load %arg6[%get3A_826, %get3A_827, %get3A_828] {strides = array<i32>} : memref<8x100x64xf32, #tpu.memory_space<vmem>>, vector<1x1x16xf32>,
        %get3A_830 = vector.shape_cast %get3A_829 : vector<1x1x16xf32> to vector<16xf32>
        %mul3A_831 = arith.mulf %get3A_812, %get3A_812 : vector<16xf32>
        %mul3A_832 = arith.mulf %get3A_818, %get3A_818 : vector<16xf32>
        %add3A_833 = arith.addf %mul3A_831, %mul3A_832 : vector<16xf32>
        %mul3A_834 = arith.mulf %get3A_824, %get3A_824 : vector<16xf32>
        %add3A_835 = arith.addf %add3A_833, %mul3A_834 : vector<16xf32>
        %mul3A_836 = arith.mulf %get3A_830, %get3A_830 : vector<16xf32>
        %add3A_837 = arith.addf %add3A_835, %mul3A_836 : vector<16xf32>
        %xor3A = arith.constant 8 : i32
        %xor3A_838 = vector.broadcast %xor3A : i32 to vector<16xi32>
        %xor3A_839 = arith.xori %iota3A_420, %xor3A_838 : vector<16xi32>
        %broadcast_in_dim3A_840 = vector.shape_cast %xor3A_839 : vector<16xi32> to vector<16x1xi32>
        %gather3A = vector.shape_cast %broadcast_in_dim3A_840 : vector<16x1xi32> to vector<16xi32>
        %gather3A_841 = tpu.dynamic_gather %add3A_837[%gather3A] in [0] : vector<16xf32>, vector<16xi32> -> vector<16xf32>
        %add3A_842 = arith.addf %add3A_837, %gather3A_841 : vector<16xf32>
        %xor3A_843 = arith.constant 4 : i32
        %xor3A_844 = vector.broadcast %xor3A_843 : i32 to vector<16xi32>
        %xor3A_845 = arith.xori %iota3A_420, %xor3A_844 : vector<16xi32>
        %broadcast_in_dim3A_846 = vector.shape_cast %xor3A_845 : vector<16xi32> to vector<16x1xi32>
        %gather3A_847 = vector.shape_cast %broadcast_in_dim3A_846 : vector<16x1xi32> to vector<16xi32>
        %gather3A_848 = tpu.dynamic_gather %add3A_842[%gather3A_847] in [0] : vector<16xf32>, vector<16xi32> -> vector<16xf32>
        %add3A_849 = arith.addf %add3A_842, %gather3A_848 : vector<16xf32>
        %xor3A_850 = arith.constant 2 : i32
        %xor3A_851 = vector.broadcast %xor3A_850 : i32 to vector<16xi32>
        %xor3A_852 = arith.xori %iota3A_420, %xor3A_851 : vector<16xi32>
        %broadcast_in_dim3A_853 = vector.shape_cast %xor3A_852 : vector<16xi32> to vector<16x1xi32>
        %gather3A_854 = vector.shape_cast %broadcast_in_dim3A_853 : vector<16x1xi32> to vector<16xi32>
        %gather3A_855 = tpu.dynamic_gather %add3A_849[%gather3A_854] in [0] : vector<16xf32>, vector<16xi32> -> vector<16xf32>
        %add3A_856 = arith.addf %add3A_849, %gather3A_855 : vector<16xf32>
        %xor3A_857 = arith.constant 1 : i32
        %xor3A_858 = vector.broadcast %xor3A_857 : i32 to vector<16xi32>
        %xor3A_859 = arith.xori %iota3A_420, %xor3A_858 : vector<16xi32>
        %broadcast_in_dim3A_860 = vector.shape_cast %xor3A_859 : vector<16xi32> to vector<16x1xi32>
        %gather3A_861 = vector.shape_cast %broadcast_in_dim3A_860 : vector<16x1xi32> to vector<16xi32>
        %gather3A_862 = tpu.dynamic_gather %add3A_856[%gather3A_861] in [0] : vector<16xf32>, vector<16xi32> -> vector<16xf32>
        %add3A_863 = arith.addf %add3A_856, %gather3A_862 : vector<16xf32>
        %broadcast_in_dim3A_864 = vector.broadcast %scan3A_801 : i32 to vector<16xi32>
        %gt3A = arith.cmpf ogt, %add3A_863, %scan3A_802 : vector<16xf32>
        %select_n3A_865 = arith.select %gt3A, %add3A_863, %scan3A_802 : vector<16xi1>, vector<16xf32>
        %select_n3A_866 = arith.select %gt3A, %broadcast_in_dim3A_864, %scan3A_803 : vector<16xi1>, vector<16xi32>
        %select_n3A_867 = arith.select %gt3A, %get3A_812, %scan3A_804 : vector<16xi1>, vector<16xf32>
        %select_n3A_868 = arith.select %gt3A, %get3A_818, %scan3A_805 : vector<16xi1>, vector<16xf32>
        %select_n3A_869 = arith.select %gt3A, %get3A_824, %scan3A_806 : vector<16xi1>, vector<16xf32>
        %select_n3A_870 = arith.select %gt3A, %get3A_830, %scan3A_807 : vector<16xi1>, vector<16xf32>
        scf.yield %select_n3A_865, %select_n3A_866, %select_n3A_867, %select_n3A_868, %select_n3A_869, %select_n3A_870 : vector<16xf32>, vector<16xi32>, vector<16xf32>, vector<16xf32>, vector<16xf32>, vector<16xf32>
      }
      %scan3A_760 = arith.constant 100 : i32
      %swap3A_761 = arith.constant 15 : i32
      %swap3A_762 = arith.index_cast %swap3A_761 : i32 to index
      %swap3A_763 = arith.constant 0 : index
      %swap3A_764 = tpu.vector_load %arg7[%swap3A_762, %swap3A_763] {strides = array<i32>} : memref<16x64xf32, #tpu.memory_space<vmem>>, vector<1x16xf32>,
      %swap3A_765 = vector.shape_cast %swap3A_764 : vector<1x16xf32> to vector<16xf32>
      %swap3A_766 = vector.shape_cast %scan3A_759#2 : vector<16xf32> to vector<1x16xf32>
      tpu.vector_store %arg7[%swap3A_762, %swap3A_763], %swap3A_766 {strides = array<i32>} : memref<16x64xf32, #tpu.memory_space<vmem>>, vector<1x16xf32>,
      %swap3A_767 = arith.constant 15 : i32
      %swap3A_768 = arith.index_cast %swap3A_767 : i32 to index
      %swap3A_769 = arith.constant 16 : index
      %swap3A_770 = tpu.vector_load %arg7[%swap3A_768, %swap3A_769] {strides = array<i32>} : memref<16x64xf32, #tpu.memory_space<vmem>>, vector<1x16xf32>,
      %swap3A_771 = vector.shape_cast %swap3A_770 : vector<1x16xf32> to vector<16xf32>
      %swap3A_772 = vector.shape_cast %scan3A_759#3 : vector<16xf32> to vector<1x16xf32>
      tpu.vector_store %arg7[%swap3A_768, %swap3A_769], %swap3A_772 {strides = array<i32>} : memref<16x64xf32, #tpu.memory_space<vmem>>, vector<1x16xf32>,
      %swap3A_773 = arith.constant 15 : i32
      %swap3A_774 = arith.index_cast %swap3A_773 : i32 to index
      %swap3A_775 = arith.constant 32 : index
      %swap3A_776 = tpu.vector_load %arg7[%swap3A_774, %swap3A_775] {strides = array<i32>} : memref<16x64xf32, #tpu.memory_space<vmem>>, vector<1x16xf32>,
      %swap3A_777 = vector.shape_cast %swap3A_776 : vector<1x16xf32> to vector<16xf32>
      %swap3A_778 = vector.shape_cast %scan3A_759#4 : vector<16xf32> to vector<1x16xf32>
      tpu.vector_store %arg7[%swap3A_774, %swap3A_775], %swap3A_778 {strides = array<i32>} : memref<16x64xf32, #tpu.memory_space<vmem>>, vector<1x16xf32>,
      %swap3A_779 = arith.constant 15 : i32
      %swap3A_780 = arith.index_cast %swap3A_779 : i32 to index
      %swap3A_781 = arith.constant 48 : index
      %swap3A_782 = tpu.vector_load %arg7[%swap3A_780, %swap3A_781] {strides = array<i32>} : memref<16x64xf32, #tpu.memory_space<vmem>>, vector<1x16xf32>,
      %swap3A_783 = vector.shape_cast %swap3A_782 : vector<1x16xf32> to vector<16xf32>
      %swap3A_784 = vector.shape_cast %scan3A_759#5 : vector<16xf32> to vector<1x16xf32>
      tpu.vector_store %arg7[%swap3A_780, %swap3A_781], %swap3A_784 {strides = array<i32>} : memref<16x64xf32, #tpu.memory_space<vmem>>, vector<1x16xf32>,
      %eq3A_785 = arith.constant 15 : i32
      %eq3A_786 = vector.broadcast %eq3A_785 : i32 to vector<16xi32>
      %eq3A_787 = arith.cmpi eq, %iota3A_420, %eq3A_786 : vector<16xi32>
      %select_n3A_788 = arith.select %eq3A_787, %scan3A_759#1, %select_n3A_742 : vector<16xi1>, vector<16xi32>
      %mul3A_789 = arith.constant 2 : i32
      %mul3A_790 = arith.muli %scan3A_16, %mul3A_789 : i32
      %mul3A_791 = arith.constant 8 : i32
      %mul3A_792 = arith.muli %mul3A_790, %mul3A_791 : i32
      %multiple_of3A = tpu.assume_multiple %mul3A_792, 16 : i32
      %swap3A_793 = arith.index_cast %multiple_of3A : i32 to index
      %swap3A_794 = tpu.vector_load %arg8[%swap3A_793] {strides = array<i32>} : memref<512xi32, #tpu.memory_space<vmem>>, vector<16xi32>,
      %swap3A_795 = vector.shape_cast %swap3A_794 : vector<16xi32> to vector<16xi32>
      %swap3A_796 = vector.shape_cast %select_n3A_788 : vector<16xi32> to vector<16xi32>
      tpu.vector_store %arg8[%swap3A_793], %swap3A_796 {strides = array<i32>} : memref<512xi32, #tpu.memory_space<vmem>>, vector<16xi32>,
      %mul3A_797 = arith.constant 8 : i32
      %mul3A_798 = arith.muli %mul3A_19, %mul3A_797 : i32
      %add3A_799 = arith.addi %mul3A_2, %mul3A_798 : i32
      "tpu.region"() ({
        %run_scoped3A = tpu.sem_alloc : memref<!tpu.dma_semaphore, #tpu.memory_space<semaphore_mem>>
        %dma_start3A_801 = arith.constant 0 : i32
        %dma_start3A_802 = tpu.memref_slice %arg3[%add3A_799, %dma_start3A_801] : memref<16384x64xf32, #tpu.memory_space<hbm>> -> memref<16x64xf32, #tpu.memory_space<hbm>>
        %dma_start3A_803 = arith.constant 0 : i32
        %dma_start3A_804 = tpu.memref_slice %arg3[%add3A_799, %dma_start3A_803] : memref<16384x64xf32, #tpu.memory_space<hbm>> -> memref<16x64xf32, #tpu.memory_space<hbm>>
        tpu.enqueue_dma source(%arg7 : memref<16x64xf32, #tpu.memory_space<vmem>>) target(%dma_start3A_804 : memref<16x64xf32, #tpu.memory_space<hbm>>) target_semaphore(%run_scoped3A : memref<!tpu.dma_semaphore, #tpu.memory_space<semaphore_mem>>)
        %dma_wait3A_805 = arith.constant 0 : i32
        %dma_wait3A_806 = tpu.memref_slice %arg3[%add3A_799, %dma_wait3A_805] : memref<16384x64xf32, #tpu.memory_space<hbm>> -> memref<16x64xf32, #tpu.memory_space<hbm>>
        %dma_wait3A_807 = arith.constant 0 : i32
        %dma_wait3A_808 = tpu.memref_slice %arg3[%add3A_799, %dma_wait3A_807] : memref<16384x64xf32, #tpu.memory_space<hbm>> -> memref<16x64xf32, #tpu.memory_space<hbm>>
        tpu.wait_dma2 semaphore(%run_scoped3A : memref<!tpu.dma_semaphore, #tpu.memory_space<semaphore_mem>>) src(%arg7 : memref<16x64xf32, #tpu.memory_space<vmem>>) dst(%dma_wait3A_808 : memref<16x64xf32, #tpu.memory_space<hbm>>)
        tpu.yield
      }) : () -> ()
      %scan3A_800 = arith.constant 0 : i32
      scf.yield %scan3A_800 : i32
    }
    %scan3A_15 = arith.constant 32 : i32
    "tpu.region"() ({
      %run_scoped3A = tpu.sem_alloc : memref<!tpu.dma_semaphore, #tpu.memory_space<semaphore_mem>>
      %dma_start3A_16 = tpu.memref_slice %arg4[%mul3A_2] : memref<16384xi32, #tpu.memory_space<hbm>> -> memref<512xi32, #tpu.memory_space<hbm>>
      %dma_start3A_17 = tpu.memref_slice %arg4[%mul3A_2] : memref<16384xi32, #tpu.memory_space<hbm>> -> memref<512xi32, #tpu.memory_space<hbm>>
      tpu.enqueue_dma source(%arg8 : memref<512xi32, #tpu.memory_space<vmem>>) target(%dma_start3A_17 : memref<512xi32, #tpu.memory_space<hbm>>) target_semaphore(%run_scoped3A : memref<!tpu.dma_semaphore, #tpu.memory_space<semaphore_mem>>)
      %dma_wait3A = tpu.memref_slice %arg4[%mul3A_2] : memref<16384xi32, #tpu.memory_space<hbm>> -> memref<512xi32, #tpu.memory_space<hbm>>
      %dma_wait3A_18 = tpu.memref_slice %arg4[%mul3A_2] : memref<16384xi32, #tpu.memory_space<hbm>> -> memref<512xi32, #tpu.memory_space<hbm>>
      tpu.wait_dma2 semaphore(%run_scoped3A : memref<!tpu.dma_semaphore, #tpu.memory_space<semaphore_mem>>) src(%arg8 : memref<512xi32, #tpu.memory_space<vmem>>) dst(%dma_wait3A_18 : memref<512xi32, #tpu.memory_space<hbm>>)
      tpu.yield
    }) : () -> ()
    return
  }
}

</mosaic_0001>

<sc_bundles>
// kernel: kernel.3.cloned.1.call-start
scs
__scs_entry_jumppad:
0x0: {  	(pc) =	sbr.rel $0x88, $3  }
0x1: {  	(tag) =	ssettag $0x0;
	lr =	simm.s32 $0x1  }
0x2: {  	[smem:$0x3FA0] =	sst lr;
	_ =	strace $0xD0000000  }
0x3: {  	_ = 	snop  }
0x4: {  	_ = 	snop  }
0x5: {  	_ = 	snop  }
0x6: {  	_ = 	snop  }
0x7: {  	_ = 	snop  }
__scs_overlays_trampoline_lowered:
0x8: {  	[smem:$0x3FAF] =	sst s0  }
0x9: {  	[smem:$0x3FB0] =	sst s1  }
0xa: {  	[smem:$0x3FB1] =	sst s2  }
0xb: {  	[smem:$0x3FB2] =	sst s3  }
0xc: {  	[smem:$0x3FB3] =	sst s4  }
0xd: {  	[smem:$0x3FB4] =	sst s5  }
0xe: {  	[smem:$0x3FB5] =	sst s6  }
0xf: {  	[smem:$0x3FB6] =	sst s7  }
0x10: {  	[smem:$0x3FB7] =	sst s8  }
0x11: {  	[smem:$0x3FB8] =	sst s9;
	s0 =	simm.s32 @!p0 $0x0  }
0x12: {  	s1 =	sld [smem:$0x3F9E];
	s0 =	simm.s32 @p0 $0x1  }
0x13: {  	[smem:$0x3FB9] =	sst s0;
	s0 =	simm.s32 @!p1 $0x0  }
0x14: {  	s2 =	sld [smem:$0x3F9D];
	s0 =	simm.s32 @p1 $0x1  }
0x15: {  	[smem:$0x3FBA] =	sst s0;
	s0 =	simm.s32 @!p2 $0x0  }
0x16: {  	s3 =	sld [smem:$0x3FDB];
	s0 =	simm.s32 @p2 $0x1  }
0x17: {  	s4 =	simm.s32 $0x1BF5;
	[smem:$0x3FBC] =	sst s0  }
0x18: {  	s0 =	sld [smem:$0x3F9F];
	_ =	swait.ge [sflag:s4], $0x0  }
0x19: {  	s7 =	sld [smem:$0x3FA0]  }
0x1a: {  	s8 =	sadd.s32 $0xFFFFE003, lr  }
0x1b: {  	s9 =	sadd.s32 $0xFFFFFEF7, lr;
	s5 =	simm.s32 $0xFFFFFFFF;
	p2 =	slt.u32 s8, $0xFFFFF086  }
0x1c: {  	p1 =	slt.u32 s9, $0xF7A;
	s5 =	simm.s32 @!p2 $0x0  }
0x1d: {  	s5 =	simm.s32 @p1 $0x1;
	p0 =	seq.s32 s7, s2  }
0x1e: {  	s7 =	smul.u32 @!p0 $0xF7A, s2;
	p2 =	seq.s32 @!p0 s5, $0x0  }
0x1f: {  	s9 =	smul.u32 $0xF7A, s1;
	s8 =	simm.s32 @!p0 $0x1BF5;
	p2 =	por !p2, p0  }
0x20: {  	[sflag:s8] =	ssyncset.s32 @!p0 $0xFFFFF086;
	s6 =	sadd.s32 @!p0 s3, s7;
	s7 =	simm.s32 @!p0 $0x108  }
0x21: {  	s3 =	sadd.s32 s3, s9;
	s6 =	sadd.s32 @!p0 $0x88, s6;
	s7 =	simm.s32 @p2 $0x1082  }
0x22: {  	[simem:s7], [sflag:s8] =	dma.local @!p0 [hbm:s6], $0xF7A  }
0x23: {  	s9 =	sor.u32 $0xD0000000, s2;
	s6 =	simm.s32 $0x108;
	_ =	swait.ge @!p0 [sflag:s8], $0x0  }
0x24: {  	s3 =	sadd.s32 $0x88, s3;
	s6 =	simm.s32 @!p1 $0x1082;
	[sflag:s4] =	ssyncset.s32 $0xFFFFF086  }
0x25: {  	[simem:s6], [sflag:s4] =	dma.local [hbm:s3], $0xF7A  }
0x26: {  	[smem:$0x3FA0] =	sst s1;
	(tag) =	ssettag s2;
	_ =	strace s9  }
0x27: {  	s1 =	sld [smem:$0x3FB0]  }
0x28: {  	s2 =	sld [smem:$0x3FB1]  }
0x29: {  	s4 =	sld [smem:$0x3FB3]  }
0x2a: {  	p0 =	seq.s32 s5, $0x0;
	s5 =	sld [smem:$0x3FB4]  }
0x2b: {  	s6 =	sld [smem:$0x3FB5]  }
0x2c: {  	s7 =	sld [smem:$0x3FB6]  }
0x2d: {  	s3 =	simm.s32 $0x108;
	s8 =	sld [smem:$0x3FB7]  }
0x2e: {  	s3 =	simm.s32 @!p0 $0x1082;
	s9 =	sld [smem:$0x3FB8]  }
0x2f: {  	lr =	sadd.s32 s0, s3;
	s0 =	sld [smem:$0x3FAF]  }
0x30: {  	s3 =	sld [smem:$0x3FB2]  }
0x31: {  	[smem:$0x3FBB] =	sst s10  }
0x32: {  	s10 =	sld [smem:$0x3FB9];
	_ =	sdelay $0x3  }
0x33: {  	p0 =	seq.s32 s10, $0x1;
	s10 =	sld [smem:$0x3FBB];
	_ =	sdelay $0x3  }
0x34: {  	[smem:$0x3FBB] =	sst s10  }
0x35: {  	s10 =	sld [smem:$0x3FBA];
	_ =	sdelay $0x3  }
0x36: {  	p1 =	seq.s32 s10, $0x1;
	s10 =	sld [smem:$0x3FBB];
	_ =	sdelay $0x3  }
0x37: {  	[smem:$0x3FBB] =	sst s10  }
0x38: {  	s10 =	sld [smem:$0x3FBC]  }
0x39: {  	_ = 	snop;
	(pc) =	sbr.ind lr, $3  }
0x3a: {  	_ = 	snop  }
0x3b: {  	_ = 	snop  }
0x3c: {  	p2 =	seq.s32 s10, $0x1;
	s10 =	sld [smem:$0x3FBB]  }
0x3d: {  	_ =	shalt  }
0x3e: {  	_ =	shalt  }
0x3f: {  	_ =	shalt  }
0x40: {  	_ =	shalt  }
0x41: {  	_ =	shalt  }
0x42: {  	_ =	shalt  }
0x43: {  	_ =	shalt  }
0x44: {  	_ =	shalt  }
0x45: {  	_ =	shalt  }
0x46: {  	_ =	shalt  }
0x47: {  	_ =	shalt  }
0x48: {  	_ =	shalt  }
0x49: {  	_ =	shalt  }
0x4a: {  	_ =	shalt  }
0x4b: {  	_ =	shalt  }
0x4c: {  	_ =	shalt  }
0x4d: {  	_ =	shalt  }
0x4e: {  	_ =	shalt  }
0x4f: {  	_ =	shalt  }
0x50: {  	_ =	shalt  }
0x51: {  	_ =	shalt  }
0x52: {  	_ =	shalt  }
0x53: {  	_ =	shalt  }
0x54: {  	_ =	shalt  }
0x55: {  	_ =	shalt  }
0x56: {  	_ =	shalt  }
0x57: {  	_ =	shalt  }
0x58: {  	_ =	shalt  }
0x59: {  	_ =	shalt  }
0x5a: {  	_ =	shalt  }
0x5b: {  	_ =	shalt  }
0x5c: {  	_ =	shalt  }
0x5d: {  	_ =	shalt  }
0x5e: {  	_ =	shalt  }
0x5f: {  	_ =	shalt  }
0x60: {  	_ =	shalt  }
0x61: {  	_ =	shalt  }
0x62: {  	_ =	shalt  }
0x63: {  	_ =	shalt  }
0x64: {  	_ =	shalt  }
0x65: {  	_ =	shalt  }
0x66: {  	_ =	shalt  }
0x67: {  	_ =	shalt  }
0x68: {  	_ =	shalt  }
0x69: {  	_ =	shalt  }
0x6a: {  	_ =	shalt  }
0x6b: {  	_ =	shalt  }
0x6c: {  	_ =	shalt  }
0x6d: {  	_ =	shalt  }
0x6e: {  	_ =	shalt  }
0x6f: {  	_ =	shalt  }
0x70: {  	_ =	shalt  }
0x71: {  	_ =	shalt  }
0x72: {  	_ =	shalt  }
0x73: {  	_ =	shalt  }
0x74: {  	_ =	shalt  }
0x75: {  	_ =	shalt  }
0x76: {  	_ =	shalt  }
0x77: {  	_ =	shalt  }
0x78: {  	_ =	shalt  }
0x79: {  	_ =	shalt  }
0x7a: {  	_ =	shalt  }
0x7b: {  	_ =	shalt  }
0x7c: {  	_ =	shalt  }
0x7d: {  	_ =	shalt  }
0x7e: {  	_ =	shalt  }
0x7f: {  	_ =	shalt  }
0x80: {  	_ =	shalt  }
0x81: {  	_ =	shalt  }
0x82: {  	_ =	shalt  }
0x83: {  	_ =	shalt  }
0x84: {  	_ =	shalt  }
0x85: {  	_ =	shalt  }
0x86: {  	_ =	shalt  }
0x87: {  	_ =	shalt  }
.Lfunc_end0:
.L_simem_size_0:
called_computation_lowered:
.L_overlay_start_0:
0x88: {  	s2 =	sld [smem:$0x3FD9]  }
0x89: {  	s3 =	sld [smem:$0x3FFE];
	_ =	sdelay $0x1  }
0x8a: {  	s1 =	srdreg.scid  }
0x8b: {  	s0 =	sand.u32 $0x1, s1  }
0x8c: {  	s14 =	sshll.u32 s0, $0xA;
	s2 =	sadd.s32 s3, s2  }
0x8d: {  	s2 =	sadd.s32 s2, s14  }
0x8e: {  	[smem:$0x3FC7] =	sst s2  }
0x8f: {  	_ = 	snop  }
0x90: {  	s2 =	sld [smem:$0x3FD0];
	_ =	sdelay $0x2  }
0x91: {  	s15 =	simm.s32 $0xA;
	s4 =	simm.s32 $0x10  }
0x92: {  	[smem:s4], [sflag:s15] =	dma.local [hbm:s2], $0x1  }
0x93: {  	_ =	swait.eq [sflag:s15], $0x1  }
0x94: {  	[sflag:s15] =	ssyncset.done $0x0  }
0x95: {  	s16 =	sld [smem:$0x10];
	[sflag:s15] =	ssyncadd.s32 $0xFFFFFFFF  }
0x96: {  	s17 =	sld [smem:$0x11];
	(tm) =	ssettm $0x1  }
0x97: {  	s18 =	sld [smem:$0x3FFB];
	_ =	sdelay $0x3  }
0x98: {  	_ =	strace s18  }
0x99: {  	s4 =	sld [smem:$0x3FFC];
	_ =	sdelay $0x3  }
0x9a: {  	_ =	strace s4  }
0x9b: {  	s4 =	sld [smem:$0x3FFD];
	_ =	sdelay $0x3  }
0x9c: {  	_ =	strace s4  }
0x9d: {  	_ =	strace $0x8FFFFFFF  }
0x9e: {  	s19 =	sld [smem:$0x3FDB];
	_ =	sdelay $0x1  }
0x9f: {  	s5 =	simm.s32 $_scs_section_size  }
0xa0: {  	s6 =	simm.s32 $_size__tile_overlayer_lowered;
	s7 =	simm.s32 $_tile_overlayer_lowered  }
0xa1: {  	s22 =	simm.s32 $0x1BFF;
	s21 =	sshll.u32 s7, $0x1;
	s4 =	sadd.s32 s5, s19  }
0xa2: {  	s8 =	simm.s32 $0x0;
	s20 =	sshll.u32 s6, $0x1;
	s6 =	sadd.s32 s21, s4  }
0xa3: {  	[timem:s8], [sflag:s22] =	dma.local [hbm:s6], s20  }
0xa4: {  	_ =	swait.ge [sflag:s22], s20  }
0xa5: {  	s5 =	ssub.s32 $0x0, s20;
	[sflag:s22] =	ssyncset.done $0x0  }
0xa6: {  	[sflag:s22] =	ssyncadd.s32 s5;
	_ =	sdelay $0x1  }
0xa7: {  	s23 =	simm.s32 $0x1B8B  }
0xa8: {  	_ =	swait.ge [sflag:s23], $0x1  }
0xa9: {  	[sflag:s23] =	ssyncset.done $0x0  }
0xaa: {  	s25 =	simm.s32 $0x1B8E;
	s24 =	sld [smem:$0x3FFE];
	[sflag:s23] =	ssyncadd.s32 $0xFFFFFFFF  }
0xab: {  	s26 =	simm.s32 $execute0_lowered;
	[smem:$0x3FD2] =	sst s25  }
0xac: {  	s6 =	sshll.u32 s26, $0x1;
	_ =	strace $0x80000046;
	[dreg:$0x1] =	wrdreg $0xFFFFFFFF  }
0xad: {  	s28 =	simm.s32 $_size_execute0_lowered;
	s4 =	sadd.s32 s4, s6;
	[dreg:$0x0] =	wrdreg $0x0  }
0xae: {  	s6 =	sshll.u32 s28, $0x1;
	[dreg:$0x2] =	wrdreg s4  }
0xaf: {  	[dreg:$0x3] =	wrdreg s6  }
0xb0: {  	[dreg:$0x4] =	wrdreg $0xC0  }
0xb1: {  	_ =	task [dreg:s8], $0x5FFFF  }
0xb2: {  	[dreg:$0x1] =	wrdreg $0xFFFFFFFF  }
0xb3: {  	[dreg:$0x0] =	wrdreg $0x60  }
0xb4: {  	[dreg:$0x2] =	wrdreg s24  }
0xb5: {  	[dreg:$0x3] =	wrdreg s16  }
0xb6: {  	[dreg:$0x4] =	wrdreg s17  }
0xb7: {  	[dreg:$0x5] =	wrdreg $0x9  }
0xb8: {  	_ =	task.clear_ibuf [dreg:s8], $0x6FFFF;
	_ =	strace $0x90000046  }
0xb9: {  	s29 =	simm.s32 $0x9;
	_ =	strace $0x80000048  }
0xba: {  	_ =	swait.ge [sflag:s29], $0x1  }
0xbb: {  	[sflag:s29] =	ssyncadd.s32 $0xFFFFFFFF  }
0xbc: {  	_ =	strace $0x90000048  }
0xbd: {  	_ =	sfence  }
0xbe: {  	s30 =	sld [smem:$0x0];
	_ =	sdelay $0x2  }
0xbf: {  	s31 =	sshll.u32 s1, $0xD;
	s1 =	sshrl.u32 s1, $0x2  }
0xc0: {  	s3 =	sand.u32 $0x4000, s31;
	s1 =	sadd.s32 s1, s30  }
0xc1: {  	s0 =	sor.u32 s3, s0;
	s1 =	sshll.u32 s1, $0x11  }
0xc2: {  	s0 =	sor.u32 s1, s0  }
0xc3: {  	s0 =	sadd.s32 $0x8F2B, s0  }
0xc4: {  	[sflag:s0] =	ssyncadd.remote.s32 $0x1  }
0xc5: {  	_ =	sfence.sel $0xFFFF  }
0xc6: {  	[dreg:$0x0] =	wrdreg $0xFFFFFFFF;
	(pc) =	sbr.abs _section_cstart, $3  }
0xc7: {  	[dreg:$0x1] =	wrdreg $0xFFFFFFFF  }
0xc8: {  	_ =	task.clear_ibuf [dreg:s8], $0x2FFFF;
	_ =	strace $0x9FFFFFFF  }
0xc9: {  	(tm) =	ssettm $0x7FFFFFFF  }
tec
execute0_lowered:
.L_overlay_start_1:
0x0: {  	(tag) =	ssettag $0x1  }
0x1: {  	v0 =	vimm.s32 $0xFEDCBA98;
	v1 =	vimm.s32 $0x76543210;
	s1 =	srdreg.scid;
	v2 =	vimm.s32 $0xBA98FEDC  }
0x2: {  	s5 =	rddreg [dreg:$0x0];
	s0 =	stileid.u32;
	v3 =	vimm.s32 $0x32107654;
	v4 =	vimm.s32 $0xDCFE98BA;
	v5 =	vimm.s32 $0x54761032  }
0x3: {  	s8 =	rddreg [dreg:$0x2];
	s2 =	simm.s32 $0x0;
	v6 =	vimm.s32 $0xEFCDAB89;
	v7 =	vimm.s32 $0x67452301;
	s11 =	simm.s32 $0xC800  }
0x4: {  	s12 =	simm.s32 $0x2;
	s13 =	simm.s32 $0x19000;
	s14 =	simm.s32 $0x3;
	v0 =	vunpack.c.l.s4.s8 v0;
	v1 =	vunpack.c.l.s4.s8 v1;
	v2 =	vunpack.c.l.s4.s8 v2  }
0x5: {  	s15 =	simm.s32 $0x19400;
	s4 =	sand.u32 $0x1, s1;
	s1 =	rddreg [dreg:$0x1];
	v3 =	vunpack.c.l.s4.s8 v3;
	v4 =	vunpack.c.l.s4.s8 v4;
	v5 =	vunpack.c.l.s4.s8 v5  }
0x6: {  	s16 =	simm.s32 $0x0;
	s3 =	sshll.u32 s0, $0xA;
	[smem:$0x7FF] =	sst s2;
	v6 =	vunpack.c.l.s4.s8 v6;
	v7 =	vunpack.c.l.s4.s8 v7;
	v0 =	vunpack.c.0.s8.s32 v0  }
0x7: {  	s5 =	sadd.s32 $0x1A00800, s5;
	s6 =	sshll.u32 s4, $0x9;
	s31 =	ssub.s32 $0x2, s4;
	v1 =	vunpack.c.0.s8.s32 v1;
	v2 =	vunpack.c.0.s8.s32 v2;
	v3 =	vunpack.c.0.s8.s32 v3  }
0x8: {  	s4 =	rddreg [dreg:$0x3];
	s3 =	sor.u32 s6, s3;
	s9 =	sshrl.u32 s31, $0x1;
	v4 =	vunpack.c.0.s8.s32 v4;
	v5 =	vunpack.c.0.s8.s32 v5;
	v0 =	vand.u32 $0xF, v0  }
0x9: {  	v6 =	vunpack.c.0.s8.s32 v6;
	v7 =	vunpack.c.0.s8.s32 v7;
	s7 =	smul.u32 $0x320, s3;
	s9 =	ssub.s32 s31, s9;
	s10 =	sshrl.u32 s3, $0x3;
	v0 =	vcombine.low v0, v1  }
0xa: {  	_ =	strace $0x80000047;
	s8 =	sadd.s32 s8, s10;
	s9 =	smax.u32 s9, $0x1;
	v1 =	vcombine.low v3, v2;
	v2 =	vcombine.low v5, v4  }
0xb: {  	s10 =	simm.s32 $0x1;
	s6 =	sadd.s32 s5, s7;
	s7 =	sor.u32 $0x10, s3;
	v3 =	vcombine.low v7, v6  }
.LBB2_1:
0xc: {  	[tilespmem:s2], [sflag:$0x1] =	stream.linear.gather [hbm4b:s6+s2], $0xC800, $0x38;
	[tilespmem:$0x19600] =	vst v63  }
0xd: {  	s18 =	simm.s32 $0x0  }
.LBB2_2:
0xe: {  	s17 =	sshll.u32 s18, $0x4  }
0xf: {  	s19 =	sadd.s32 s17, s3  }
0x10: {  	s19 =	smul.u32 $0x320, s19  }
0x11: {  	_ =	swait.ge [sflag:s10], $0xC800  }
0x12: {  	s29 =	simm.s32 $0x20;
	[sflag:s10] =	ssyncset.done $0x0;
	s19 =	sadd.s32 s5, s19  }
0x13: {  	[sflag:s10] =	ssyncadd.s32 $0xFFFF3800;
	s20 =	sadd.s32 $0x1900, s19;
	s19 =	simm.s32 $0x0  }
0x14: {  	[tilespmem:s11], [sflag:$0x2] =	stream.linear.gather [hbm4b:s20+s19], $0xC800, $0x38;
	[tilespmem:$0x19600] =	vst v63  }
0x15: {  	v6 =	vld [tilespmem:s29+$0xFFFFFFF0]  }
0x16: {  	v7 =	vld [tilespmem:s29+$0xFFFFFFE0];
	_ =	sdelay $0x1  }
0x17: {  	v5 =	vld [tilespmem:s29+$0x0];
	_ =	sdelay $0x1  }
0x18: {  	s30 =	simm.s32 $0x60;
	v11 =	vld [tilespmem:s29+$0x10]  }
0x19: {  	v9 =	vld [tilespmem:s30+$0xFFFFFFF0];
	v4 =	vmul.f32 v6, v6;
	v8 =	vmul.f32 v7, v7  }
0x1a: {  	v10 =	vld [tilespmem:s30+$0xFFFFFFE0]  }
0x1b: {  	v12 =	vmul.f32 v5, v5;
	v4 =	vadd.f32 v4, v8  }
0x1c: {  	v8 =	vld [tilespmem:s30+$0x0]  }
0x1d: {  	v13 =	vmul.f32 v11, v11;
	v4 =	vadd.f32 v12, v4  }
0x1e: {  	v14 =	vld [tilespmem:s30+$0x10]  }
0x1f: {  	v15 =	vmul.f32 v10, v10;
	v4 =	vadd.f32 v13, v4;
	v13 =	vmul.f32 v9, v9;
	_ =	sdelay $0x1  }
0x20: {  	v17 =	vmul.f32 v8, v8;
	v15 =	vadd.f32 v13, v15  }
0x21: {  	s31 =	simm.s32 $0xA0;
	v16 =	vperm.xlane v4, v0  }
0x22: {  	v18 =	vmul.f32 v14, v14;
	v12 =	vld [tilespmem:s31+$0xFFFFFFF0];
	v17 =	vadd.f32 v17, v15  }
0x23: {  	v13 =	vld [tilespmem:s31+$0xFFFFFFE0];
	v4 =	vadd.f32 v4, v16  }
0x24: {  	v20 =	vadd.f32 v18, v17  }
0x25: {  	v16 =	vld [tilespmem:s31+$0x0];
	v19 =	vperm.xlane v4, v1  }
0x26: {  	s24 =	simm.s32 $0xE0;
	v15 =	vld [tilespmem:s31+$0x10];
	v22 =	vperm.xlane v20, v0  }
0x27: {  	v17 =	vld [tilespmem:s24+$0xFFFFFFF0];
	v4 =	vadd.f32 v4, v19  }
0x28: {  	v21 =	vmul.f32 v12, v12;
	v18 =	vld [tilespmem:s24+$0x10];
	v19 =	vmul.f32 v13, v13;
	v22 =	vadd.f32 v20, v22  }
0x29: {  	v24 =	vperm.xlane v4, v2  }
0x2a: {  	v23 =	vmul.f32 v16, v16;
	v21 =	vadd.f32 v21, v19;
	v19 =	vld [tilespmem:s24+$0xFFFFFFE0];
	v27 =	vperm.xlane v22, v1  }
0x2b: {  	v25 =	vmul.f32 v15, v15;
	v24 =	vadd.f32 v4, v24  }
0x2c: {  	v20 =	vimm.f32 $0.0e+00;
	v23 =	vadd.f32 v23, v21;
	v27 =	vadd.f32 v22, v27;
	v22 =	vld [tilespmem:s24+$0x0]  }
0x2d: {  	v30 =	vmul.f32 v17, v17;
	v26 =	vmul.f32 v18, v18;
	v21 =	vimm.f32 $-1.000000000e+00  }
0x2e: {  	v4 =	vimm.s32 $0x0;
	v28 =	vperm.xlane v24, v3;
	v29 =	vadd.f32 v25, v23  }
0x2f: {  	s22 =	simm.s32 $0x1;
	s21 =	simm.s32 $0x3;
	v25 =	vimm.f32 $0.0e+00;
	v23 =	vimm.f32 $0.0e+00;
	v32 =	vmul.f32 v19, v19  }
0x30: {  	s23 =	simm.s32 $0x4;
	s20 =	simm.s32 $0x2;
	s24 =	simm.s32 $0x120;
	v31 =	vperm.xlane v29, v0;
	v28 =	vadd.f32 v24, v28;
	v24 =	vimm.f32 $0.0e+00  }
.LBB2_3:
0x31: {  	v34 =	vmul.f32 v22, v22;
	v35 =	vperm.xlane v27, v2;
	v36 =	vmovc v18;
	v37 =	vmovc v7;
	v7 =	vmov v10  }
0x32: {  	v33 =	vld [tilespmem:s24+$0xFFFFFFF0];
	p0 =	sne.s32 s23, $0x63;
	v10 =	vmovc v13;
	v13 =	vmovc v19;
	v38 =	vmov v5;
	v5 =	vmov v8;
	v8 =	vmov v16;
	s25 =	smov.u32 s23;
	s23 =	sadd.s32 $0x1, s23  }
0x33: {  	v16 =	vmovc v22;
	v18 =	vld [tilespmem:s24+$0x10];
	v30 =	vadd.f32 v30, v32;
	v31 =	vadd.f32 v29, v31;
	vm0 =	vgt.f32 v28, v21  }
0x34: {  	v19 =	vld [tilespmem:s24+$0xFFFFFFE0];
	v35 =	vadd.f32 v27, v35;
	v21 =	vsel vm0, v28, v21;
	v4 =	vsel vm0, s19, v4;
	s19 =	smov.u32 s22;
	s22 =	smov.u32 s20;
	s20 =	smov.u32 s21  }
.Ltmp0:
0x35: {  	v20 =	vsel vm0, v11, v20;
	v11 =	vmovc v14;
	s21 =	smov.u32 s25;
	v22 =	vld [tilespmem:s24+$0x0];
	v27 =	vadd.f32 v34, v30;
	v28 =	vperm.xlane v31, v1;
	(pc) =	sbr.rel @p0 .LBB2_3-.Ltmp0, $4  }
0x36: {  	v25 =	vsel vm0, v37, v25;
	v24 =	vsel vm0, v6, v24;
	v6 =	vmovc v9;
	v34 =	vperm.xlane v35, v3  }
0x37: {  	v23 =	vsel vm0, v38, v23;
	v9 =	vmovc v12;
	v30 =	vmul.f32 v33, v33;
	v29 =	vadd.f32 v26, v27  }
0x38: {  	v12 =	vmovc v17;
	v14 =	vmovc v15;
	v27 =	vadd.f32 v31, v28;
	v17 =	vmov v33;
	v26 =	vmul.f32 v18, v18  }
0x39: {  	v15 =	vmovc v36;
	s24 =	sadd.s32 $0x40, s24;
	v28 =	vadd.f32 v35, v34;
	v32 =	vmul.f32 v19, v19;
	v31 =	vperm.xlane v29, v0  }
0x3a: {  	_ = 	snop  }
0x3b: {  	v33 =	vmul.f32 v22, v22;
	v30 =	vadd.f32 v30, v32;
	_ =	sdelay $0x1  }
0x3c: {  	v30 =	vadd.f32 v33, v30;
	_ =	sdelay $0x1  }
0x3d: {  	v26 =	vadd.f32 v26, v30;
	_ =	sdelay $0x1  }
0x3e: {  	v29 =	vadd.f32 v29, v31;
	v30 =	vperm.xlane v26, v0;
	_ =	sdelay $0x1  }
0x3f: {  	v31 =	vperm.xlane v29, v1;
	v26 =	vadd.f32 v26, v30;
	_ =	sdelay $0x1  }
0x40: {  	v29 =	vadd.f32 v29, v31;
	v30 =	vperm.xlane v27, v2;
	v31 =	vperm.xlane v26, v1;
	_ =	sdelay $0x1  }
0x41: {  	v27 =	vadd.f32 v27, v30;
	v30 =	vperm.xlane v29, v2;
	v26 =	vadd.f32 v26, v31;
	_ =	sdelay $0x1  }
0x42: {  	v31 =	vperm.xlane v27, v3;
	v29 =	vadd.f32 v29, v30;
	v30 =	vperm.xlane v26, v2  }
0x43: {  	vm0 =	vgt.f32 v28, v21  }
0x44: {  	v27 =	vadd.f32 v27, v31;
	v31 =	vperm.xlane v29, v3;
	v26 =	vadd.f32 v26, v30  }
0x45: {  	v21 =	vsel vm0, v28, v21  }
0x46: {  	vm3 =	vgt.f32 v27, v21;
	v28 =	vadd.f32 v29, v31;
	v29 =	vperm.xlane v26, v3  }
0x47: {  	v11 =	vsel vm0, v11, v20;
	v7 =	vsel vm0, v7, v25;
	v20 =	vsel vm3, v27, v21  }
0x48: {  	v6 =	vsel vm0, v6, v24;
	vm2 =	vgt.f32 v28, v20;
	v21 =	vadd.f32 v26, v29  }
0x49: {  	v5 =	vsel vm0, v5, v23;
	v7 =	vsel vm3, v10, v7;
	v10 =	vsel vm2, v28, v20  }
0x4a: {  	v6 =	vsel vm3, v9, v6;
	v7 =	vsel vm2, v13, v7;
	vm1 =	vgt.f32 v21, v10  }
0x4b: {  	v5 =	vsel vm3, v8, v5;
	v6 =	vsel vm2, v12, v6;
	v7 =	vsel vm1, v19, v7  }
0x4c: {  	v8 =	vsel vm3, v14, v11;
	v5 =	vsel vm2, v16, v5;
	v6 =	vsel vm1, v17, v6;
	[tilespmem:$0x19000] =	vst v7  }
0x4d: {  	v5 =	vsel vm1, v22, v5;
	v7 =	vsel vm2, v15, v8;
	[tilespmem:$0x19010] =	vst v6  }
0x4e: {  	[tilespmem:$0x19020] =	vst v5;
	v6 =	vsel vm1, v18, v7  }
0x4f: {  	s23 =	simm.s32 $0x1930;
	[tilespmem:$0x19030] =	vst v6  }
0x50: {  	v6 =	vld [tilespmem:s23+$0xFFFFFFE0]  }
0x51: {  	v8 =	vld [tilespmem:s23+$0xFFFFFFD0];
	_ =	sdelay $0x1  }
0x52: {  	v5 =	vld [tilespmem:s23+$0xFFFFFFF0];
	_ =	sdelay $0x1  }
0x53: {  	s30 =	simm.s32 $0x1970;
	v12 =	vld [tilespmem:s23+$0x0]  }
0x54: {  	v10 =	vld [tilespmem:s30+$0xFFFFFFE0];
	v7 =	vmul.f32 v6, v6;
	v9 =	vmul.f32 v8, v8  }
0x55: {  	v11 =	vld [tilespmem:s30+$0xFFFFFFD0]  }
0x56: {  	v13 =	vmul.f32 v5, v5;
	v7 =	vadd.f32 v7, v9  }
0x57: {  	v9 =	vld [tilespmem:s30+$0xFFFFFFF0]  }
0x58: {  	v14 =	vmul.f32 v12, v12;
	v7 =	vadd.f32 v13, v7  }
0x59: {  	v15 =	vld [tilespmem:s30+$0x0]  }
0x5a: {  	v16 =	vmul.f32 v11, v11;
	v7 =	vadd.f32 v14, v7;
	v14 =	vmul.f32 v10, v10;
	_ =	sdelay $0x1  }
0x5b: {  	s31 =	simm.s32 $0x19B0;
	v18 =	vmul.f32 v9, v9;
	v19 =	vadd.f32 v14, v16  }
0x5c: {  	v13 =	vld [tilespmem:s31+$0xFFFFFFE0]  }
0x5d: {  	v20 =	vmul.f32 v15, v15;
	v17 =	vperm.xlane v7, v0;
	v14 =	vld [tilespmem:s31+$0xFFFFFFD0];
	v18 =	vadd.f32 v18, v19;
	_ =	sdelay $0x1  }
0x5e: {  	v16 =	vld [tilespmem:s31+$0xFFFFFFF0];
	v7 =	vadd.f32 v7, v17;
	v20 =	vadd.f32 v20, v18;
	_ =	sdelay $0x1  }
0x5f: {  	v17 =	vld [tilespmem:s31+$0x0];
	v19 =	vperm.xlane v7, v1;
	v23 =	vperm.xlane v20, v0  }
0x60: {  	s24 =	simm.s32 $0x19F0;
	v21 =	vmul.f32 v13, v13;
	v22 =	vmul.f32 v14, v14  }
0x61: {  	v4 =	vsel vm0, s19, v4;
	v18 =	vld [tilespmem:s24+$0xFFFFFFE0];
	v7 =	vadd.f32 v7, v19;
	v23 =	vadd.f32 v20, v23  }
0x62: {  	v4 =	vsel vm3, s22, v4;
	v24 =	vmul.f32 v16, v16;
	v19 =	vld [tilespmem:s24+$0x0];
	v21 =	vadd.f32 v21, v22  }
0x63: {  	v4 =	vsel vm2, s20, v4;
	v25 =	vperm.xlane v7, v2;
	v20 =	vld [tilespmem:s24+$0xFFFFFFD0];
	v28 =	vperm.xlane v23, v1  }
0x64: {  	v4 =	vsel vm1, s21, v4;
	v26 =	vmul.f32 v17, v17;
	v24 =	vadd.f32 v24, v21  }
0x65: {  	v22 =	vimm.f32 $-1.000000000e+00;
	v25 =	vadd.f32 v7, v25;
	v28 =	vadd.f32 v23, v28;
	v23 =	vld [tilespmem:s24+$0xFFFFFFF0]  }
0x66: {  	v21 =	vimm.f32 $0.0e+00;
	v31 =	vmul.f32 v18, v18;
	v7 =	vimm.s32 $0x0  }
0x67: {  	v30 =	vadd.f32 v26, v24;
	v27 =	vmul.f32 v19, v19;
	v29 =	vperm.xlane v25, v3  }
0x68: {  	s19 =	simm.s32 $0x2;
	s22 =	simm.s32 $0x0;
	s20 =	simm.s32 $0x3;
	v26 =	vimm.f32 $0.0e+00;
	v24 =	vimm.f32 $0.0e+00;
	v33 =	vmul.f32 v20, v20  }
0x69: {  	s21 =	simm.s32 $0x1;
	s23 =	simm.s32 $0x4;
	s24 =	simm.s32 $0x1A30;
	v32 =	vperm.xlane v30, v0;
	v29 =	vadd.f32 v25, v29;
	v25 =	vimm.f32 $0.0e+00  }
.LBB2_5:
0x6a: {  	v35 =	vmul.f32 v23, v23;
	v36 =	vperm.xlane v28, v2;
	v37 =	vmovc v19;
	v38 =	vmovc v8;
	v8 =	vmov v11  }
0x6b: {  	v34 =	vld [tilespmem:s24+$0xFFFFFFE0];
	p0 =	sne.s32 s23, $0x63;
	v11 =	vmovc v14;
	v14 =	vmovc v20;
	v39 =	vmov v5;
	v5 =	vmov v9;
	v9 =	vmov v16;
	s25 =	smov.u32 s23;
	s23 =	sadd.s32 $0x1, s23  }
0x6c: {  	v16 =	vmovc v23;
	v19 =	vld [tilespmem:s24+$0x0];
	v31 =	vadd.f32 v31, v33;
	v32 =	vadd.f32 v30, v32;
	vm0 =	vgt.f32 v29, v22  }
0x6d: {  	v20 =	vld [tilespmem:s24+$0xFFFFFFD0];
	v36 =	vadd.f32 v28, v36;
	v22 =	vsel vm0, v29, v22;
	v7 =	vsel vm0, s22, v7;
	s22 =	smov.u32 s21;
	s21 =	smov.u32 s19;
	s19 =	smov.u32 s20  }
.Ltmp1:
0x6e: {  	v21 =	vsel vm0, v12, v21;
	v12 =	vmovc v15;
	s20 =	smov.u32 s25;
	v23 =	vld [tilespmem:s24+$0xFFFFFFF0];
	v28 =	vadd.f32 v35, v31;
	v29 =	vperm.xlane v32, v1;
	(pc) =	sbr.rel @p0 .LBB2_5-.Ltmp1, $4  }
0x6f: {  	v26 =	vsel vm0, v38, v26;
	v25 =	vsel vm0, v6, v25;
	v6 =	vmovc v10;
	v35 =	vperm.xlane v36, v3  }
0x70: {  	v24 =	vsel vm0, v39, v24;
	v10 =	vmovc v13;
	v31 =	vmul.f32 v34, v34;
	v30 =	vadd.f32 v27, v28  }
0x71: {  	v13 =	vmovc v18;
	v15 =	vmovc v17;
	v28 =	vadd.f32 v32, v29;
	v18 =	vmov v34;
	v27 =	vmul.f32 v19, v19  }
0x72: {  	v17 =	vmovc v37;
	s24 =	sadd.s32 $0x40, s24;
	v29 =	vadd.f32 v36, v35;
	v33 =	vmul.f32 v20, v20;
	v32 =	vperm.xlane v30, v0  }
0x73: {  	_ = 	snop  }
0x74: {  	v34 =	vmul.f32 v23, v23;
	v31 =	vadd.f32 v31, v33;
	_ =	sdelay $0x1  }
0x75: {  	v31 =	vadd.f32 v34, v31;
	_ =	sdelay $0x1  }
0x76: {  	v27 =	vadd.f32 v27, v31;
	_ =	sdelay $0x1  }
0x77: {  	v30 =	vadd.f32 v30, v32;
	v31 =	vperm.xlane v27, v0;
	_ =	sdelay $0x1  }
0x78: {  	v32 =	vperm.xlane v30, v1;
	v27 =	vadd.f32 v27, v31;
	_ =	sdelay $0x1  }
0x79: {  	v30 =	vadd.f32 v30, v32;
	v31 =	vperm.xlane v28, v2;
	v61 =	vperm.xlane v27, v1;
	_ =	sdelay $0x1  }
0x7a: {  	v28 =	vadd.f32 v28, v31;
	v31 =	vperm.xlane v30, v2;
	v27 =	vadd.f32 v27, v61;
	_ =	sdelay $0x1  }
0x7b: {  	v62 =	vperm.xlane v28, v3;
	v30 =	vadd.f32 v30, v31;
	v31 =	vperm.xlane v27, v2  }
0x7c: {  	vm0 =	vgt.f32 v29, v22  }
0x7d: {  	v28 =	vadd.f32 v28, v62;
	v63 =	vperm.xlane v30, v3;
	v27 =	vadd.f32 v27, v31  }
0x7e: {  	v22 =	vsel vm0, v29, v22  }
0x7f: {  	vm3 =	vgt.f32 v28, v22;
	v29 =	vadd.f32 v30, v63;
	v30 =	vperm.xlane v27, v3  }
0x80: {  	v12 =	vsel vm0, v12, v21;
	v8 =	vsel vm0, v8, v26;
	v21 =	vsel vm3, v28, v22  }
0x81: {  	v6 =	vsel vm0, v6, v25;
	vm2 =	vgt.f32 v29, v21;
	v22 =	vadd.f32 v27, v30  }
0x82: {  	v5 =	vsel vm0, v5, v24;
	v8 =	vsel vm3, v11, v8;
	v11 =	vsel vm2, v29, v21  }
0x83: {  	v6 =	vsel vm3, v10, v6;
	v8 =	vsel vm2, v14, v8;
	vm1 =	vgt.f32 v22, v11  }
0x84: {  	v5 =	vsel vm3, v9, v5;
	v6 =	vsel vm2, v13, v6;
	v8 =	vsel vm1, v20, v8  }
0x85: {  	v9 =	vsel vm3, v15, v12;
	v5 =	vsel vm2, v16, v5;
	v6 =	vsel vm1, v18, v6;
	[tilespmem:$0x19040] =	vst v8  }
0x86: {  	v5 =	vsel vm1, v23, v5;
	v8 =	vsel vm2, v17, v9;
	[tilespmem:$0x19050] =	vst v6  }
0x87: {  	[tilespmem:$0x19060] =	vst v5;
	v6 =	vsel vm1, v19, v8  }
0x88: {  	s23 =	simm.s32 $0x3230;
	[tilespmem:$0x19070] =	vst v6  }
0x89: {  	v9 =	vld [tilespmem:s23+$0xFFFFFFE0]  }
0x8a: {  	v10 =	vld [tilespmem:s23+$0xFFFFFFD0];
	_ =	sdelay $0x1  }
0x8b: {  	v6 =	vld [tilespmem:s23+$0xFFFFFFF0];
	_ =	sdelay $0x1  }
0x8c: {  	s30 =	simm.s32 $0x3270;
	v14 =	vld [tilespmem:s23+$0x0]  }
0x8d: {  	v12 =	vld [tilespmem:s30+$0xFFFFFFE0];
	v5 =	vmul.f32 v9, v9;
	v8 =	vmul.f32 v10, v10  }
0x8e: {  	v13 =	vld [tilespmem:s30+$0xFFFFFFD0]  }
0x8f: {  	v15 =	vmul.f32 v6, v6;
	v5 =	vadd.f32 v5, v8  }
0x90: {  	v11 =	vld [tilespmem:s30+$0xFFFFFFF0]  }
0x91: {  	v8 =	vmul.f32 v14, v14;
	v5 =	vadd.f32 v15, v5  }
0x92: {  	v17 =	vld [tilespmem:s30+$0x0]  }
0x93: {  	v16 =	vmul.f32 v13, v13;
	v5 =	vadd.f32 v8, v5;
	v8 =	vmul.f32 v12, v12;
	_ =	sdelay $0x1  }
0x94: {  	v19 =	vmul.f32 v11, v11;
	v8 =	vadd.f32 v8, v16  }
0x95: {  	s31 =	simm.s32 $0x32B0;
	v18 =	vperm.xlane v5, v0  }
0x96: {  	v20 =	vmul.f32 v17, v17;
	v15 =	vld [tilespmem:s31+$0xFFFFFFE0];
	v8 =	vadd.f32 v19, v8  }
0x97: {  	v16 =	vld [tilespmem:s31+$0xFFFFFFD0];
	v5 =	vadd.f32 v5, v18  }
0x98: {  	v18 =	vld [tilespmem:s31+$0xFFFFFFF0];
	v8 =	vadd.f32 v20, v8  }
0x99: {  	v7 =	vsel vm0, s22, v7;
	v19 =	vperm.xlane v5, v1  }
0x9a: {  	v21 =	vsel vm3, s21, v7;
	v7 =	vld [tilespmem:s31+$0x0];
	v24 =	vperm.xlane v8, v0  }
0x9b: {  	s24 =	simm.s32 $0x32F0;
	v23 =	vadd.f32 v5, v19  }
0x9c: {  	v22 =	vmul.f32 v15, v15;
	v20 =	vld [tilespmem:s24+$0x0];
	v5 =	vmul.f32 v16, v16;
	v24 =	vadd.f32 v8, v24  }
0x9d: {  	v21 =	vsel vm2, s19, v21;
	v19 =	vld [tilespmem:s24+$0xFFFFFFE0];
	v25 =	vmul.f32 v18, v18;
	v26 =	vperm.xlane v23, v2  }
0x9e: {  	v22 =	vadd.f32 v22, v5;
	v5 =	vsel vm1, s20, v21;
	v21 =	vld [tilespmem:s24+$0xFFFFFFD0];
	v29 =	vperm.xlane v24, v1  }
0x9f: {  	v27 =	vmul.f32 v7, v7;
	v26 =	vadd.f32 v23, v26  }
0xa0: {  	v8 =	vimm.s32 $0x0;
	v25 =	vadd.f32 v25, v22;
	v29 =	vadd.f32 v24, v29;
	v24 =	vld [tilespmem:s24+$0xFFFFFFF0]  }
0xa1: {  	v28 =	vmul.f32 v20, v20;
	v23 =	vimm.f32 $-1.000000000e+00;
	v22 =	vimm.f32 $0.0e+00  }
0xa2: {  	v32 =	vmul.f32 v19, v19;
	v30 =	vperm.xlane v26, v3;
	v31 =	vadd.f32 v27, v25  }
0xa3: {  	s22 =	simm.s32 $0x0;
	s21 =	simm.s32 $0x1;
	s19 =	simm.s32 $0x2;
	v27 =	vimm.f32 $0.0e+00;
	v25 =	vimm.f32 $0.0e+00;
	v34 =	vmul.f32 v21, v21  }
0xa4: {  	s23 =	simm.s32 $0x4;
	s20 =	simm.s32 $0x3;
	s24 =	simm.s32 $0x3330;
	v33 =	vperm.xlane v31, v0;
	v30 =	vadd.f32 v26, v30;
	v26 =	vimm.f32 $0.0e+00  }
.LBB2_7:
0xa5: {  	v36 =	vmul.f32 v24, v24;
	v37 =	vperm.xlane v29, v2;
	v38 =	vmovc v20;
	v39 =	vmovc v10;
	v10 =	vmov v13  }
0xa6: {  	v35 =	vld [tilespmem:s24+$0xFFFFFFE0];
	p0 =	sne.s32 s23, $0x63;
	v13 =	vmovc v16;
	v16 =	vmovc v21;
	v40 =	vmov v6;
	v6 =	vmov v11;
	v11 =	vmov v18;
	s25 =	smov.u32 s23;
	s23 =	sadd.s32 $0x1, s23  }
0xa7: {  	v18 =	vmovc v24;
	v20 =	vld [tilespmem:s24+$0x0];
	v32 =	vadd.f32 v32, v34;
	v33 =	vadd.f32 v31, v33;
	vm0 =	vgt.f32 v30, v23  }
0xa8: {  	v21 =	vld [tilespmem:s24+$0xFFFFFFD0];
	v37 =	vadd.f32 v29, v37;
	v23 =	vsel vm0, v30, v23;
	v8 =	vsel vm0, s22, v8;
	s22 =	smov.u32 s21;
	s21 =	smov.u32 s19;
	s19 =	smov.u32 s20  }
.Ltmp2:
0xa9: {  	v22 =	vsel vm0, v14, v22;
	v14 =	vmovc v17;
	s20 =	smov.u32 s25;
	v24 =	vld [tilespmem:s24+$0xFFFFFFF0];
	v29 =	vadd.f32 v36, v32;
	v30 =	vperm.xlane v33, v1;
	(pc) =	sbr.rel @p0 .LBB2_7-.Ltmp2, $4  }
0xaa: {  	v27 =	vsel vm0, v39, v27;
	v26 =	vsel vm0, v9, v26;
	v9 =	vmovc v12;
	v36 =	vperm.xlane v37, v3  }
0xab: {  	v25 =	vsel vm0, v40, v25;
	v12 =	vmovc v15;
	v32 =	vmul.f32 v35, v35;
	v31 =	vadd.f32 v28, v29  }
0xac: {  	v15 =	vmovc v19;
	v17 =	vmovc v7;
	v29 =	vadd.f32 v33, v30;
	v19 =	vmov v35;
	v28 =	vmul.f32 v20, v20  }
0xad: {  	v7 =	vmovc v38;
	s24 =	sadd.s32 $0x40, s24;
	v30 =	vadd.f32 v37, v36;
	v34 =	vmul.f32 v21, v21;
	v33 =	vperm.xlane v31, v0  }
0xae: {  	_ = 	snop  }
0xaf: {  	v35 =	vmul.f32 v24, v24;
	v32 =	vadd.f32 v32, v34;
	_ =	sdelay $0x1  }
0xb0: {  	v32 =	vadd.f32 v35, v32;
	_ =	sdelay $0x1  }
0xb1: {  	v28 =	vadd.f32 v28, v32;
	_ =	sdelay $0x1  }
0xb2: {  	v31 =	vadd.f32 v31, v33;
	v32 =	vperm.xlane v28, v0;
	_ =	sdelay $0x1  }
0xb3: {  	v33 =	vperm.xlane v31, v1;
	v28 =	vadd.f32 v28, v32;
	_ =	sdelay $0x1  }
0xb4: {  	v58 =	vperm.xlane v29, v2;
	v31 =	vadd.f32 v31, v33;
	v59 =	vperm.xlane v28, v1;
	_ =	sdelay $0x1  }
0xb5: {  	v29 =	vadd.f32 v29, v58;
	v60 =	vperm.xlane v31, v2;
	v28 =	vadd.f32 v28, v59;
	_ =	sdelay $0x1  }
0xb6: {  	v61 =	vperm.xlane v29, v3;
	v31 =	vadd.f32 v31, v60;
	v62 =	vperm.xlane v28, v2  }
0xb7: {  	vm0 =	vgt.f32 v30, v23  }
0xb8: {  	v29 =	vadd.f32 v29, v61;
	v63 =	vperm.xlane v31, v3;
	v28 =	vadd.f32 v28, v62  }
0xb9: {  	v23 =	vsel vm0, v30, v23  }
0xba: {  	vm3 =	vgt.f32 v29, v23;
	v30 =	vadd.f32 v31, v63;
	v31 =	vperm.xlane v28, v3  }
0xbb: {  	v14 =	vsel vm0, v14, v22;
	v10 =	vsel vm0, v10, v27;
	v22 =	vsel vm3, v29, v23  }
0xbc: {  	v9 =	vsel vm0, v9, v26;
	vm2 =	vgt.f32 v30, v22;
	v23 =	vadd.f32 v28, v31  }
0xbd: {  	v6 =	vsel vm0, v6, v25;
	v10 =	vsel vm3, v13, v10;
	v13 =	vsel vm2, v30, v22  }
0xbe: {  	v9 =	vsel vm3, v12, v9;
	v10 =	vsel vm2, v16, v10;
	vm1 =	vgt.f32 v23, v13  }
0xbf: {  	v6 =	vsel vm3, v11, v6;
	v9 =	vsel vm2, v15, v9;
	v10 =	vsel vm1, v21, v10  }
0xc0: {  	v11 =	vsel vm3, v17, v14;
	v6 =	vsel vm2, v18, v6;
	v9 =	vsel vm1, v19, v9;
	[tilespmem:$0x19080] =	vst v10  }
0xc1: {  	v7 =	vsel vm2, v7, v11;
	v6 =	vsel vm1, v24, v6;
	[tilespmem:$0x19090] =	vst v9  }
0xc2: {  	v7 =	vsel vm1, v20, v7;
	[tilespmem:$0x190A0] =	vst v6  }
0xc3: {  	s23 =	simm.s32 $0x4B00;
	[tilespmem:$0x190B0] =	vst v7  }
0xc4: {  	v10 =	vld [tilespmem:s23+$0x10]  }
0xc5: {  	v11 =	vld [tilespmem:s23+$0x0];
	_ =	sdelay $0x1  }
0xc6: {  	v7 =	vld [tilespmem:s23+$0x20];
	_ =	sdelay $0x1  }
0xc7: {  	s30 =	simm.s32 $0x4B40;
	v15 =	vld [tilespmem:s23+$0x30]  }
0xc8: {  	v13 =	vld [tilespmem:s30+$0x10];
	v6 =	vmul.f32 v10, v10;
	v9 =	vmul.f32 v11, v11  }
0xc9: {  	v14 =	vld [tilespmem:s30+$0x0]  }
0xca: {  	v16 =	vmul.f32 v7, v7;
	v6 =	vadd.f32 v6, v9  }
0xcb: {  	v12 =	vld [tilespmem:s30+$0x20]  }
0xcc: {  	v9 =	vmul.f32 v15, v15;
	v6 =	vadd.f32 v16, v6  }
0xcd: {  	v18 =	vld [tilespmem:s30+$0x30]  }
0xce: {  	v17 =	vmul.f32 v14, v14;
	v6 =	vadd.f32 v9, v6;
	v9 =	vmul.f32 v13, v13;
	_ =	sdelay $0x1  }
0xcf: {  	v20 =	vmul.f32 v12, v12;
	v9 =	vadd.f32 v9, v17  }
0xd0: {  	s31 =	simm.s32 $0x4B80;
	v19 =	vperm.xlane v6, v0  }
0xd1: {  	v21 =	vmul.f32 v18, v18;
	v16 =	vld [tilespmem:s31+$0x10];
	v9 =	vadd.f32 v20, v9  }
0xd2: {  	v17 =	vld [tilespmem:s31+$0x0];
	v6 =	vadd.f32 v6, v19  }
0xd3: {  	v19 =	vld [tilespmem:s31+$0x20];
	v9 =	vadd.f32 v21, v9  }
0xd4: {  	v8 =	vsel vm0, s22, v8;
	v20 =	vperm.xlane v6, v1  }
0xd5: {  	v22 =	vsel vm3, s21, v8;
	v8 =	vld [tilespmem:s31+$0x30];
	v25 =	vperm.xlane v9, v0  }
0xd6: {  	s24 =	simm.s32 $0x4BC0;
	v24 =	vadd.f32 v6, v20  }
0xd7: {  	v23 =	vmul.f32 v16, v16;
	v21 =	vld [tilespmem:s24+$0x30];
	v6 =	vmul.f32 v17, v17;
	v25 =	vadd.f32 v9, v25  }
0xd8: {  	v22 =	vsel vm2, s19, v22;
	v20 =	vld [tilespmem:s24+$0x10];
	v26 =	vmul.f32 v19, v19;
	v27 =	vperm.xlane v24, v2  }
0xd9: {  	v23 =	vadd.f32 v23, v6;
	v6 =	vsel vm1, s20, v22;
	v22 =	vld [tilespmem:s24+$0x0];
	v30 =	vperm.xlane v25, v1  }
0xda: {  	v28 =	vmul.f32 v8, v8;
	v27 =	vadd.f32 v24, v27  }
0xdb: {  	v9 =	vimm.s32 $0x0;
	v26 =	vadd.f32 v26, v23;
	v30 =	vadd.f32 v25, v30;
	v25 =	vld [tilespmem:s24+$0x20]  }
0xdc: {  	v29 =	vmul.f32 v21, v21;
	v24 =	vimm.f32 $-1.000000000e+00;
	v23 =	vimm.f32 $0.0e+00  }
0xdd: {  	v33 =	vmul.f32 v20, v20;
	v31 =	vperm.xlane v27, v3;
	v32 =	vadd.f32 v28, v26  }
0xde: {  	s22 =	simm.s32 $0x0;
	s21 =	simm.s32 $0x1;
	s19 =	simm.s32 $0x2;
	v28 =	vimm.f32 $0.0e+00;
	v26 =	vimm.f32 $0.0e+00;
	v35 =	vmul.f32 v22, v22  }
0xdf: {  	s23 =	simm.s32 $0x4;
	s20 =	simm.s32 $0x3;
	s24 =	simm.s32 $0x4C00;
	v34 =	vperm.xlane v32, v0;
	v31 =	vadd.f32 v27, v31;
	v27 =	vimm.f32 $0.0e+00  }
.LBB2_9:
0xe0: {  	v37 =	vmul.f32 v25, v25;
	v38 =	vperm.xlane v30, v2;
	v39 =	vmovc v21;
	v40 =	vmovc v11;
	v11 =	vmov v14  }
0xe1: {  	v36 =	vld [tilespmem:s24+$0x10];
	p0 =	sne.s32 s23, $0x63;
	v14 =	vmovc v17;
	v17 =	vmovc v22;
	v41 =	vmov v7;
	v7 =	vmov v12;
	v12 =	vmov v19;
	s25 =	smov.u32 s23;
	s23 =	sadd.s32 $0x1, s23  }
0xe2: {  	v19 =	vmovc v25;
	v21 =	vld [tilespmem:s24+$0x30];
	v33 =	vadd.f32 v33, v35;
	v34 =	vadd.f32 v32, v34;
	vm0 =	vgt.f32 v31, v24  }
0xe3: {  	v22 =	vld [tilespmem:s24+$0x0];
	v38 =	vadd.f32 v30, v38;
	v24 =	vsel vm0, v31, v24;
	v9 =	vsel vm0, s22, v9;
	s22 =	smov.u32 s21;
	s21 =	smov.u32 s19;
	s19 =	smov.u32 s20  }
.Ltmp3:
0xe4: {  	v23 =	vsel vm0, v15, v23;
	v15 =	vmovc v18;
	s20 =	smov.u32 s25;
	v25 =	vld [tilespmem:s24+$0x20];
	v30 =	vadd.f32 v37, v33;
	v31 =	vperm.xlane v34, v1;
	(pc) =	sbr.rel @p0 .LBB2_9-.Ltmp3, $4  }
0xe5: {  	v28 =	vsel vm0, v40, v28;
	v27 =	vsel vm0, v10, v27;
	v10 =	vmovc v13;
	v37 =	vperm.xlane v38, v3  }
0xe6: {  	v26 =	vsel vm0, v41, v26;
	v13 =	vmovc v16;
	v33 =	vmul.f32 v36, v36;
	v32 =	vadd.f32 v29, v30  }
0xe7: {  	v16 =	vmovc v20;
	v18 =	vmovc v8;
	v30 =	vadd.f32 v34, v31;
	v20 =	vmov v36;
	v29 =	vmul.f32 v21, v21  }
0xe8: {  	v8 =	vmovc v39;
	s24 =	sadd.s32 $0x40, s24;
	v31 =	vadd.f32 v38, v37;
	v35 =	vmul.f32 v22, v22;
	v34 =	vperm.xlane v32, v0  }
0xe9: {  	_ = 	snop  }
0xea: {  	v36 =	vmul.f32 v25, v25;
	v33 =	vadd.f32 v33, v35;
	_ =	sdelay $0x1  }
0xeb: {  	v33 =	vadd.f32 v36, v33;
	_ =	sdelay $0x1  }
0xec: {  	v29 =	vadd.f32 v29, v33;
	_ =	sdelay $0x1  }
0xed: {  	v32 =	vadd.f32 v32, v34;
	v33 =	vperm.xlane v29, v0;
	_ =	sdelay $0x1  }
0xee: {  	v34 =	vperm.xlane v32, v1;
	v29 =	vadd.f32 v29, v33;
	_ =	sdelay $0x1  }
0xef: {  	v56 =	vperm.xlane v30, v2;
	v32 =	vadd.f32 v32, v34;
	v57 =	vperm.xlane v29, v1;
	_ =	sdelay $0x1  }
0xf0: {  	v30 =	vadd.f32 v30, v56;
	v58 =	vperm.xlane v32, v2;
	v29 =	vadd.f32 v29, v57;
	_ =	sdelay $0x1  }
0xf1: {  	v59 =	vperm.xlane v30, v3;
	v32 =	vadd.f32 v32, v58;
	v60 =	vperm.xlane v29, v2  }
0xf2: {  	vm0 =	vgt.f32 v31, v24  }
0xf3: {  	v30 =	vadd.f32 v30, v59;
	v61 =	vperm.xlane v32, v3;
	v29 =	vadd.f32 v29, v60  }
0xf4: {  	v24 =	vsel vm0, v31, v24  }
0xf5: {  	vm3 =	vgt.f32 v30, v24;
	v31 =	vadd.f32 v32, v61;
	v62 =	vperm.xlane v29, v3  }
0xf6: {  	v15 =	vsel vm0, v15, v23;
	v11 =	vsel vm0, v11, v28;
	v23 =	vsel vm3, v30, v24  }
0xf7: {  	v10 =	vsel vm0, v10, v27;
	vm2 =	vgt.f32 v31, v23;
	v24 =	vadd.f32 v29, v62  }
0xf8: {  	v7 =	vsel vm0, v7, v26;
	v11 =	vsel vm3, v14, v11;
	v14 =	vsel vm2, v31, v23  }
0xf9: {  	v10 =	vsel vm3, v13, v10;
	v11 =	vsel vm2, v17, v11;
	vm1 =	vgt.f32 v24, v14  }
0xfa: {  	v7 =	vsel vm3, v12, v7;
	v10 =	vsel vm2, v16, v10;
	v11 =	vsel vm1, v22, v11  }
0xfb: {  	v12 =	vsel vm3, v18, v15;
	v7 =	vsel vm2, v19, v7;
	v10 =	vsel vm1, v20, v10;
	[tilespmem:$0x190C0] =	vst v11  }
0xfc: {  	v8 =	vsel vm2, v8, v12;
	v7 =	vsel vm1, v25, v7;
	[tilespmem:$0x190D0] =	vst v10  }
0xfd: {  	v8 =	vsel vm1, v21, v8;
	[tilespmem:$0x190E0] =	vst v7  }
0xfe: {  	s23 =	simm.s32 $0x6400;
	[tilespmem:$0x190F0] =	vst v8  }
0xff: {  	v11 =	vld [tilespmem:s23+$0x10]  }
0x100: {  	v12 =	vld [tilespmem:s23+$0x0];
	_ =	sdelay $0x1  }
0x101: {  	v8 =	vld [tilespmem:s23+$0x20];
	_ =	sdelay $0x1  }
0x102: {  	s30 =	simm.s32 $0x6440;
	v16 =	vld [tilespmem:s23+$0x30]  }
0x103: {  	v14 =	vld [tilespmem:s30+$0x10];
	v7 =	vmul.f32 v11, v11;
	v10 =	vmul.f32 v12, v12  }
0x104: {  	v15 =	vld [tilespmem:s30+$0x0]  }
0x105: {  	v17 =	vmul.f32 v8, v8;
	v7 =	vadd.f32 v7, v10  }
0x106: {  	v13 =	vld [tilespmem:s30+$0x20]  }
0x107: {  	v10 =	vmul.f32 v16, v16;
	v7 =	vadd.f32 v17, v7  }
0x108: {  	v19 =	vld [tilespmem:s30+$0x30]  }
0x109: {  	v18 =	vmul.f32 v15, v15;
	v7 =	vadd.f32 v10, v7;
	v10 =	vmul.f32 v14, v14;
	_ =	sdelay $0x1  }
0x10a: {  	v21 =	vmul.f32 v13, v13;
	v10 =	vadd.f32 v10, v18  }
0x10b: {  	s31 =	simm.s32 $0x6480;
	v20 =	vperm.xlane v7, v0  }
0x10c: {  	v22 =	vmul.f32 v19, v19;
	v17 =	vld [tilespmem:s31+$0x10];
	v10 =	vadd.f32 v21, v10  }
0x10d: {  	v18 =	vld [tilespmem:s31+$0x0];
	v7 =	vadd.f32 v7, v20  }
0x10e: {  	v20 =	vld [tilespmem:s31+$0x20];
	v10 =	vadd.f32 v22, v10  }
0x10f: {  	v9 =	vsel vm0, s22, v9;
	v21 =	vperm.xlane v7, v1  }
0x110: {  	v23 =	vsel vm3, s21, v9;
	v9 =	vld [tilespmem:s31+$0x30];
	v26 =	vperm.xlane v10, v0  }
0x111: {  	s24 =	simm.s32 $0x64C0;
	v25 =	vadd.f32 v7, v21  }
0x112: {  	v24 =	vmul.f32 v17, v17;
	v22 =	vld [tilespmem:s24+$0x30];
	v7 =	vmul.f32 v18, v18;
	v26 =	vadd.f32 v10, v26  }
0x113: {  	v23 =	vsel vm2, s19, v23;
	v21 =	vld [tilespmem:s24+$0x10];
	v27 =	vmul.f32 v20, v20;
	v28 =	vperm.xlane v25, v2  }
0x114: {  	v24 =	vadd.f32 v24, v7;
	v7 =	vsel vm1, s20, v23;
	v23 =	vld [tilespmem:s24+$0x0];
	v31 =	vperm.xlane v26, v1  }
0x115: {  	v29 =	vmul.f32 v9, v9;
	v28 =	vadd.f32 v25, v28  }
0x116: {  	v10 =	vimm.s32 $0x0;
	v27 =	vadd.f32 v27, v24;
	v31 =	vadd.f32 v26, v31;
	v26 =	vld [tilespmem:s24+$0x20]  }
0x117: {  	v30 =	vmul.f32 v22, v22;
	v25 =	vimm.f32 $-1.000000000e+00;
	v24 =	vimm.f32 $0.0e+00  }
0x118: {  	v34 =	vmul.f32 v21, v21;
	v63 =	vperm.xlane v28, v3;
	v33 =	vadd.f32 v29, v27  }
0x119: {  	s22 =	simm.s32 $0x0;
	s21 =	simm.s32 $0x1;
	s19 =	simm.s32 $0x2;
	v29 =	vimm.f32 $0.0e+00;
	v27 =	vimm.f32 $0.0e+00;
	v36 =	vmul.f32 v23, v23  }
0x11a: {  	s23 =	simm.s32 $0x4;
	s20 =	simm.s32 $0x3;
	s24 =	simm.s32 $0x6500;
	v35 =	vperm.xlane v33, v0;
	v32 =	vadd.f32 v28, v63;
	v28 =	vimm.f32 $0.0e+00  }
.LBB2_11:
0x11b: {  	v38 =	vmul.f32 v26, v26;
	v39 =	vperm.xlane v31, v2;
	v40 =	vmovc v22;
	v41 =	vmovc v12;
	v12 =	vmov v15  }
0x11c: {  	v37 =	vld [tilespmem:s24+$0x10];
	p0 =	sne.s32 s23, $0x63;
	v15 =	vmovc v18;
	v18 =	vmovc v23;
	v42 =	vmov v8;
	v8 =	vmov v13;
	v13 =	vmov v20;
	s25 =	smov.u32 s23;
	s23 =	sadd.s32 $0x1, s23  }
0x11d: {  	v20 =	vmovc v26;
	v22 =	vld [tilespmem:s24+$0x30];
	v34 =	vadd.f32 v34, v36;
	v35 =	vadd.f32 v33, v35;
	vm0 =	vgt.f32 v32, v25  }
0x11e: {  	v23 =	vld [tilespmem:s24+$0x0];
	v39 =	vadd.f32 v31, v39;
	v25 =	vsel vm0, v32, v25;
	v10 =	vsel vm0, s22, v10;
	s22 =	smov.u32 s21;
	s21 =	smov.u32 s19;
	s19 =	smov.u32 s20  }
.Ltmp4:
0x11f: {  	v24 =	vsel vm0, v16, v24;
	v16 =	vmovc v19;
	s20 =	smov.u32 s25;
	v26 =	vld [tilespmem:s24+$0x20];
	v31 =	vadd.f32 v38, v34;
	v32 =	vperm.xlane v35, v1;
	(pc) =	sbr.rel @p0 .LBB2_11-.Ltmp4, $4  }
0x120: {  	v29 =	vsel vm0, v41, v29;
	v28 =	vsel vm0, v11, v28;
	v11 =	vmovc v14;
	v38 =	vperm.xlane v39, v3  }
0x121: {  	v27 =	vsel vm0, v42, v27;
	v14 =	vmovc v17;
	v34 =	vmul.f32 v37, v37;
	v33 =	vadd.f32 v30, v31  }
0x122: {  	v17 =	vmovc v21;
	v19 =	vmovc v9;
	v31 =	vadd.f32 v35, v32;
	v21 =	vmov v37;
	v30 =	vmul.f32 v22, v22  }
0x123: {  	v9 =	vmovc v40;
	s24 =	sadd.s32 $0x40, s24;
	v32 =	vadd.f32 v39, v38;
	v36 =	vmul.f32 v23, v23;
	v35 =	vperm.xlane v33, v0  }
0x124: {  	_ = 	snop  }
0x125: {  	v37 =	vmul.f32 v26, v26;
	v34 =	vadd.f32 v34, v36;
	_ =	sdelay $0x1  }
0x126: {  	v34 =	vadd.f32 v37, v34;
	_ =	sdelay $0x1  }
0x127: {  	v30 =	vadd.f32 v30, v34;
	_ =	sdelay $0x1  }
0x128: {  	v33 =	vadd.f32 v33, v35;
	v34 =	vperm.xlane v30, v0;
	_ =	sdelay $0x1  }
0x129: {  	v35 =	vperm.xlane v33, v1;
	v30 =	vadd.f32 v30, v34;
	_ =	sdelay $0x1  }
0x12a: {  	v54 =	vperm.xlane v31, v2;
	v33 =	vadd.f32 v33, v35;
	v55 =	vperm.xlane v30, v1;
	_ =	sdelay $0x1  }
0x12b: {  	v31 =	vadd.f32 v31, v54;
	v56 =	vperm.xlane v33, v2;
	v30 =	vadd.f32 v30, v55;
	_ =	sdelay $0x1  }
0x12c: {  	v57 =	vperm.xlane v31, v3;
	v33 =	vadd.f32 v33, v56;
	v58 =	vperm.xlane v30, v2  }
0x12d: {  	vm0 =	vgt.f32 v32, v25  }
0x12e: {  	v31 =	vadd.f32 v31, v57;
	v59 =	vperm.xlane v33, v3;
	v30 =	vadd.f32 v30, v58  }
0x12f: {  	v25 =	vsel vm0, v32, v25  }
0x130: {  	vm3 =	vgt.f32 v31, v25;
	v60 =	vadd.f32 v33, v59;
	v61 =	vperm.xlane v30, v3  }
0x131: {  	v16 =	vsel vm0, v16, v24;
	v12 =	vsel vm0, v12, v29;
	v24 =	vsel vm3, v31, v25  }
0x132: {  	v11 =	vsel vm0, v11, v28;
	vm2 =	vgt.f32 v60, v24;
	v25 =	vadd.f32 v30, v61  }
0x133: {  	v8 =	vsel vm0, v8, v27;
	v12 =	vsel vm3, v15, v12;
	v15 =	vsel vm2, v60, v24  }
0x134: {  	v11 =	vsel vm3, v14, v11;
	v12 =	vsel vm2, v18, v12;
	vm1 =	vgt.f32 v25, v15  }
0x135: {  	v8 =	vsel vm3, v13, v8;
	v11 =	vsel vm2, v17, v11;
	v12 =	vsel vm1, v23, v12  }
0x136: {  	v13 =	vsel vm3, v19, v16;
	v8 =	vsel vm2, v20, v8;
	v11 =	vsel vm1, v21, v11;
	[tilespmem:$0x19100] =	vst v12  }
0x137: {  	v9 =	vsel vm2, v9, v13;
	v8 =	vsel vm1, v26, v8;
	[tilespmem:$0x19110] =	vst v11  }
0x138: {  	v9 =	vsel vm1, v22, v9;
	[tilespmem:$0x19120] =	vst v8  }
0x139: {  	s23 =	simm.s32 $0x7D00;
	[tilespmem:$0x19130] =	vst v9  }
0x13a: {  	v12 =	vld [tilespmem:s23+$0x10]  }
0x13b: {  	v13 =	vld [tilespmem:s23+$0x0];
	_ =	sdelay $0x1  }
0x13c: {  	v9 =	vld [tilespmem:s23+$0x20];
	_ =	sdelay $0x1  }
0x13d: {  	s30 =	simm.s32 $0x7D40;
	v17 =	vld [tilespmem:s23+$0x30]  }
0x13e: {  	v15 =	vld [tilespmem:s30+$0x10];
	v8 =	vmul.f32 v12, v12;
	v11 =	vmul.f32 v13, v13  }
0x13f: {  	v16 =	vld [tilespmem:s30+$0x0]  }
0x140: {  	v18 =	vmul.f32 v9, v9;
	v8 =	vadd.f32 v8, v11  }
0x141: {  	v14 =	vld [tilespmem:s30+$0x20]  }
0x142: {  	v11 =	vmul.f32 v17, v17;
	v8 =	vadd.f32 v18, v8  }
0x143: {  	v20 =	vld [tilespmem:s30+$0x30]  }
0x144: {  	v19 =	vmul.f32 v16, v16;
	v8 =	vadd.f32 v11, v8;
	v11 =	vmul.f32 v15, v15;
	_ =	sdelay $0x1  }
0x145: {  	v22 =	vmul.f32 v14, v14;
	v11 =	vadd.f32 v11, v19  }
0x146: {  	s31 =	simm.s32 $0x7D80;
	v21 =	vperm.xlane v8, v0  }
0x147: {  	v23 =	vmul.f32 v20, v20;
	v18 =	vld [tilespmem:s31+$0x10];
	v11 =	vadd.f32 v22, v11  }
0x148: {  	v19 =	vld [tilespmem:s31+$0x0];
	v8 =	vadd.f32 v8, v21  }
0x149: {  	v21 =	vld [tilespmem:s31+$0x20];
	v11 =	vadd.f32 v23, v11  }
0x14a: {  	v10 =	vsel vm0, s22, v10;
	v22 =	vperm.xlane v8, v1  }
0x14b: {  	v24 =	vsel vm3, s21, v10;
	v10 =	vld [tilespmem:s31+$0x30];
	v27 =	vperm.xlane v11, v0  }
0x14c: {  	s24 =	simm.s32 $0x7DC0;
	v26 =	vadd.f32 v8, v22  }
0x14d: {  	v25 =	vmul.f32 v18, v18;
	v23 =	vld [tilespmem:s24+$0x30];
	v8 =	vmul.f32 v19, v19;
	v27 =	vadd.f32 v11, v27  }
0x14e: {  	v24 =	vsel vm2, s19, v24;
	v22 =	vld [tilespmem:s24+$0x10];
	v28 =	vmul.f32 v21, v21;
	v29 =	vperm.xlane v26, v2  }
0x14f: {  	v25 =	vadd.f32 v25, v8;
	v8 =	vsel vm1, s20, v24;
	v24 =	vld [tilespmem:s24+$0x0];
	v62 =	vperm.xlane v27, v1  }
0x150: {  	v30 =	vmul.f32 v10, v10;
	v29 =	vadd.f32 v26, v29  }
0x151: {  	v11 =	vimm.s32 $0x0;
	v28 =	vadd.f32 v28, v25;
	v32 =	vadd.f32 v27, v62;
	v27 =	vld [tilespmem:s24+$0x20]  }
0x152: {  	v31 =	vmul.f32 v23, v23;
	v26 =	vimm.f32 $-1.000000000e+00;
	v25 =	vimm.f32 $0.0e+00  }
0x153: {  	v35 =	vmul.f32 v22, v22;
	v63 =	vperm.xlane v29, v3;
	v34 =	vadd.f32 v30, v28  }
0x154: {  	s22 =	simm.s32 $0x0;
	s21 =	simm.s32 $0x1;
	s19 =	simm.s32 $0x2;
	v30 =	vimm.f32 $0.0e+00;
	v28 =	vimm.f32 $0.0e+00;
	v37 =	vmul.f32 v24, v24  }
0x155: {  	s23 =	simm.s32 $0x4;
	s20 =	simm.s32 $0x3;
	s24 =	simm.s32 $0x7E00;
	v36 =	vperm.xlane v34, v0;
	v33 =	vadd.f32 v29, v63;
	v29 =	vimm.f32 $0.0e+00  }
.LBB2_13:
0x156: {  	v39 =	vmul.f32 v27, v27;
	v40 =	vperm.xlane v32, v2;
	v41 =	vmovc v23;
	v42 =	vmovc v13;
	v13 =	vmov v16  }
0x157: {  	v38 =	vld [tilespmem:s24+$0x10];
	p0 =	sne.s32 s23, $0x63;
	v16 =	vmovc v19;
	v19 =	vmovc v24;
	v43 =	vmov v9;
	v9 =	vmov v14;
	v14 =	vmov v21;
	s25 =	smov.u32 s23;
	s23 =	sadd.s32 $0x1, s23  }
0x158: {  	v21 =	vmovc v27;
	v23 =	vld [tilespmem:s24+$0x30];
	v35 =	vadd.f32 v35, v37;
	v36 =	vadd.f32 v34, v36;
	vm0 =	vgt.f32 v33, v26  }
0x159: {  	v24 =	vld [tilespmem:s24+$0x0];
	v40 =	vadd.f32 v32, v40;
	v26 =	vsel vm0, v33, v26;
	v11 =	vsel vm0, s22, v11;
	s22 =	smov.u32 s21;
	s21 =	smov.u32 s19;
	s19 =	smov.u32 s20  }
.Ltmp5:
0x15a: {  	v25 =	vsel vm0, v17, v25;
	v17 =	vmovc v20;
	s20 =	smov.u32 s25;
	v27 =	vld [tilespmem:s24+$0x20];
	v32 =	vadd.f32 v39, v35;
	v33 =	vperm.xlane v36, v1;
	(pc) =	sbr.rel @p0 .LBB2_13-.Ltmp5, $4  }
0x15b: {  	v30 =	vsel vm0, v42, v30;
	v29 =	vsel vm0, v12, v29;
	v12 =	vmovc v15;
	v39 =	vperm.xlane v40, v3  }
0x15c: {  	v28 =	vsel vm0, v43, v28;
	v15 =	vmovc v18;
	v35 =	vmul.f32 v38, v38;
	v34 =	vadd.f32 v31, v32  }
0x15d: {  	v18 =	vmovc v22;
	v20 =	vmovc v10;
	v32 =	vadd.f32 v36, v33;
	v22 =	vmov v38;
	v31 =	vmul.f32 v23, v23  }
0x15e: {  	v10 =	vmovc v41;
	s24 =	sadd.s32 $0x40, s24;
	v33 =	vadd.f32 v40, v39;
	v37 =	vmul.f32 v24, v24;
	v36 =	vperm.xlane v34, v0  }
0x15f: {  	_ = 	snop  }
0x160: {  	v38 =	vmul.f32 v27, v27;
	v35 =	vadd.f32 v35, v37;
	_ =	sdelay $0x1  }
0x161: {  	v35 =	vadd.f32 v38, v35;
	_ =	sdelay $0x1  }
0x162: {  	v31 =	vadd.f32 v31, v35;
	_ =	sdelay $0x1  }
0x163: {  	v34 =	vadd.f32 v34, v36;
	v35 =	vperm.xlane v31, v0;
	_ =	sdelay $0x1  }
0x164: {  	v36 =	vperm.xlane v34, v1;
	v31 =	vadd.f32 v31, v35;
	_ =	sdelay $0x1  }
0x165: {  	v54 =	vperm.xlane v32, v2;
	v34 =	vadd.f32 v34, v36;
	v55 =	vperm.xlane v31, v1;
	_ =	sdelay $0x1  }
0x166: {  	v32 =	vadd.f32 v32, v54;
	v56 =	vperm.xlane v34, v2;
	v31 =	vadd.f32 v31, v55;
	_ =	sdelay $0x1  }
0x167: {  	v57 =	vperm.xlane v32, v3;
	v34 =	vadd.f32 v34, v56;
	v58 =	vperm.xlane v31, v2  }
0x168: {  	vm0 =	vgt.f32 v33, v26  }
0x169: {  	v32 =	vadd.f32 v32, v57;
	v59 =	vperm.xlane v34, v3;
	v31 =	vadd.f32 v31, v58  }
0x16a: {  	v26 =	vsel vm0, v33, v26  }
0x16b: {  	vm3 =	vgt.f32 v32, v26;
	v60 =	vadd.f32 v34, v59;
	v61 =	vperm.xlane v31, v3  }
0x16c: {  	v17 =	vsel vm0, v17, v25;
	v13 =	vsel vm0, v13, v30;
	v25 =	vsel vm3, v32, v26  }
0x16d: {  	v12 =	vsel vm0, v12, v29;
	vm2 =	vgt.f32 v60, v25;
	v26 =	vadd.f32 v31, v61  }
0x16e: {  	v9 =	vsel vm0, v9, v28;
	v13 =	vsel vm3, v16, v13;
	v16 =	vsel vm2, v60, v25  }
0x16f: {  	v12 =	vsel vm3, v15, v12;
	v13 =	vsel vm2, v19, v13;
	vm1 =	vgt.f32 v26, v16  }
0x170: {  	v9 =	vsel vm3, v14, v9;
	v12 =	vsel vm2, v18, v12;
	v13 =	vsel vm1, v24, v13  }
0x171: {  	v14 =	vsel vm3, v20, v17;
	v9 =	vsel vm2, v21, v9;
	v12 =	vsel vm1, v22, v12;
	[tilespmem:$0x19140] =	vst v13  }
0x172: {  	v10 =	vsel vm2, v10, v14;
	v9 =	vsel vm1, v27, v9;
	[tilespmem:$0x19150] =	vst v12  }
0x173: {  	v10 =	vsel vm1, v23, v10;
	[tilespmem:$0x19160] =	vst v9  }
0x174: {  	s23 =	simm.s32 $0x9600;
	[tilespmem:$0x19170] =	vst v10  }
0x175: {  	v13 =	vld [tilespmem:s23+$0x10]  }
0x176: {  	v14 =	vld [tilespmem:s23+$0x0];
	_ =	sdelay $0x1  }
0x177: {  	v10 =	vld [tilespmem:s23+$0x20];
	_ =	sdelay $0x1  }
0x178: {  	s30 =	simm.s32 $0x9640;
	v18 =	vld [tilespmem:s23+$0x30]  }
0x179: {  	v16 =	vld [tilespmem:s30+$0x10];
	v9 =	vmul.f32 v13, v13;
	v12 =	vmul.f32 v14, v14  }
0x17a: {  	v17 =	vld [tilespmem:s30+$0x0]  }
0x17b: {  	v19 =	vmul.f32 v10, v10;
	v9 =	vadd.f32 v9, v12  }
0x17c: {  	v15 =	vld [tilespmem:s30+$0x20]  }
0x17d: {  	v12 =	vmul.f32 v18, v18;
	v9 =	vadd.f32 v19, v9  }
0x17e: {  	v21 =	vld [tilespmem:s30+$0x30]  }
0x17f: {  	v20 =	vmul.f32 v17, v17;
	v9 =	vadd.f32 v12, v9;
	v12 =	vmul.f32 v16, v16;
	_ =	sdelay $0x1  }
0x180: {  	v23 =	vmul.f32 v15, v15;
	v12 =	vadd.f32 v12, v20  }
0x181: {  	s31 =	simm.s32 $0x9680;
	v22 =	vperm.xlane v9, v0  }
0x182: {  	v24 =	vmul.f32 v21, v21;
	v19 =	vld [tilespmem:s31+$0x10];
	v12 =	vadd.f32 v23, v12  }
0x183: {  	v20 =	vld [tilespmem:s31+$0x0];
	v9 =	vadd.f32 v9, v22  }
0x184: {  	v22 =	vld [tilespmem:s31+$0x20];
	v12 =	vadd.f32 v24, v12  }
0x185: {  	v11 =	vsel vm0, s22, v11;
	v23 =	vperm.xlane v9, v1  }
0x186: {  	v25 =	vsel vm3, s21, v11;
	v11 =	vld [tilespmem:s31+$0x30];
	v28 =	vperm.xlane v12, v0  }
0x187: {  	s24 =	simm.s32 $0x96C0;
	v27 =	vadd.f32 v9, v23  }
0x188: {  	v26 =	vmul.f32 v19, v19;
	v24 =	vld [tilespmem:s24+$0x30];
	v9 =	vmul.f32 v20, v20;
	v28 =	vadd.f32 v12, v28  }
0x189: {  	v25 =	vsel vm2, s19, v25;
	v23 =	vld [tilespmem:s24+$0x10];
	v29 =	vmul.f32 v22, v22;
	v30 =	vperm.xlane v27, v2  }
0x18a: {  	v26 =	vadd.f32 v26, v9;
	v9 =	vsel vm1, s20, v25;
	v25 =	vld [tilespmem:s24+$0x0];
	v62 =	vperm.xlane v28, v1  }
0x18b: {  	v31 =	vmul.f32 v11, v11;
	v30 =	vadd.f32 v27, v30  }
0x18c: {  	v12 =	vimm.s32 $0x0;
	v29 =	vadd.f32 v29, v26;
	v33 =	vadd.f32 v28, v62;
	v28 =	vld [tilespmem:s24+$0x20]  }
0x18d: {  	v32 =	vmul.f32 v24, v24;
	v27 =	vimm.f32 $-1.000000000e+00;
	v26 =	vimm.f32 $0.0e+00  }
0x18e: {  	v36 =	vmul.f32 v23, v23;
	v63 =	vperm.xlane v30, v3;
	v35 =	vadd.f32 v31, v29  }
0x18f: {  	s22 =	simm.s32 $0x0;
	s21 =	simm.s32 $0x1;
	s19 =	simm.s32 $0x2;
	v31 =	vimm.f32 $0.0e+00;
	v29 =	vimm.f32 $0.0e+00;
	v38 =	vmul.f32 v25, v25  }
0x190: {  	s23 =	simm.s32 $0x4;
	s20 =	simm.s32 $0x3;
	s24 =	simm.s32 $0x9700;
	v37 =	vperm.xlane v35, v0;
	v34 =	vadd.f32 v30, v63;
	v30 =	vimm.f32 $0.0e+00  }
.LBB2_15:
0x191: {  	v40 =	vmul.f32 v28, v28;
	v41 =	vperm.xlane v33, v2;
	v42 =	vmovc v24;
	v43 =	vmovc v14;
	v14 =	vmov v17  }
0x192: {  	v39 =	vld [tilespmem:s24+$0x10];
	p0 =	sne.s32 s23, $0x63;
	v17 =	vmovc v20;
	v20 =	vmovc v25;
	v44 =	vmov v10;
	v10 =	vmov v15;
	v15 =	vmov v22;
	s25 =	smov.u32 s23;
	s23 =	sadd.s32 $0x1, s23  }
0x193: {  	v22 =	vmovc v28;
	v24 =	vld [tilespmem:s24+$0x30];
	v36 =	vadd.f32 v36, v38;
	v37 =	vadd.f32 v35, v37;
	vm0 =	vgt.f32 v34, v27  }
0x194: {  	v25 =	vld [tilespmem:s24+$0x0];
	v41 =	vadd.f32 v33, v41;
	v27 =	vsel vm0, v34, v27;
	v12 =	vsel vm0, s22, v12;
	s22 =	smov.u32 s21;
	s21 =	smov.u32 s19;
	s19 =	smov.u32 s20  }
.Ltmp6:
0x195: {  	v26 =	vsel vm0, v18, v26;
	v18 =	vmovc v21;
	s20 =	smov.u32 s25;
	v28 =	vld [tilespmem:s24+$0x20];
	v33 =	vadd.f32 v40, v36;
	v34 =	vperm.xlane v37, v1;
	(pc) =	sbr.rel @p0 .LBB2_15-.Ltmp6, $4  }
0x196: {  	v31 =	vsel vm0, v43, v31;
	v30 =	vsel vm0, v13, v30;
	v13 =	vmovc v16;
	v40 =	vperm.xlane v41, v3  }
0x197: {  	v29 =	vsel vm0, v44, v29;
	v16 =	vmovc v19;
	v36 =	vmul.f32 v39, v39;
	v35 =	vadd.f32 v32, v33  }
0x198: {  	v19 =	vmovc v23;
	v21 =	vmovc v11;
	v33 =	vadd.f32 v37, v34;
	v23 =	vmov v39;
	v32 =	vmul.f32 v24, v24  }
0x199: {  	v11 =	vmovc v42;
	s24 =	sadd.s32 $0x40, s24;
	v34 =	vadd.f32 v41, v40;
	v38 =	vmul.f32 v25, v25;
	v37 =	vperm.xlane v35, v0  }
0x19a: {  	_ = 	snop  }
0x19b: {  	v39 =	vmul.f32 v28, v28;
	v36 =	vadd.f32 v36, v38;
	_ =	sdelay $0x1  }
0x19c: {  	v36 =	vadd.f32 v39, v36;
	_ =	sdelay $0x1  }
0x19d: {  	v32 =	vadd.f32 v32, v36;
	_ =	sdelay $0x1  }
0x19e: {  	v35 =	vadd.f32 v35, v37;
	v36 =	vperm.xlane v32, v0;
	_ =	sdelay $0x1  }
0x19f: {  	v37 =	vperm.xlane v35, v1;
	v32 =	vadd.f32 v32, v36;
	_ =	sdelay $0x1  }
0x1a0: {  	v53 =	vperm.xlane v33, v2;
	v35 =	vadd.f32 v35, v37;
	v54 =	vperm.xlane v32, v1;
	_ =	sdelay $0x1  }
0x1a1: {  	v33 =	vadd.f32 v33, v53;
	v55 =	vperm.xlane v35, v2;
	v32 =	vadd.f32 v32, v54;
	_ =	sdelay $0x1  }
0x1a2: {  	v56 =	vperm.xlane v33, v3;
	v35 =	vadd.f32 v35, v55;
	v57 =	vperm.xlane v32, v2  }
0x1a3: {  	vm0 =	vgt.f32 v34, v27  }
0x1a4: {  	v33 =	vadd.f32 v33, v56;
	v58 =	vperm.xlane v35, v3;
	v32 =	vadd.f32 v32, v57  }
0x1a5: {  	v27 =	vsel vm0, v34, v27  }
0x1a6: {  	vm3 =	vgt.f32 v33, v27;
	v59 =	vadd.f32 v35, v58;
	v60 =	vperm.xlane v32, v3  }
0x1a7: {  	v18 =	vsel vm0, v18, v26;
	v14 =	vsel vm0, v14, v31;
	v26 =	vsel vm3, v33, v27  }
0x1a8: {  	v13 =	vsel vm0, v13, v30;
	vm2 =	vgt.f32 v59, v26;
	v27 =	vadd.f32 v32, v60  }
0x1a9: {  	v10 =	vsel vm0, v10, v29;
	v14 =	vsel vm3, v17, v14;
	v17 =	vsel vm2, v59, v26  }
0x1aa: {  	v13 =	vsel vm3, v16, v13;
	v14 =	vsel vm2, v20, v14;
	vm1 =	vgt.f32 v27, v17  }
0x1ab: {  	v10 =	vsel vm3, v15, v10;
	v13 =	vsel vm2, v19, v13;
	v14 =	vsel vm1, v25, v14  }
0x1ac: {  	v15 =	vsel vm3, v21, v18;
	v10 =	vsel vm2, v22, v10;
	v13 =	vsel vm1, v23, v13;
	[tilespmem:$0x19180] =	vst v14  }
0x1ad: {  	v11 =	vsel vm2, v11, v15;
	v10 =	vsel vm1, v28, v10;
	[tilespmem:$0x19190] =	vst v13  }
0x1ae: {  	v11 =	vsel vm1, v24, v11;
	[tilespmem:$0x191A0] =	vst v10  }
0x1af: {  	s23 =	simm.s32 $0xAF00;
	[tilespmem:$0x191B0] =	vst v11  }
0x1b0: {  	v13 =	vld [tilespmem:s23+$0x10]  }
0x1b1: {  	v14 =	vld [tilespmem:s23+$0x0];
	_ =	sdelay $0x1  }
0x1b2: {  	v11 =	vld [tilespmem:s23+$0x20]  }
0x1b3: {  	s30 =	simm.s32 $0xAF40;
	v19 =	vld [tilespmem:s23+$0x30]  }
0x1b4: {  	v16 =	vld [tilespmem:s30+$0x10]  }
0x1b5: {  	v17 =	vld [tilespmem:s30+$0x0];
	v10 =	vmul.f32 v13, v13;
	v15 =	vmul.f32 v14, v14;
	_ =	sdelay $0x1  }
0x1b6: {  	v18 =	vmul.f32 v11, v11;
	v10 =	vadd.f32 v10, v15;
	v15 =	vld [tilespmem:s30+$0x20];
	_ =	sdelay $0x1  }
0x1b7: {  	v22 =	vld [tilespmem:s30+$0x30];
	v20 =	vmul.f32 v19, v19;
	v10 =	vadd.f32 v18, v10  }
0x1b8: {  	v21 =	vmul.f32 v17, v17;
	v18 =	vmul.f32 v16, v16  }
0x1b9: {  	v10 =	vadd.f32 v20, v10  }
0x1ba: {  	v18 =	vadd.f32 v18, v21;
	v24 =	vmul.f32 v15, v15  }
0x1bb: {  	s31 =	simm.s32 $0xAF80;
	v23 =	vperm.xlane v10, v0  }
0x1bc: {  	v25 =	vmul.f32 v22, v22;
	v20 =	vld [tilespmem:s31+$0x10];
	v18 =	vadd.f32 v24, v18  }
0x1bd: {  	v21 =	vld [tilespmem:s31+$0x0];
	v10 =	vadd.f32 v10, v23  }
0x1be: {  	v23 =	vld [tilespmem:s31+$0x20];
	v18 =	vadd.f32 v25, v18  }
0x1bf: {  	v24 =	vperm.xlane v10, v1  }
0x1c0: {  	v12 =	vsel vm0, s22, v12;
	v29 =	vperm.xlane v18, v0  }
0x1c1: {  	s24 =	simm.s32 $0xAFC0;
	v26 =	vsel vm3, s21, v12;
	v12 =	vld [tilespmem:s31+$0x30];
	v28 =	vadd.f32 v10, v24  }
0x1c2: {  	v27 =	vmul.f32 v20, v20;
	v25 =	vld [tilespmem:s24+$0x30];
	v10 =	vmul.f32 v21, v21;
	v29 =	vadd.f32 v18, v29  }
0x1c3: {  	v26 =	vsel vm2, s19, v26;
	v24 =	vld [tilespmem:s24+$0x10];
	v30 =	vmul.f32 v23, v23;
	v31 =	vperm.xlane v28, v2  }
0x1c4: {  	v27 =	vadd.f32 v27, v10;
	v10 =	vsel vm1, s20, v26;
	v26 =	vld [tilespmem:s24+$0x0];
	v62 =	vperm.xlane v29, v1  }
0x1c5: {  	v32 =	vimm.f32 $0.0e+00;
	v31 =	vadd.f32 v28, v31  }
0x1c6: {  	v61 =	vmul.f32 v12, v12;
	v30 =	vadd.f32 v30, v27;
	v34 =	vadd.f32 v29, v62;
	v29 =	vld [tilespmem:s24+$0x20]  }
0x1c7: {  	v18 =	vimm.s32 $0x0;
	v33 =	vmul.f32 v25, v25;
	v28 =	vimm.f32 $-1.000000000e+00  }
0x1c8: {  	v27 =	vimm.f32 $0.0e+00;
	v63 =	vperm.xlane v31, v3;
	v36 =	vadd.f32 v61, v30  }
0x1c9: {  	s22 =	simm.s32 $0x0;
	s21 =	simm.s32 $0x1;
	s19 =	simm.s32 $0x2;
	v37 =	vmul.f32 v24, v24;
	v30 =	vimm.f32 $0.0e+00;
	v39 =	vmul.f32 v26, v26  }
0x1ca: {  	s23 =	simm.s32 $0x4;
	s20 =	simm.s32 $0x3;
	s24 =	simm.s32 $0xB000;
	v38 =	vperm.xlane v36, v0;
	v35 =	vadd.f32 v31, v63;
	v31 =	vimm.f32 $0.0e+00  }
.LBB2_17:
0x1cb: {  	v41 =	vmul.f32 v29, v29;
	v42 =	vperm.xlane v34, v2;
	v43 =	vmovc v25;
	v44 =	vmovc v14;
	v14 =	vmov v17  }
0x1cc: {  	v40 =	vld [tilespmem:s24+$0x10];
	p0 =	sne.s32 s23, $0x63;
	v17 =	vmovc v21;
	v21 =	vmovc v26;
	v45 =	vmov v11;
	v11 =	vmov v15;
	v15 =	vmov v23;
	s25 =	smov.u32 s23;
	s23 =	sadd.s32 $0x1, s23  }
0x1cd: {  	v23 =	vmovc v29;
	v25 =	vld [tilespmem:s24+$0x30];
	v37 =	vadd.f32 v37, v39;
	v38 =	vadd.f32 v36, v38;
	vm0 =	vgt.f32 v35, v28  }
0x1ce: {  	v26 =	vld [tilespmem:s24+$0x0];
	v42 =	vadd.f32 v34, v42;
	v28 =	vsel vm0, v35, v28;
	v18 =	vsel vm0, s22, v18;
	s22 =	smov.u32 s21;
	s21 =	smov.u32 s19;
	s19 =	smov.u32 s20  }
.Ltmp7:
0x1cf: {  	v27 =	vsel vm0, v19, v27;
	v19 =	vmovc v22;
	s20 =	smov.u32 s25;
	v29 =	vld [tilespmem:s24+$0x20];
	v34 =	vadd.f32 v41, v37;
	v35 =	vperm.xlane v38, v1;
	(pc) =	sbr.rel @p0 .LBB2_17-.Ltmp7, $4  }
0x1d0: {  	v32 =	vsel vm0, v44, v32;
	v31 =	vsel vm0, v13, v31;
	v13 =	vmovc v16;
	v41 =	vperm.xlane v42, v3  }
0x1d1: {  	v30 =	vsel vm0, v45, v30;
	v16 =	vmovc v20;
	v37 =	vmul.f32 v40, v40;
	v36 =	vadd.f32 v33, v34  }
0x1d2: {  	v20 =	vmovc v24;
	v22 =	vmovc v12;
	v34 =	vadd.f32 v38, v35;
	v24 =	vmov v40;
	v33 =	vmul.f32 v25, v25  }
0x1d3: {  	v12 =	vmovc v43;
	s24 =	sadd.s32 $0x40, s24;
	v35 =	vadd.f32 v42, v41;
	v39 =	vmul.f32 v26, v26;
	v38 =	vperm.xlane v36, v0  }
0x1d4: {  	_ = 	snop  }
0x1d5: {  	v40 =	vmul.f32 v29, v29;
	v37 =	vadd.f32 v37, v39;
	_ =	sdelay $0x1  }
0x1d6: {  	v37 =	vadd.f32 v40, v37;
	_ =	sdelay $0x1  }
0x1d7: {  	v33 =	vadd.f32 v33, v37;
	_ =	sdelay $0x1  }
0x1d8: {  	v36 =	vadd.f32 v36, v38;
	v37 =	vperm.xlane v33, v0;
	_ =	sdelay $0x1  }
0x1d9: {  	v38 =	vperm.xlane v36, v1;
	v33 =	vadd.f32 v33, v37;
	_ =	sdelay $0x1  }
0x1da: {  	v56 =	vperm.xlane v34, v2;
	v36 =	vadd.f32 v36, v38;
	v57 =	vperm.xlane v33, v1;
	_ =	sdelay $0x1  }
0x1db: {  	v34 =	vadd.f32 v34, v56;
	v58 =	vperm.xlane v36, v2;
	v33 =	vadd.f32 v33, v57;
	_ =	sdelay $0x1  }
0x1dc: {  	v59 =	vperm.xlane v34, v3;
	v36 =	vadd.f32 v36, v58;
	v60 =	vperm.xlane v33, v2  }
0x1dd: {  	vm0 =	vgt.f32 v35, v28  }
0x1de: {  	v34 =	vadd.f32 v34, v59;
	v61 =	vperm.xlane v36, v3;
	v33 =	vadd.f32 v33, v60  }
0x1df: {  	v28 =	vsel vm0, v35, v28  }
0x1e0: {  	vm3 =	vgt.f32 v34, v28;
	v62 =	vadd.f32 v36, v61;
	v63 =	vperm.xlane v33, v3  }
0x1e1: {  	v19 =	vsel vm0, v19, v27;
	v14 =	vsel vm0, v14, v32;
	v27 =	vsel vm3, v34, v28  }
0x1e2: {  	v13 =	vsel vm0, v13, v31;
	vm2 =	vgt.f32 v62, v27;
	v28 =	vadd.f32 v33, v63  }
0x1e3: {  	v11 =	vsel vm0, v11, v30;
	v14 =	vsel vm3, v17, v14;
	v17 =	vsel vm2, v62, v27  }
0x1e4: {  	v13 =	vsel vm3, v16, v13;
	v14 =	vsel vm2, v21, v14;
	vm1 =	vgt.f32 v28, v17  }
0x1e5: {  	v11 =	vsel vm3, v15, v11;
	v13 =	vsel vm2, v20, v13;
	v14 =	vsel vm1, v26, v14  }
0x1e6: {  	v15 =	vsel vm3, v22, v19;
	v11 =	vsel vm2, v23, v11;
	v13 =	vsel vm1, v24, v13;
	[tilespmem:$0x191C0] =	vst v14  }
0x1e7: {  	v12 =	vsel vm2, v12, v15;
	v11 =	vsel vm1, v29, v11;
	[tilespmem:$0x191D0] =	vst v13  }
0x1e8: {  	p0 =	seq.s32 s18, $0x1F;
	v12 =	vsel vm1, v25, v12;
	[tilespmem:$0x191E0] =	vst v11  }
0x1e9: {  	s23 =	sadd.s32 @!p0 s17, s7;
	[tilespmem:$0x191F0] =	vst v12  }
0x1ea: {  	s23 =	smul.u32 @!p0 $0x320, s23;
	_ =	swait.ge [sflag:s12], $0xC800  }
0x1eb: {  	s29 =	simm.s32 $0xC820;
	[sflag:s12] =	ssyncset.done $0x0  }
0x1ec: {  	s24 =	simm.s32 @!p0 $0x0;
	s23 =	sadd.s32 @!p0 s5, s23;
	[sflag:s12] =	ssyncadd.s32 $0xFFFF3800  }
0x1ed: {  	[tilespmem:s24], [sflag:$0x1] =	stream.linear.gather @!p0 [hbm4b:s23+s24], $0xC800, $0x38;
	[tilespmem:$0x19600] =	vst v63  }
0x1ee: {  	v12 =	vld [tilespmem:s29+$0xFFFFFFF0]  }
0x1ef: {  	v13 =	vld [tilespmem:s29+$0xFFFFFFE0];
	_ =	sdelay $0x2  }
0x1f0: {  	v11 =	vld [tilespmem:s29+$0x0];
	_ =	sdelay $0x1  }
0x1f1: {  	s30 =	simm.s32 $0xC860;
	v17 =	vld [tilespmem:s29+$0x10];
	v14 =	vmul.f32 v12, v12;
	v16 =	vmul.f32 v13, v13  }
0x1f2: {  	v15 =	vld [tilespmem:s30+$0xFFFFFFF0]  }
0x1f3: {  	v20 =	vadd.f32 v14, v16;
	v16 =	vld [tilespmem:s30+$0xFFFFFFE0]  }
0x1f4: {  	v19 =	vmul.f32 v11, v11  }
0x1f5: {  	vm9 =	vmmov $0x1;
	v14 =	vld [tilespmem:s30+$0x0]  }
0x1f6: {  	v18 =	vsel vm0, s22, v18;
	v21 =	vmul.f32 v17, v17;
	v19 =	vadd.f32 v19, v20  }
0x1f7: {  	vm10 =	vmmov $0x3;
	v4 =	vsel vm9, v4, v5;
	v20 =	vsel vm3, s21, v18;
	v18 =	vld [tilespmem:s30+$0x10]  }
0x1f8: {  	v5 =	vadd.f32 v21, v19;
	v19 =	vmul.f32 v15, v15;
	v21 =	vmul.f32 v16, v16  }
0x1f9: {  	s31 =	simm.s32 $0xC8A0;
	v4 =	vsel vm10, v4, v6  }
0x1fa: {  	v6 =	vld [tilespmem:s31+$0xFFFFFFF0];
	v23 =	vmul.f32 v14, v14;
	v22 =	vperm.xlane v5, v0;
	v21 =	vadd.f32 v19, v21  }
0x1fb: {  	vm11 =	vmmov $0x7;
	vm12 =	vmmov $0xf;
	v19 =	vld [tilespmem:s31+$0xFFFFFFE0]  }
0x1fc: {  	v5 =	vadd.f32 v5, v22;
	v22 =	vmul.f32 v18, v18;
	v21 =	vadd.f32 v23, v21  }
0x1fd: {  	vm13 =	vmmov $0x1f;
	vm14 =	vmmov $0x3f;
	v4 =	vsel vm11, v4, v7  }
0x1fe: {  	v4 =	vsel vm12, v4, v8;
	v7 =	vld [tilespmem:s31+$0x0];
	v23 =	vperm.xlane v5, v1;
	v21 =	vadd.f32 v22, v21  }
0x1ff: {  	s25 =	simm.s32 $0xC8E0;
	v4 =	vsel vm13, v4, v9;
	v8 =	vld [tilespmem:s31+$0x10];
	v20 =	vsel vm2, s19, v20;
	v22 =	vmul.f32 v6, v6  }
0x200: {  	v9 =	vld [tilespmem:s25+$0xFFFFFFF0];
	v5 =	vadd.f32 v5, v23;
	v23 =	vmul.f32 v19, v19;
	v24 =	vperm.xlane v21, v0  }
0x201: {  	vm15 =	vmmov $0x7f;
	v4 =	vsel vm14, v4, v10;
	v10 =	vld [tilespmem:s25+$0x10];
	v20 =	vsel vm1, s20, v20  }
0x202: {  	v4 =	vsel vm15, v4, v20;
	v20 =	vld [tilespmem:s25+$0xFFFFFFE0];
	v22 =	vadd.f32 v22, v23;
	v23 =	vadd.f32 v21, v24  }
0x203: {  	v26 =	vperm.xlane v5, v2  }
0x204: {  	v25 =	vmul.f32 v7, v7;
	v28 =	vperm.xlane v23, v1  }
0x205: {  	v31 =	vmul.f32 v9, v9;
	v26 =	vadd.f32 v5, v26  }
0x206: {  	v24 =	vmul.f32 v8, v8;
	v25 =	vadd.f32 v25, v22;
	v28 =	vadd.f32 v23, v28;
	v23 =	vld [tilespmem:s25+$0x0]  }
0x207: {  	v27 =	vmul.f32 v10, v10;
	v33 =	vmul.f32 v20, v20;
	v21 =	vimm.f32 $0.0e+00  }
0x208: {  	s18 =	sadd.s32 $0x1, s18;
	s22 =	simm.s32 $0x1;
	v22 =	vimm.f32 $-1.000000000e+00;
	v30 =	vperm.xlane v26, v3;
	v29 =	vadd.f32 v24, v25  }
0x209: {  	s23 =	simm.s32 $0x0;
	s24 =	simm.s32 $0x4;
	s21 =	simm.s32 $0x3;
	v5 =	vimm.s32 $0x0;
	v25 =	vimm.f32 $0.0e+00;
	v24 =	vimm.f32 $0.0e+00  }
0x20a: {  	s19 =	sadd.s32 s3, s17;
	s20 =	simm.s32 $0x2;
	s25 =	simm.s32 $0xC920;
	v32 =	vperm.xlane v29, v0;
	v30 =	vadd.f32 v26, v30;
	v26 =	vimm.f32 $0.0e+00  }
.LBB2_19:
0x20b: {  	v35 =	vmul.f32 v23, v23;
	v36 =	vperm.xlane v28, v2;
	v37 =	vmovc v10;
	v38 =	vmovc v13;
	v13 =	vmov v16  }
0x20c: {  	v34 =	vld [tilespmem:s25+$0xFFFFFFF0];
	p0 =	sne.s32 s24, $0x63;
	v16 =	vmovc v19;
	v19 =	vmovc v20;
	v39 =	vmov v11;
	v11 =	vmov v14;
	v14 =	vmov v7;
	s26 =	smov.u32 s24;
	s24 =	sadd.s32 $0x1, s24  }
0x20d: {  	v7 =	vmovc v23;
	v10 =	vld [tilespmem:s25+$0x10];
	v31 =	vadd.f32 v31, v33;
	v32 =	vadd.f32 v29, v32;
	vm0 =	vgt.f32 v30, v22  }
0x20e: {  	v20 =	vld [tilespmem:s25+$0xFFFFFFE0];
	v36 =	vadd.f32 v28, v36;
	v22 =	vsel vm0, v30, v22;
	v5 =	vsel vm0, s23, v5;
	s23 =	smov.u32 s22;
	s22 =	smov.u32 s20;
	s20 =	smov.u32 s21  }
.Ltmp8:
0x20f: {  	v21 =	vsel vm0, v17, v21;
	v17 =	vmovc v18;
	s21 =	smov.u32 s26;
	v23 =	vld [tilespmem:s25+$0x0];
	v28 =	vadd.f32 v35, v31;
	v30 =	vperm.xlane v32, v1;
	(pc) =	sbr.rel @p0 .LBB2_19-.Ltmp8, $4  }
0x210: {  	v26 =	vsel vm0, v38, v26;
	v25 =	vsel vm0, v12, v25;
	v12 =	vmovc v15;
	v35 =	vperm.xlane v36, v3  }
0x211: {  	v24 =	vsel vm0, v39, v24;
	v15 =	vmovc v6;
	v31 =	vmul.f32 v34, v34;
	v29 =	vadd.f32 v27, v28  }
0x212: {  	v6 =	vmovc v9;
	v18 =	vmovc v8;
	v28 =	vadd.f32 v32, v30;
	v9 =	vmov v34;
	v27 =	vmul.f32 v10, v10  }
0x213: {  	v8 =	vmovc v37;
	s25 =	sadd.s32 $0x40, s25;
	v30 =	vadd.f32 v36, v35;
	v33 =	vmul.f32 v20, v20;
	v32 =	vperm.xlane v29, v0  }
0x214: {  	_ = 	snop  }
0x215: {  	v34 =	vmul.f32 v23, v23;
	v31 =	vadd.f32 v31, v33;
	_ =	sdelay $0x1  }
0x216: {  	v31 =	vadd.f32 v34, v31;
	_ =	sdelay $0x1  }
0x217: {  	v27 =	vadd.f32 v27, v31;
	_ =	sdelay $0x1  }
0x218: {  	v29 =	vadd.f32 v29, v32;
	v31 =	vperm.xlane v27, v0;
	_ =	sdelay $0x1  }
0x219: {  	v32 =	vperm.xlane v29, v1;
	v27 =	vadd.f32 v27, v31;
	_ =	sdelay $0x1  }
0x21a: {  	v29 =	vadd.f32 v29, v32;
	v31 =	vperm.xlane v28, v2;
	v61 =	vperm.xlane v27, v1;
	_ =	sdelay $0x1  }
0x21b: {  	v28 =	vadd.f32 v28, v31;
	v31 =	vperm.xlane v29, v2;
	v27 =	vadd.f32 v27, v61;
	_ =	sdelay $0x1  }
0x21c: {  	v62 =	vperm.xlane v28, v3;
	v29 =	vadd.f32 v29, v31;
	v31 =	vperm.xlane v27, v2  }
0x21d: {  	vm0 =	vgt.f32 v30, v22  }
0x21e: {  	v28 =	vadd.f32 v28, v62;
	v63 =	vperm.xlane v29, v3;
	v27 =	vadd.f32 v27, v31  }
0x21f: {  	v22 =	vsel vm0, v30, v22  }
0x220: {  	vm3 =	vgt.f32 v28, v22;
	v29 =	vadd.f32 v29, v63;
	v30 =	vperm.xlane v27, v3  }
0x221: {  	v17 =	vsel vm0, v17, v21;
	v13 =	vsel vm0, v13, v26;
	v21 =	vsel vm3, v28, v22  }
0x222: {  	v12 =	vsel vm0, v12, v25;
	vm2 =	vgt.f32 v29, v21;
	v22 =	vadd.f32 v27, v30  }
0x223: {  	v11 =	vsel vm0, v11, v24;
	v13 =	vsel vm3, v16, v13;
	v16 =	vsel vm2, v29, v21  }
0x224: {  	v12 =	vsel vm3, v15, v12;
	v13 =	vsel vm2, v19, v13;
	vm1 =	vgt.f32 v22, v16  }
0x225: {  	v11 =	vsel vm3, v14, v11;
	v6 =	vsel vm2, v6, v12;
	v12 =	vsel vm1, v20, v13  }
0x226: {  	v7 =	vsel vm2, v7, v11;
	v13 =	vsel vm3, v18, v17;
	v6 =	vsel vm1, v9, v6;
	[tilespmem:$0x19200] =	vst v12  }
0x227: {  	v7 =	vsel vm1, v23, v7;
	v8 =	vsel vm2, v8, v13;
	[tilespmem:$0x19210] =	vst v6  }
0x228: {  	[tilespmem:$0x19220] =	vst v7;
	v6 =	vsel vm1, v10, v8  }
0x229: {  	s24 =	simm.s32 $0xE130;
	[tilespmem:$0x19230] =	vst v6  }
0x22a: {  	v7 =	vld [tilespmem:s24+$0xFFFFFFE0]  }
0x22b: {  	v9 =	vld [tilespmem:s24+$0xFFFFFFD0];
	_ =	sdelay $0x1  }
0x22c: {  	v6 =	vld [tilespmem:s24+$0xFFFFFFF0];
	_ =	sdelay $0x1  }
0x22d: {  	s30 =	simm.s32 $0xE170;
	v13 =	vld [tilespmem:s24+$0x0]  }
0x22e: {  	v11 =	vld [tilespmem:s30+$0xFFFFFFE0];
	v8 =	vmul.f32 v7, v7;
	v10 =	vmul.f32 v9, v9  }
0x22f: {  	v12 =	vld [tilespmem:s30+$0xFFFFFFD0]  }
0x230: {  	v14 =	vmul.f32 v6, v6;
	v8 =	vadd.f32 v8, v10  }
0x231: {  	v10 =	vld [tilespmem:s30+$0xFFFFFFF0]  }
0x232: {  	v15 =	vmul.f32 v13, v13;
	v8 =	vadd.f32 v14, v8  }
0x233: {  	v16 =	vld [tilespmem:s30+$0x0]  }
0x234: {  	v17 =	vmul.f32 v12, v12;
	v8 =	vadd.f32 v15, v8;
	v15 =	vmul.f32 v11, v11;
	_ =	sdelay $0x1  }
0x235: {  	s31 =	simm.s32 $0xE1B0;
	v19 =	vmul.f32 v10, v10;
	v20 =	vadd.f32 v15, v17  }
0x236: {  	v14 =	vld [tilespmem:s31+$0xFFFFFFE0]  }
0x237: {  	v21 =	vmul.f32 v16, v16;
	v18 =	vperm.xlane v8, v0;
	v15 =	vld [tilespmem:s31+$0xFFFFFFD0];
	v19 =	vadd.f32 v19, v20;
	_ =	sdelay $0x1  }
0x238: {  	v17 =	vld [tilespmem:s31+$0xFFFFFFF0];
	v8 =	vadd.f32 v8, v18;
	v21 =	vadd.f32 v21, v19;
	_ =	sdelay $0x1  }
0x239: {  	v18 =	vld [tilespmem:s31+$0x0];
	v20 =	vperm.xlane v8, v1;
	v24 =	vperm.xlane v21, v0  }
0x23a: {  	s25 =	simm.s32 $0xE1F0;
	v22 =	vmul.f32 v14, v14;
	v23 =	vmul.f32 v15, v15  }
0x23b: {  	v5 =	vsel vm0, s23, v5;
	v19 =	vld [tilespmem:s25+$0xFFFFFFE0];
	v8 =	vadd.f32 v8, v20;
	v24 =	vadd.f32 v21, v24  }
0x23c: {  	v5 =	vsel vm3, s22, v5;
	v25 =	vmul.f32 v17, v17;
	v20 =	vld [tilespmem:s25+$0x0];
	v22 =	vadd.f32 v22, v23  }
0x23d: {  	v5 =	vsel vm2, s20, v5;
	v26 =	vperm.xlane v8, v2;
	v21 =	vld [tilespmem:s25+$0xFFFFFFD0];
	v29 =	vperm.xlane v24, v1  }
0x23e: {  	v5 =	vsel vm1, s21, v5;
	v27 =	vmul.f32 v18, v18;
	v25 =	vadd.f32 v25, v22  }
0x23f: {  	v23 =	vimm.f32 $-1.000000000e+00;
	v26 =	vadd.f32 v8, v26;
	v29 =	vadd.f32 v24, v29;
	v24 =	vld [tilespmem:s25+$0xFFFFFFF0]  }
0x240: {  	v22 =	vimm.f32 $0.0e+00;
	v32 =	vmul.f32 v19, v19;
	v8 =	vimm.s32 $0x0  }
0x241: {  	v31 =	vadd.f32 v27, v25;
	v28 =	vmul.f32 v20, v20;
	v30 =	vperm.xlane v26, v3  }
0x242: {  	s23 =	simm.s32 $0x0;
	s22 =	simm.s32 $0x1;
	s20 =	simm.s32 $0x2;
	v27 =	vimm.f32 $0.0e+00;
	v25 =	vimm.f32 $0.0e+00;
	v34 =	vmul.f32 v21, v21  }
0x243: {  	s21 =	simm.s32 $0x3;
	s24 =	simm.s32 $0x4;
	s25 =	simm.s32 $0xE230;
	v33 =	vperm.xlane v31, v0;
	v30 =	vadd.f32 v26, v30;
	v26 =	vimm.f32 $0.0e+00  }
.LBB2_21:
0x244: {  	v36 =	vmul.f32 v24, v24;
	v37 =	vperm.xlane v29, v2;
	v38 =	vmovc v20;
	v39 =	vmovc v9;
	v9 =	vmov v12  }
0x245: {  	v35 =	vld [tilespmem:s25+$0xFFFFFFE0];
	p0 =	sne.s32 s24, $0x63;
	v12 =	vmovc v15;
	v15 =	vmovc v21;
	v40 =	vmov v6;
	v6 =	vmov v10;
	v10 =	vmov v17;
	s26 =	smov.u32 s24;
	s24 =	sadd.s32 $0x1, s24  }
0x246: {  	v17 =	vmovc v24;
	v20 =	vld [tilespmem:s25+$0x0];
	v32 =	vadd.f32 v32, v34;
	v33 =	vadd.f32 v31, v33;
	vm0 =	vgt.f32 v30, v23  }
0x247: {  	v21 =	vld [tilespmem:s25+$0xFFFFFFD0];
	v37 =	vadd.f32 v29, v37;
	v23 =	vsel vm0, v30, v23;
	v8 =	vsel vm0, s23, v8;
	s23 =	smov.u32 s22;
	s22 =	smov.u32 s20;
	s20 =	smov.u32 s21  }
.Ltmp9:
0x248: {  	v22 =	vsel vm0, v13, v22;
	v13 =	vmovc v16;
	s21 =	smov.u32 s26;
	v24 =	vld [tilespmem:s25+$0xFFFFFFF0];
	v29 =	vadd.f32 v36, v32;
	v30 =	vperm.xlane v33, v1;
	(pc) =	sbr.rel @p0 .LBB2_21-.Ltmp9, $4  }
0x249: {  	v27 =	vsel vm0, v39, v27;
	v26 =	vsel vm0, v7, v26;
	v7 =	vmovc v11;
	v36 =	vperm.xlane v37, v3  }
0x24a: {  	v25 =	vsel vm0, v40, v25;
	v11 =	vmovc v14;
	v32 =	vmul.f32 v35, v35;
	v31 =	vadd.f32 v28, v29  }
0x24b: {  	v14 =	vmovc v19;
	v16 =	vmovc v18;
	v29 =	vadd.f32 v33, v30;
	v19 =	vmov v35;
	v28 =	vmul.f32 v20, v20  }
0x24c: {  	v18 =	vmovc v38;
	s25 =	sadd.s32 $0x40, s25;
	v30 =	vadd.f32 v37, v36;
	v34 =	vmul.f32 v21, v21;
	v33 =	vperm.xlane v31, v0  }
0x24d: {  	_ = 	snop  }
0x24e: {  	v35 =	vmul.f32 v24, v24;
	v32 =	vadd.f32 v32, v34;
	_ =	sdelay $0x1  }
0x24f: {  	v32 =	vadd.f32 v35, v32;
	_ =	sdelay $0x1  }
0x250: {  	v28 =	vadd.f32 v28, v32;
	_ =	sdelay $0x1  }
0x251: {  	v31 =	vadd.f32 v31, v33;
	v32 =	vperm.xlane v28, v0;
	_ =	sdelay $0x1  }
0x252: {  	v33 =	vperm.xlane v31, v1;
	v28 =	vadd.f32 v28, v32;
	_ =	sdelay $0x1  }
0x253: {  	v58 =	vperm.xlane v29, v2;
	v31 =	vadd.f32 v31, v33;
	v59 =	vperm.xlane v28, v1;
	_ =	sdelay $0x1  }
0x254: {  	v29 =	vadd.f32 v29, v58;
	v60 =	vperm.xlane v31, v2;
	v28 =	vadd.f32 v28, v59;
	_ =	sdelay $0x1  }
0x255: {  	v61 =	vperm.xlane v29, v3;
	v31 =	vadd.f32 v31, v60;
	v62 =	vperm.xlane v28, v2  }
0x256: {  	vm0 =	vgt.f32 v30, v23  }
0x257: {  	v29 =	vadd.f32 v29, v61;
	v63 =	vperm.xlane v31, v3;
	v28 =	vadd.f32 v28, v62  }
0x258: {  	v23 =	vsel vm0, v30, v23  }
0x259: {  	vm3 =	vgt.f32 v29, v23;
	v30 =	vadd.f32 v31, v63;
	v31 =	vperm.xlane v28, v3  }
0x25a: {  	v13 =	vsel vm0, v13, v22;
	v9 =	vsel vm0, v9, v27;
	v22 =	vsel vm3, v29, v23  }
0x25b: {  	v7 =	vsel vm0, v7, v26;
	vm2 =	vgt.f32 v30, v22;
	v23 =	vadd.f32 v28, v31  }
0x25c: {  	v6 =	vsel vm0, v6, v25;
	v9 =	vsel vm3, v12, v9;
	v12 =	vsel vm2, v30, v22  }
0x25d: {  	v7 =	vsel vm3, v11, v7;
	v9 =	vsel vm2, v15, v9;
	vm1 =	vgt.f32 v23, v12  }
0x25e: {  	v6 =	vsel vm3, v10, v6;
	v7 =	vsel vm2, v14, v7;
	v9 =	vsel vm1, v21, v9  }
0x25f: {  	v10 =	vsel vm3, v16, v13;
	v6 =	vsel vm2, v17, v6;
	v7 =	vsel vm1, v19, v7;
	[tilespmem:$0x19240] =	vst v9  }
0x260: {  	v6 =	vsel vm1, v24, v6;
	v9 =	vsel vm2, v18, v10;
	[tilespmem:$0x19250] =	vst v7  }
0x261: {  	[tilespmem:$0x19260] =	vst v6;
	v7 =	vsel vm1, v20, v9  }
0x262: {  	s24 =	simm.s32 $0xFA30;
	[tilespmem:$0x19270] =	vst v7  }
0x263: {  	v10 =	vld [tilespmem:s24+$0xFFFFFFE0]  }
0x264: {  	v11 =	vld [tilespmem:s24+$0xFFFFFFD0];
	_ =	sdelay $0x1  }
0x265: {  	v7 =	vld [tilespmem:s24+$0xFFFFFFF0];
	_ =	sdelay $0x1  }
0x266: {  	s30 =	simm.s32 $0xFA70;
	v15 =	vld [tilespmem:s24+$0x0]  }
0x267: {  	v13 =	vld [tilespmem:s30+$0xFFFFFFE0];
	v6 =	vmul.f32 v10, v10;
	v9 =	vmul.f32 v11, v11  }
0x268: {  	v14 =	vld [tilespmem:s30+$0xFFFFFFD0]  }
0x269: {  	v16 =	vmul.f32 v7, v7;
	v6 =	vadd.f32 v6, v9  }
0x26a: {  	v12 =	vld [tilespmem:s30+$0xFFFFFFF0]  }
0x26b: {  	v9 =	vmul.f32 v15, v15;
	v6 =	vadd.f32 v16, v6  }
0x26c: {  	v18 =	vld [tilespmem:s30+$0x0]  }
0x26d: {  	v17 =	vmul.f32 v14, v14;
	v6 =	vadd.f32 v9, v6;
	v9 =	vmul.f32 v13, v13;
	_ =	sdelay $0x1  }
0x26e: {  	v20 =	vmul.f32 v12, v12;
	v9 =	vadd.f32 v9, v17  }
0x26f: {  	s31 =	simm.s32 $0xFAB0;
	v19 =	vperm.xlane v6, v0  }
0x270: {  	v21 =	vmul.f32 v18, v18;
	v16 =	vld [tilespmem:s31+$0xFFFFFFE0];
	v9 =	vadd.f32 v20, v9  }
0x271: {  	v17 =	vld [tilespmem:s31+$0xFFFFFFD0];
	v6 =	vadd.f32 v6, v19  }
0x272: {  	v19 =	vld [tilespmem:s31+$0xFFFFFFF0];
	v9 =	vadd.f32 v21, v9  }
0x273: {  	v8 =	vsel vm0, s23, v8;
	v20 =	vperm.xlane v6, v1  }
0x274: {  	v22 =	vsel vm3, s22, v8;
	v8 =	vld [tilespmem:s31+$0x0];
	v25 =	vperm.xlane v9, v0  }
0x275: {  	s25 =	simm.s32 $0xFAF0;
	v24 =	vadd.f32 v6, v20  }
0x276: {  	v23 =	vmul.f32 v16, v16;
	v21 =	vld [tilespmem:s25+$0x0];
	v6 =	vmul.f32 v17, v17;
	v25 =	vadd.f32 v9, v25  }
0x277: {  	v22 =	vsel vm2, s20, v22;
	v20 =	vld [tilespmem:s25+$0xFFFFFFE0];
	v26 =	vmul.f32 v19, v19;
	v27 =	vperm.xlane v24, v2  }
0x278: {  	v23 =	vadd.f32 v23, v6;
	v6 =	vsel vm1, s21, v22;
	v22 =	vld [tilespmem:s25+$0xFFFFFFD0];
	v30 =	vperm.xlane v25, v1  }
0x279: {  	v28 =	vmul.f32 v8, v8;
	v27 =	vadd.f32 v24, v27  }
0x27a: {  	v9 =	vimm.s32 $0x0;
	v26 =	vadd.f32 v26, v23;
	v30 =	vadd.f32 v25, v30;
	v25 =	vld [tilespmem:s25+$0xFFFFFFF0]  }
0x27b: {  	v29 =	vmul.f32 v21, v21;
	v24 =	vimm.f32 $-1.000000000e+00;
	v23 =	vimm.f32 $0.0e+00  }
0x27c: {  	v33 =	vmul.f32 v20, v20;
	v31 =	vperm.xlane v27, v3;
	v32 =	vadd.f32 v28, v26  }
0x27d: {  	s23 =	simm.s32 $0x0;
	s22 =	simm.s32 $0x1;
	s20 =	simm.s32 $0x2;
	v28 =	vimm.f32 $0.0e+00;
	v26 =	vimm.f32 $0.0e+00;
	v35 =	vmul.f32 v22, v22  }
0x27e: {  	s24 =	simm.s32 $0x4;
	s21 =	simm.s32 $0x3;
	s25 =	simm.s32 $0xFB30;
	v34 =	vperm.xlane v32, v0;
	v31 =	vadd.f32 v27, v31;
	v27 =	vimm.f32 $0.0e+00  }
.LBB2_23:
0x27f: {  	v37 =	vmul.f32 v25, v25;
	v38 =	vperm.xlane v30, v2;
	v39 =	vmovc v21;
	v40 =	vmovc v11;
	v11 =	vmov v14  }
0x280: {  	v36 =	vld [tilespmem:s25+$0xFFFFFFE0];
	p0 =	sne.s32 s24, $0x63;
	v14 =	vmovc v17;
	v17 =	vmovc v22;
	v41 =	vmov v7;
	v7 =	vmov v12;
	v12 =	vmov v19;
	s26 =	smov.u32 s24;
	s24 =	sadd.s32 $0x1, s24  }
0x281: {  	v19 =	vmovc v25;
	v21 =	vld [tilespmem:s25+$0x0];
	v33 =	vadd.f32 v33, v35;
	v34 =	vadd.f32 v32, v34;
	vm0 =	vgt.f32 v31, v24  }
0x282: {  	v22 =	vld [tilespmem:s25+$0xFFFFFFD0];
	v38 =	vadd.f32 v30, v38;
	v24 =	vsel vm0, v31, v24;
	v9 =	vsel vm0, s23, v9;
	s23 =	smov.u32 s22;
	s22 =	smov.u32 s20;
	s20 =	smov.u32 s21  }
.Ltmp10:
0x283: {  	v23 =	vsel vm0, v15, v23;
	v15 =	vmovc v18;
	s21 =	smov.u32 s26;
	v25 =	vld [tilespmem:s25+$0xFFFFFFF0];
	v30 =	vadd.f32 v37, v33;
	v31 =	vperm.xlane v34, v1;
	(pc) =	sbr.rel @p0 .LBB2_23-.Ltmp10, $4  }
0x284: {  	v28 =	vsel vm0, v40, v28;
	v27 =	vsel vm0, v10, v27;
	v10 =	vmovc v13;
	v37 =	vperm.xlane v38, v3  }
0x285: {  	v26 =	vsel vm0, v41, v26;
	v13 =	vmovc v16;
	v33 =	vmul.f32 v36, v36;
	v32 =	vadd.f32 v29, v30  }
0x286: {  	v16 =	vmovc v20;
	v18 =	vmovc v8;
	v30 =	vadd.f32 v34, v31;
	v20 =	vmov v36;
	v29 =	vmul.f32 v21, v21  }
0x287: {  	v8 =	vmovc v39;
	s25 =	sadd.s32 $0x40, s25;
	v31 =	vadd.f32 v38, v37;
	v35 =	vmul.f32 v22, v22;
	v34 =	vperm.xlane v32, v0  }
0x288: {  	_ = 	snop  }
0x289: {  	v36 =	vmul.f32 v25, v25;
	v33 =	vadd.f32 v33, v35;
	_ =	sdelay $0x1  }
0x28a: {  	v33 =	vadd.f32 v36, v33;
	_ =	sdelay $0x1  }
0x28b: {  	v29 =	vadd.f32 v29, v33;
	_ =	sdelay $0x1  }
0x28c: {  	v32 =	vadd.f32 v32, v34;
	v33 =	vperm.xlane v29, v0;
	_ =	sdelay $0x1  }
0x28d: {  	v34 =	vperm.xlane v32, v1;
	v29 =	vadd.f32 v29, v33;
	_ =	sdelay $0x1  }
0x28e: {  	v56 =	vperm.xlane v30, v2;
	v32 =	vadd.f32 v32, v34;
	v57 =	vperm.xlane v29, v1;
	_ =	sdelay $0x1  }
0x28f: {  	v30 =	vadd.f32 v30, v56;
	v58 =	vperm.xlane v32, v2;
	v29 =	vadd.f32 v29, v57;
	_ =	sdelay $0x1  }
0x290: {  	v59 =	vperm.xlane v30, v3;
	v32 =	vadd.f32 v32, v58;
	v60 =	vperm.xlane v29, v2  }
0x291: {  	vm0 =	vgt.f32 v31, v24  }
0x292: {  	v30 =	vadd.f32 v30, v59;
	v61 =	vperm.xlane v32, v3;
	v29 =	vadd.f32 v29, v60  }
0x293: {  	v24 =	vsel vm0, v31, v24  }
0x294: {  	vm3 =	vgt.f32 v30, v24;
	v31 =	vadd.f32 v32, v61;
	v62 =	vperm.xlane v29, v3  }
0x295: {  	v15 =	vsel vm0, v15, v23;
	v11 =	vsel vm0, v11, v28;
	v23 =	vsel vm3, v30, v24  }
0x296: {  	v10 =	vsel vm0, v10, v27;
	vm2 =	vgt.f32 v31, v23;
	v24 =	vadd.f32 v29, v62  }
0x297: {  	v7 =	vsel vm0, v7, v26;
	v11 =	vsel vm3, v14, v11;
	v14 =	vsel vm2, v31, v23  }
0x298: {  	v10 =	vsel vm3, v13, v10;
	v11 =	vsel vm2, v17, v11;
	vm1 =	vgt.f32 v24, v14  }
0x299: {  	v7 =	vsel vm3, v12, v7;
	v10 =	vsel vm2, v16, v10;
	v11 =	vsel vm1, v22, v11  }
0x29a: {  	v12 =	vsel vm3, v18, v15;
	v7 =	vsel vm2, v19, v7;
	v10 =	vsel vm1, v20, v10;
	[tilespmem:$0x19280] =	vst v11  }
0x29b: {  	v8 =	vsel vm2, v8, v12;
	v7 =	vsel vm1, v25, v7;
	[tilespmem:$0x19290] =	vst v10  }
0x29c: {  	v8 =	vsel vm1, v21, v8;
	[tilespmem:$0x192A0] =	vst v7  }
0x29d: {  	s24 =	simm.s32 $0x11300;
	[tilespmem:$0x192B0] =	vst v8  }
0x29e: {  	v11 =	vld [tilespmem:s24+$0x10]  }
0x29f: {  	v12 =	vld [tilespmem:s24+$0x0];
	_ =	sdelay $0x1  }
0x2a0: {  	v8 =	vld [tilespmem:s24+$0x20];
	_ =	sdelay $0x1  }
0x2a1: {  	s30 =	simm.s32 $0x11340;
	v16 =	vld [tilespmem:s24+$0x30]  }
0x2a2: {  	v14 =	vld [tilespmem:s30+$0x10];
	v7 =	vmul.f32 v11, v11;
	v10 =	vmul.f32 v12, v12  }
0x2a3: {  	v15 =	vld [tilespmem:s30+$0x0]  }
0x2a4: {  	v17 =	vmul.f32 v8, v8;
	v7 =	vadd.f32 v7, v10  }
0x2a5: {  	v13 =	vld [tilespmem:s30+$0x20]  }
0x2a6: {  	v10 =	vmul.f32 v16, v16;
	v7 =	vadd.f32 v17, v7  }
0x2a7: {  	v19 =	vld [tilespmem:s30+$0x30]  }
0x2a8: {  	v18 =	vmul.f32 v15, v15;
	v7 =	vadd.f32 v10, v7;
	v10 =	vmul.f32 v14, v14;
	_ =	sdelay $0x1  }
0x2a9: {  	v21 =	vmul.f32 v13, v13;
	v10 =	vadd.f32 v10, v18  }
0x2aa: {  	s31 =	simm.s32 $0x11380;
	v20 =	vperm.xlane v7, v0  }
0x2ab: {  	v22 =	vmul.f32 v19, v19;
	v17 =	vld [tilespmem:s31+$0x10];
	v10 =	vadd.f32 v21, v10  }
0x2ac: {  	v18 =	vld [tilespmem:s31+$0x0];
	v7 =	vadd.f32 v7, v20  }
0x2ad: {  	v20 =	vld [tilespmem:s31+$0x20];
	v10 =	vadd.f32 v22, v10  }
0x2ae: {  	v9 =	vsel vm0, s23, v9;
	v21 =	vperm.xlane v7, v1  }
0x2af: {  	v23 =	vsel vm3, s22, v9;
	v9 =	vld [tilespmem:s31+$0x30];
	v26 =	vperm.xlane v10, v0  }
0x2b0: {  	s25 =	simm.s32 $0x113C0;
	v25 =	vadd.f32 v7, v21  }
0x2b1: {  	v24 =	vmul.f32 v17, v17;
	v22 =	vld [tilespmem:s25+$0x30];
	v7 =	vmul.f32 v18, v18;
	v26 =	vadd.f32 v10, v26  }
0x2b2: {  	v23 =	vsel vm2, s20, v23;
	v21 =	vld [tilespmem:s25+$0x10];
	v27 =	vmul.f32 v20, v20;
	v28 =	vperm.xlane v25, v2  }
0x2b3: {  	v24 =	vadd.f32 v24, v7;
	v7 =	vsel vm1, s21, v23;
	v23 =	vld [tilespmem:s25+$0x0];
	v31 =	vperm.xlane v26, v1  }
0x2b4: {  	v29 =	vmul.f32 v9, v9;
	v28 =	vadd.f32 v25, v28  }
0x2b5: {  	v10 =	vimm.s32 $0x0;
	v27 =	vadd.f32 v27, v24;
	v31 =	vadd.f32 v26, v31;
	v26 =	vld [tilespmem:s25+$0x20]  }
0x2b6: {  	v30 =	vmul.f32 v22, v22;
	v25 =	vimm.f32 $-1.000000000e+00;
	v24 =	vimm.f32 $0.0e+00  }
0x2b7: {  	v34 =	vmul.f32 v21, v21;
	v63 =	vperm.xlane v28, v3;
	v33 =	vadd.f32 v29, v27  }
0x2b8: {  	s23 =	simm.s32 $0x0;
	s22 =	simm.s32 $0x1;
	s20 =	simm.s32 $0x2;
	v29 =	vimm.f32 $0.0e+00;
	v27 =	vimm.f32 $0.0e+00;
	v36 =	vmul.f32 v23, v23  }
0x2b9: {  	s24 =	simm.s32 $0x4;
	s21 =	simm.s32 $0x3;
	s25 =	simm.s32 $0x11400;
	v35 =	vperm.xlane v33, v0;
	v32 =	vadd.f32 v28, v63;
	v28 =	vimm.f32 $0.0e+00  }
.LBB2_25:
0x2ba: {  	v38 =	vmul.f32 v26, v26;
	v39 =	vperm.xlane v31, v2;
	v40 =	vmovc v22;
	v41 =	vmovc v12;
	v12 =	vmov v15  }
0x2bb: {  	v37 =	vld [tilespmem:s25+$0x10];
	p0 =	sne.s32 s24, $0x63;
	v15 =	vmovc v18;
	v18 =	vmovc v23;
	v42 =	vmov v8;
	v8 =	vmov v13;
	v13 =	vmov v20;
	s26 =	smov.u32 s24;
	s24 =	sadd.s32 $0x1, s24  }
0x2bc: {  	v20 =	vmovc v26;
	v22 =	vld [tilespmem:s25+$0x30];
	v34 =	vadd.f32 v34, v36;
	v35 =	vadd.f32 v33, v35;
	vm0 =	vgt.f32 v32, v25  }
0x2bd: {  	v23 =	vld [tilespmem:s25+$0x0];
	v39 =	vadd.f32 v31, v39;
	v25 =	vsel vm0, v32, v25;
	v10 =	vsel vm0, s23, v10;
	s23 =	smov.u32 s22;
	s22 =	smov.u32 s20;
	s20 =	smov.u32 s21  }
.Ltmp11:
0x2be: {  	v24 =	vsel vm0, v16, v24;
	v16 =	vmovc v19;
	s21 =	smov.u32 s26;
	v26 =	vld [tilespmem:s25+$0x20];
	v31 =	vadd.f32 v38, v34;
	v32 =	vperm.xlane v35, v1;
	(pc) =	sbr.rel @p0 .LBB2_25-.Ltmp11, $4  }
0x2bf: {  	v29 =	vsel vm0, v41, v29;
	v28 =	vsel vm0, v11, v28;
	v11 =	vmovc v14;
	v38 =	vperm.xlane v39, v3  }
0x2c0: {  	v27 =	vsel vm0, v42, v27;
	v14 =	vmovc v17;
	v34 =	vmul.f32 v37, v37;
	v33 =	vadd.f32 v30, v31  }
0x2c1: {  	v17 =	vmovc v21;
	v19 =	vmovc v9;
	v31 =	vadd.f32 v35, v32;
	v21 =	vmov v37;
	v30 =	vmul.f32 v22, v22  }
0x2c2: {  	v9 =	vmovc v40;
	s25 =	sadd.s32 $0x40, s25;
	v32 =	vadd.f32 v39, v38;
	v36 =	vmul.f32 v23, v23;
	v35 =	vperm.xlane v33, v0  }
0x2c3: {  	_ = 	snop  }
0x2c4: {  	v37 =	vmul.f32 v26, v26;
	v34 =	vadd.f32 v34, v36;
	_ =	sdelay $0x1  }
0x2c5: {  	v34 =	vadd.f32 v37, v34;
	_ =	sdelay $0x1  }
0x2c6: {  	v30 =	vadd.f32 v30, v34;
	_ =	sdelay $0x1  }
0x2c7: {  	v33 =	vadd.f32 v33, v35;
	v34 =	vperm.xlane v30, v0;
	_ =	sdelay $0x1  }
0x2c8: {  	v35 =	vperm.xlane v33, v1;
	v30 =	vadd.f32 v30, v34;
	_ =	sdelay $0x1  }
0x2c9: {  	v54 =	vperm.xlane v31, v2;
	v33 =	vadd.f32 v33, v35;
	v55 =	vperm.xlane v30, v1;
	_ =	sdelay $0x1  }
0x2ca: {  	v31 =	vadd.f32 v31, v54;
	v56 =	vperm.xlane v33, v2;
	v30 =	vadd.f32 v30, v55;
	_ =	sdelay $0x1  }
0x2cb: {  	v57 =	vperm.xlane v31, v3;
	v33 =	vadd.f32 v33, v56;
	v58 =	vperm.xlane v30, v2  }
0x2cc: {  	vm0 =	vgt.f32 v32, v25  }
0x2cd: {  	v31 =	vadd.f32 v31, v57;
	v59 =	vperm.xlane v33, v3;
	v30 =	vadd.f32 v30, v58  }
0x2ce: {  	v25 =	vsel vm0, v32, v25  }
0x2cf: {  	vm3 =	vgt.f32 v31, v25;
	v60 =	vadd.f32 v33, v59;
	v61 =	vperm.xlane v30, v3  }
0x2d0: {  	v16 =	vsel vm0, v16, v24;
	v12 =	vsel vm0, v12, v29;
	v24 =	vsel vm3, v31, v25  }
0x2d1: {  	v11 =	vsel vm0, v11, v28;
	vm2 =	vgt.f32 v60, v24;
	v25 =	vadd.f32 v30, v61  }
0x2d2: {  	v8 =	vsel vm0, v8, v27;
	v12 =	vsel vm3, v15, v12;
	v15 =	vsel vm2, v60, v24  }
0x2d3: {  	v11 =	vsel vm3, v14, v11;
	v12 =	vsel vm2, v18, v12;
	vm1 =	vgt.f32 v25, v15  }
0x2d4: {  	v8 =	vsel vm3, v13, v8;
	v11 =	vsel vm2, v17, v11;
	v12 =	vsel vm1, v23, v12  }
0x2d5: {  	v13 =	vsel vm3, v19, v16;
	v8 =	vsel vm2, v20, v8;
	v11 =	vsel vm1, v21, v11;
	[tilespmem:$0x192C0] =	vst v12  }
0x2d6: {  	v9 =	vsel vm2, v9, v13;
	v8 =	vsel vm1, v26, v8;
	[tilespmem:$0x192D0] =	vst v11  }
0x2d7: {  	v9 =	vsel vm1, v22, v9;
	[tilespmem:$0x192E0] =	vst v8  }
0x2d8: {  	s24 =	simm.s32 $0x12C00;
	[tilespmem:$0x192F0] =	vst v9  }
0x2d9: {  	v12 =	vld [tilespmem:s24+$0x10]  }
0x2da: {  	v13 =	vld [tilespmem:s24+$0x0];
	_ =	sdelay $0x1  }
0x2db: {  	v9 =	vld [tilespmem:s24+$0x20];
	_ =	sdelay $0x1  }
0x2dc: {  	s30 =	simm.s32 $0x12C40;
	v17 =	vld [tilespmem:s24+$0x30]  }
0x2dd: {  	v15 =	vld [tilespmem:s30+$0x10];
	v8 =	vmul.f32 v12, v12;
	v11 =	vmul.f32 v13, v13  }
0x2de: {  	v16 =	vld [tilespmem:s30+$0x0]  }
0x2df: {  	v18 =	vmul.f32 v9, v9;
	v8 =	vadd.f32 v8, v11  }
0x2e0: {  	v14 =	vld [tilespmem:s30+$0x20]  }
0x2e1: {  	v11 =	vmul.f32 v17, v17;
	v8 =	vadd.f32 v18, v8  }
0x2e2: {  	v20 =	vld [tilespmem:s30+$0x30]  }
0x2e3: {  	v19 =	vmul.f32 v16, v16;
	v8 =	vadd.f32 v11, v8;
	v11 =	vmul.f32 v15, v15;
	_ =	sdelay $0x1  }
0x2e4: {  	v22 =	vmul.f32 v14, v14;
	v11 =	vadd.f32 v11, v19  }
0x2e5: {  	s31 =	simm.s32 $0x12C80;
	v21 =	vperm.xlane v8, v0  }
0x2e6: {  	v23 =	vmul.f32 v20, v20;
	v18 =	vld [tilespmem:s31+$0x10];
	v11 =	vadd.f32 v22, v11  }
0x2e7: {  	v19 =	vld [tilespmem:s31+$0x0];
	v8 =	vadd.f32 v8, v21  }
0x2e8: {  	v21 =	vld [tilespmem:s31+$0x20];
	v11 =	vadd.f32 v23, v11  }
0x2e9: {  	v10 =	vsel vm0, s23, v10;
	v22 =	vperm.xlane v8, v1  }
0x2ea: {  	v24 =	vsel vm3, s22, v10;
	v10 =	vld [tilespmem:s31+$0x30];
	v27 =	vperm.xlane v11, v0  }
0x2eb: {  	s25 =	simm.s32 $0x12CC0;
	v26 =	vadd.f32 v8, v22  }
0x2ec: {  	v25 =	vmul.f32 v18, v18;
	v23 =	vld [tilespmem:s25+$0x30];
	v8 =	vmul.f32 v19, v19;
	v27 =	vadd.f32 v11, v27  }
0x2ed: {  	v24 =	vsel vm2, s20, v24;
	v22 =	vld [tilespmem:s25+$0x10];
	v28 =	vmul.f32 v21, v21;
	v29 =	vperm.xlane v26, v2  }
0x2ee: {  	v25 =	vadd.f32 v25, v8;
	v8 =	vsel vm1, s21, v24;
	v24 =	vld [tilespmem:s25+$0x0];
	v62 =	vperm.xlane v27, v1  }
0x2ef: {  	v30 =	vmul.f32 v10, v10;
	v29 =	vadd.f32 v26, v29  }
0x2f0: {  	v11 =	vimm.s32 $0x0;
	v28 =	vadd.f32 v28, v25;
	v32 =	vadd.f32 v27, v62;
	v27 =	vld [tilespmem:s25+$0x20]  }
0x2f1: {  	v31 =	vmul.f32 v23, v23;
	v26 =	vimm.f32 $-1.000000000e+00;
	v25 =	vimm.f32 $0.0e+00  }
0x2f2: {  	v35 =	vmul.f32 v22, v22;
	v63 =	vperm.xlane v29, v3;
	v34 =	vadd.f32 v30, v28  }
0x2f3: {  	s23 =	simm.s32 $0x0;
	s22 =	simm.s32 $0x1;
	s20 =	simm.s32 $0x2;
	v30 =	vimm.f32 $0.0e+00;
	v28 =	vimm.f32 $0.0e+00;
	v37 =	vmul.f32 v24, v24  }
0x2f4: {  	s24 =	simm.s32 $0x4;
	s21 =	simm.s32 $0x3;
	s25 =	simm.s32 $0x12D00;
	v36 =	vperm.xlane v34, v0;
	v33 =	vadd.f32 v29, v63;
	v29 =	vimm.f32 $0.0e+00  }
.LBB2_27:
0x2f5: {  	v39 =	vmul.f32 v27, v27;
	v40 =	vperm.xlane v32, v2;
	v41 =	vmovc v23;
	v42 =	vmovc v13;
	v13 =	vmov v16  }
0x2f6: {  	v38 =	vld [tilespmem:s25+$0x10];
	p0 =	sne.s32 s24, $0x63;
	v16 =	vmovc v19;
	v19 =	vmovc v24;
	v43 =	vmov v9;
	v9 =	vmov v14;
	v14 =	vmov v21;
	s26 =	smov.u32 s24;
	s24 =	sadd.s32 $0x1, s24  }
0x2f7: {  	v21 =	vmovc v27;
	v23 =	vld [tilespmem:s25+$0x30];
	v35 =	vadd.f32 v35, v37;
	v36 =	vadd.f32 v34, v36;
	vm0 =	vgt.f32 v33, v26  }
0x2f8: {  	v24 =	vld [tilespmem:s25+$0x0];
	v40 =	vadd.f32 v32, v40;
	v26 =	vsel vm0, v33, v26;
	v11 =	vsel vm0, s23, v11;
	s23 =	smov.u32 s22;
	s22 =	smov.u32 s20;
	s20 =	smov.u32 s21  }
.Ltmp12:
0x2f9: {  	v25 =	vsel vm0, v17, v25;
	v17 =	vmovc v20;
	s21 =	smov.u32 s26;
	v27 =	vld [tilespmem:s25+$0x20];
	v32 =	vadd.f32 v39, v35;
	v33 =	vperm.xlane v36, v1;
	(pc) =	sbr.rel @p0 .LBB2_27-.Ltmp12, $4  }
0x2fa: {  	v30 =	vsel vm0, v42, v30;
	v29 =	vsel vm0, v12, v29;
	v12 =	vmovc v15;
	v39 =	vperm.xlane v40, v3  }
0x2fb: {  	v28 =	vsel vm0, v43, v28;
	v15 =	vmovc v18;
	v35 =	vmul.f32 v38, v38;
	v34 =	vadd.f32 v31, v32  }
0x2fc: {  	v18 =	vmovc v22;
	v20 =	vmovc v10;
	v32 =	vadd.f32 v36, v33;
	v22 =	vmov v38;
	v31 =	vmul.f32 v23, v23  }
0x2fd: {  	v10 =	vmovc v41;
	s25 =	sadd.s32 $0x40, s25;
	v33 =	vadd.f32 v40, v39;
	v37 =	vmul.f32 v24, v24;
	v36 =	vperm.xlane v34, v0  }
0x2fe: {  	_ = 	snop  }
0x2ff: {  	v38 =	vmul.f32 v27, v27;
	v35 =	vadd.f32 v35, v37;
	_ =	sdelay $0x1  }
0x300: {  	v35 =	vadd.f32 v38, v35;
	_ =	sdelay $0x1  }
0x301: {  	v31 =	vadd.f32 v31, v35;
	_ =	sdelay $0x1  }
0x302: {  	v34 =	vadd.f32 v34, v36;
	v35 =	vperm.xlane v31, v0;
	_ =	sdelay $0x1  }
0x303: {  	v36 =	vperm.xlane v34, v1;
	v31 =	vadd.f32 v31, v35;
	_ =	sdelay $0x1  }
0x304: {  	v54 =	vperm.xlane v32, v2;
	v34 =	vadd.f32 v34, v36;
	v55 =	vperm.xlane v31, v1;
	_ =	sdelay $0x1  }
0x305: {  	v32 =	vadd.f32 v32, v54;
	v56 =	vperm.xlane v34, v2;
	v31 =	vadd.f32 v31, v55;
	_ =	sdelay $0x1  }
0x306: {  	v57 =	vperm.xlane v32, v3;
	v34 =	vadd.f32 v34, v56;
	v58 =	vperm.xlane v31, v2  }
0x307: {  	vm0 =	vgt.f32 v33, v26  }
0x308: {  	v32 =	vadd.f32 v32, v57;
	v59 =	vperm.xlane v34, v3;
	v31 =	vadd.f32 v31, v58  }
0x309: {  	v26 =	vsel vm0, v33, v26  }
0x30a: {  	vm3 =	vgt.f32 v32, v26;
	v60 =	vadd.f32 v34, v59;
	v61 =	vperm.xlane v31, v3  }
0x30b: {  	v17 =	vsel vm0, v17, v25;
	v13 =	vsel vm0, v13, v30;
	v25 =	vsel vm3, v32, v26  }
0x30c: {  	v12 =	vsel vm0, v12, v29;
	vm2 =	vgt.f32 v60, v25;
	v26 =	vadd.f32 v31, v61  }
0x30d: {  	v9 =	vsel vm0, v9, v28;
	v13 =	vsel vm3, v16, v13;
	v16 =	vsel vm2, v60, v25  }
0x30e: {  	v12 =	vsel vm3, v15, v12;
	v13 =	vsel vm2, v19, v13;
	vm1 =	vgt.f32 v26, v16  }
0x30f: {  	v9 =	vsel vm3, v14, v9;
	v12 =	vsel vm2, v18, v12;
	v13 =	vsel vm1, v24, v13  }
0x310: {  	v14 =	vsel vm3, v20, v17;
	v9 =	vsel vm2, v21, v9;
	v12 =	vsel vm1, v22, v12;
	[tilespmem:$0x19300] =	vst v13  }
0x311: {  	v10 =	vsel vm2, v10, v14;
	v9 =	vsel vm1, v27, v9;
	[tilespmem:$0x19310] =	vst v12  }
0x312: {  	v10 =	vsel vm1, v23, v10;
	[tilespmem:$0x19320] =	vst v9  }
0x313: {  	s24 =	simm.s32 $0x14500;
	[tilespmem:$0x19330] =	vst v10  }
0x314: {  	v13 =	vld [tilespmem:s24+$0x10]  }
0x315: {  	v14 =	vld [tilespmem:s24+$0x0];
	_ =	sdelay $0x1  }
0x316: {  	v10 =	vld [tilespmem:s24+$0x20];
	_ =	sdelay $0x1  }
0x317: {  	s30 =	simm.s32 $0x14540;
	v18 =	vld [tilespmem:s24+$0x30]  }
0x318: {  	v16 =	vld [tilespmem:s30+$0x10];
	v9 =	vmul.f32 v13, v13;
	v12 =	vmul.f32 v14, v14  }
0x319: {  	v17 =	vld [tilespmem:s30+$0x0]  }
0x31a: {  	v19 =	vmul.f32 v10, v10;
	v9 =	vadd.f32 v9, v12  }
0x31b: {  	v15 =	vld [tilespmem:s30+$0x20]  }
0x31c: {  	v12 =	vmul.f32 v18, v18;
	v9 =	vadd.f32 v19, v9  }
0x31d: {  	v21 =	vld [tilespmem:s30+$0x30]  }
0x31e: {  	v20 =	vmul.f32 v17, v17;
	v9 =	vadd.f32 v12, v9;
	v12 =	vmul.f32 v16, v16;
	_ =	sdelay $0x1  }
0x31f: {  	v23 =	vmul.f32 v15, v15;
	v12 =	vadd.f32 v12, v20  }
0x320: {  	s31 =	simm.s32 $0x14580;
	v22 =	vperm.xlane v9, v0  }
0x321: {  	v24 =	vmul.f32 v21, v21;
	v19 =	vld [tilespmem:s31+$0x10];
	v12 =	vadd.f32 v23, v12  }
0x322: {  	v20 =	vld [tilespmem:s31+$0x0];
	v9 =	vadd.f32 v9, v22  }
0x323: {  	v22 =	vld [tilespmem:s31+$0x20];
	v12 =	vadd.f32 v24, v12  }
0x324: {  	v11 =	vsel vm0, s23, v11;
	v23 =	vperm.xlane v9, v1  }
0x325: {  	v25 =	vsel vm3, s22, v11;
	v11 =	vld [tilespmem:s31+$0x30];
	v28 =	vperm.xlane v12, v0  }
0x326: {  	s25 =	simm.s32 $0x145C0;
	v27 =	vadd.f32 v9, v23  }
0x327: {  	v26 =	vmul.f32 v19, v19;
	v24 =	vld [tilespmem:s25+$0x30];
	v9 =	vmul.f32 v20, v20;
	v28 =	vadd.f32 v12, v28  }
0x328: {  	v25 =	vsel vm2, s20, v25;
	v23 =	vld [tilespmem:s25+$0x10];
	v29 =	vmul.f32 v22, v22;
	v30 =	vperm.xlane v27, v2  }
0x329: {  	v26 =	vadd.f32 v26, v9;
	v9 =	vsel vm1, s21, v25;
	v25 =	vld [tilespmem:s25+$0x0];
	v62 =	vperm.xlane v28, v1  }
0x32a: {  	v31 =	vmul.f32 v11, v11;
	v30 =	vadd.f32 v27, v30  }
0x32b: {  	v12 =	vimm.s32 $0x0;
	v29 =	vadd.f32 v29, v26;
	v33 =	vadd.f32 v28, v62;
	v28 =	vld [tilespmem:s25+$0x20]  }
0x32c: {  	v32 =	vmul.f32 v24, v24;
	v27 =	vimm.f32 $-1.000000000e+00;
	v26 =	vimm.f32 $0.0e+00  }
0x32d: {  	v36 =	vmul.f32 v23, v23;
	v63 =	vperm.xlane v30, v3;
	v35 =	vadd.f32 v31, v29  }
0x32e: {  	s23 =	simm.s32 $0x0;
	s22 =	simm.s32 $0x1;
	s20 =	simm.s32 $0x2;
	v31 =	vimm.f32 $0.0e+00;
	v29 =	vimm.f32 $0.0e+00;
	v38 =	vmul.f32 v25, v25  }
0x32f: {  	s24 =	simm.s32 $0x4;
	s21 =	simm.s32 $0x3;
	s25 =	simm.s32 $0x14600;
	v37 =	vperm.xlane v35, v0;
	v34 =	vadd.f32 v30, v63;
	v30 =	vimm.f32 $0.0e+00  }
.LBB2_29:
0x330: {  	v40 =	vmul.f32 v28, v28;
	v41 =	vperm.xlane v33, v2;
	v42 =	vmovc v24;
	v43 =	vmovc v14;
	v14 =	vmov v17  }
0x331: {  	v39 =	vld [tilespmem:s25+$0x10];
	p0 =	sne.s32 s24, $0x63;
	v17 =	vmovc v20;
	v20 =	vmovc v25;
	v44 =	vmov v10;
	v10 =	vmov v15;
	v15 =	vmov v22;
	s26 =	smov.u32 s24;
	s24 =	sadd.s32 $0x1, s24  }
0x332: {  	v22 =	vmovc v28;
	v24 =	vld [tilespmem:s25+$0x30];
	v36 =	vadd.f32 v36, v38;
	v37 =	vadd.f32 v35, v37;
	vm0 =	vgt.f32 v34, v27  }
0x333: {  	v25 =	vld [tilespmem:s25+$0x0];
	v41 =	vadd.f32 v33, v41;
	v27 =	vsel vm0, v34, v27;
	v12 =	vsel vm0, s23, v12;
	s23 =	smov.u32 s22;
	s22 =	smov.u32 s20;
	s20 =	smov.u32 s21  }
.Ltmp13:
0x334: {  	v26 =	vsel vm0, v18, v26;
	v18 =	vmovc v21;
	s21 =	smov.u32 s26;
	v28 =	vld [tilespmem:s25+$0x20];
	v33 =	vadd.f32 v40, v36;
	v34 =	vperm.xlane v37, v1;
	(pc) =	sbr.rel @p0 .LBB2_29-.Ltmp13, $4  }
0x335: {  	v31 =	vsel vm0, v43, v31;
	v30 =	vsel vm0, v13, v30;
	v13 =	vmovc v16;
	v40 =	vperm.xlane v41, v3  }
0x336: {  	v29 =	vsel vm0, v44, v29;
	v16 =	vmovc v19;
	v36 =	vmul.f32 v39, v39;
	v35 =	vadd.f32 v32, v33  }
0x337: {  	v19 =	vmovc v23;
	v21 =	vmovc v11;
	v33 =	vadd.f32 v37, v34;
	v23 =	vmov v39;
	v32 =	vmul.f32 v24, v24  }
0x338: {  	v11 =	vmovc v42;
	s25 =	sadd.s32 $0x40, s25;
	v34 =	vadd.f32 v41, v40;
	v38 =	vmul.f32 v25, v25;
	v37 =	vperm.xlane v35, v0  }
0x339: {  	_ = 	snop  }
0x33a: {  	v39 =	vmul.f32 v28, v28;
	v36 =	vadd.f32 v36, v38;
	_ =	sdelay $0x1  }
0x33b: {  	v36 =	vadd.f32 v39, v36;
	_ =	sdelay $0x1  }
0x33c: {  	v32 =	vadd.f32 v32, v36;
	_ =	sdelay $0x1  }
0x33d: {  	v35 =	vadd.f32 v35, v37;
	v36 =	vperm.xlane v32, v0;
	_ =	sdelay $0x1  }
0x33e: {  	v37 =	vperm.xlane v35, v1;
	v32 =	vadd.f32 v32, v36;
	_ =	sdelay $0x1  }
0x33f: {  	v53 =	vperm.xlane v33, v2;
	v35 =	vadd.f32 v35, v37;
	v54 =	vperm.xlane v32, v1;
	_ =	sdelay $0x1  }
0x340: {  	v33 =	vadd.f32 v33, v53;
	v55 =	vperm.xlane v35, v2;
	v32 =	vadd.f32 v32, v54;
	_ =	sdelay $0x1  }
0x341: {  	v56 =	vperm.xlane v33, v3;
	v35 =	vadd.f32 v35, v55;
	v57 =	vperm.xlane v32, v2  }
0x342: {  	vm0 =	vgt.f32 v34, v27  }
0x343: {  	v33 =	vadd.f32 v33, v56;
	v58 =	vperm.xlane v35, v3;
	v32 =	vadd.f32 v32, v57  }
0x344: {  	v27 =	vsel vm0, v34, v27  }
0x345: {  	vm3 =	vgt.f32 v33, v27;
	v59 =	vadd.f32 v35, v58;
	v60 =	vperm.xlane v32, v3  }
0x346: {  	v18 =	vsel vm0, v18, v26;
	v14 =	vsel vm0, v14, v31;
	v26 =	vsel vm3, v33, v27  }
0x347: {  	v13 =	vsel vm0, v13, v30;
	vm2 =	vgt.f32 v59, v26;
	v27 =	vadd.f32 v32, v60  }
0x348: {  	v10 =	vsel vm0, v10, v29;
	v14 =	vsel vm3, v17, v14;
	v17 =	vsel vm2, v59, v26  }
0x349: {  	v13 =	vsel vm3, v16, v13;
	v14 =	vsel vm2, v20, v14;
	vm1 =	vgt.f32 v27, v17  }
0x34a: {  	v10 =	vsel vm3, v15, v10;
	v13 =	vsel vm2, v19, v13;
	v14 =	vsel vm1, v25, v14  }
0x34b: {  	v15 =	vsel vm3, v21, v18;
	v10 =	vsel vm2, v22, v10;
	v13 =	vsel vm1, v23, v13;
	[tilespmem:$0x19340] =	vst v14  }
0x34c: {  	v11 =	vsel vm2, v11, v15;
	v10 =	vsel vm1, v28, v10;
	[tilespmem:$0x19350] =	vst v13  }
0x34d: {  	v11 =	vsel vm1, v24, v11;
	[tilespmem:$0x19360] =	vst v10  }
0x34e: {  	s24 =	simm.s32 $0x15E00;
	[tilespmem:$0x19370] =	vst v11  }
0x34f: {  	v13 =	vld [tilespmem:s24+$0x10]  }
0x350: {  	v14 =	vld [tilespmem:s24+$0x0];
	_ =	sdelay $0x1  }
0x351: {  	v11 =	vld [tilespmem:s24+$0x20];
	_ =	sdelay $0x1  }
0x352: {  	s30 =	simm.s32 $0x15E40;
	v18 =	vld [tilespmem:s24+$0x30]  }
0x353: {  	v16 =	vld [tilespmem:s30+$0x10];
	v10 =	vmul.f32 v13, v13;
	v15 =	vmul.f32 v14, v14  }
0x354: {  	v17 =	vld [tilespmem:s30+$0x0]  }
0x355: {  	v19 =	vmul.f32 v11, v11;
	v10 =	vadd.f32 v10, v15  }
0x356: {  	v15 =	vld [tilespmem:s30+$0x20]  }
0x357: {  	v20 =	vmul.f32 v18, v18;
	v10 =	vadd.f32 v19, v10  }
0x358: {  	v21 =	vld [tilespmem:s30+$0x30]  }
0x359: {  	v22 =	vmul.f32 v17, v17;
	v10 =	vadd.f32 v20, v10;
	v20 =	vmul.f32 v16, v16;
	_ =	sdelay $0x1  }
0x35a: {  	v24 =	vmul.f32 v15, v15;
	v25 =	vadd.f32 v20, v22  }
0x35b: {  	s31 =	simm.s32 $0x15E80;
	v23 =	vperm.xlane v10, v0  }
0x35c: {  	v26 =	vmul.f32 v21, v21;
	v19 =	vld [tilespmem:s31+$0x10];
	v24 =	vadd.f32 v24, v25  }
0x35d: {  	v20 =	vld [tilespmem:s31+$0x0];
	v10 =	vadd.f32 v10, v23  }
0x35e: {  	v26 =	vadd.f32 v26, v24  }
0x35f: {  	v22 =	vld [tilespmem:s31+$0x20];
	v25 =	vperm.xlane v10, v1  }
0x360: {  	v12 =	vsel vm0, s23, v12;
	v23 =	vld [tilespmem:s31+$0x30];
	v29 =	vperm.xlane v26, v0  }
0x361: {  	s25 =	simm.s32 $0x15EC0;
	v12 =	vsel vm3, s22, v12;
	v28 =	vadd.f32 v10, v25  }
0x362: {  	v27 =	vmul.f32 v19, v19;
	v24 =	vld [tilespmem:s25+$0x10];
	v10 =	vmul.f32 v20, v20;
	v29 =	vadd.f32 v26, v29  }
0x363: {  	v12 =	vsel vm2, s20, v12;
	v25 =	vld [tilespmem:s25+$0x30];
	v31 =	vperm.xlane v28, v2  }
0x364: {  	v30 =	vmul.f32 v22, v22;
	v27 =	vadd.f32 v27, v10;
	v26 =	vld [tilespmem:s25+$0x0];
	v62 =	vperm.xlane v29, v1  }
0x365: {  	v32 =	vimm.f32 $0.0e+00;
	v61 =	vmul.f32 v23, v23;
	v31 =	vadd.f32 v28, v31  }
0x366: {  	v10 =	vsel vm1, s21, v12;
	v30 =	vadd.f32 v30, v27;
	v34 =	vadd.f32 v29, v62;
	v29 =	vld [tilespmem:s25+$0x20]  }
0x367: {  	v12 =	vimm.s32 $0x0;
	v37 =	vmul.f32 v24, v24;
	v28 =	vimm.f32 $-1.000000000e+00  }
0x368: {  	v27 =	vimm.f32 $0.0e+00;
	v63 =	vperm.xlane v31, v3;
	v36 =	vadd.f32 v61, v30  }
0x369: {  	s23 =	simm.s32 $0x0;
	s22 =	simm.s32 $0x1;
	s20 =	simm.s32 $0x2;
	v33 =	vmul.f32 v25, v25;
	v30 =	vimm.f32 $0.0e+00;
	v39 =	vmul.f32 v26, v26  }
0x36a: {  	s24 =	simm.s32 $0x4;
	s21 =	simm.s32 $0x3;
	s25 =	simm.s32 $0x15F00;
	v38 =	vperm.xlane v36, v0;
	v35 =	vadd.f32 v31, v63;
	v31 =	vimm.f32 $0.0e+00  }
.LBB2_31:
0x36b: {  	v41 =	vmul.f32 v29, v29;
	v42 =	vperm.xlane v34, v2;
	v43 =	vmovc v25;
	v44 =	vmovc v14;
	v14 =	vmov v17  }
0x36c: {  	v40 =	vld [tilespmem:s25+$0x10];
	p0 =	sne.s32 s24, $0x63;
	v17 =	vmovc v20;
	v20 =	vmovc v26;
	v45 =	vmov v11;
	v11 =	vmov v15;
	v15 =	vmov v22;
	s26 =	smov.u32 s24;
	s24 =	sadd.s32 $0x1, s24  }
0x36d: {  	v22 =	vmovc v29;
	v25 =	vld [tilespmem:s25+$0x30];
	v37 =	vadd.f32 v37, v39;
	v38 =	vadd.f32 v36, v38;
	vm0 =	vgt.f32 v35, v28  }
0x36e: {  	v26 =	vld [tilespmem:s25+$0x0];
	v42 =	vadd.f32 v34, v42;
	v28 =	vsel vm0, v35, v28;
	v12 =	vsel vm0, s23, v12;
	s23 =	smov.u32 s22;
	s22 =	smov.u32 s20;
	s20 =	smov.u32 s21  }
.Ltmp14:
0x36f: {  	v27 =	vsel vm0, v18, v27;
	v18 =	vmovc v21;
	s21 =	smov.u32 s26;
	v29 =	vld [tilespmem:s25+$0x20];
	v34 =	vadd.f32 v41, v37;
	v35 =	vperm.xlane v38, v1;
	(pc) =	sbr.rel @p0 .LBB2_31-.Ltmp14, $4  }
0x370: {  	v32 =	vsel vm0, v44, v32;
	v31 =	vsel vm0, v13, v31;
	v13 =	vmovc v16;
	v41 =	vperm.xlane v42, v3  }
0x371: {  	v30 =	vsel vm0, v45, v30;
	v16 =	vmovc v19;
	v37 =	vmul.f32 v40, v40;
	v36 =	vadd.f32 v33, v34  }
0x372: {  	v19 =	vmovc v24;
	v21 =	vmovc v23;
	v34 =	vadd.f32 v38, v35;
	v24 =	vmov v40;
	v33 =	vmul.f32 v25, v25  }
0x373: {  	v23 =	vmovc v43;
	s25 =	sadd.s32 $0x40, s25;
	v35 =	vadd.f32 v42, v41;
	v39 =	vmul.f32 v26, v26;
	v38 =	vperm.xlane v36, v0  }
0x374: {  	_ = 	snop  }
0x375: {  	v40 =	vmul.f32 v29, v29;
	v37 =	vadd.f32 v37, v39;
	_ =	sdelay $0x1  }
0x376: {  	v37 =	vadd.f32 v40, v37;
	_ =	sdelay $0x1  }
0x377: {  	v33 =	vadd.f32 v33, v37;
	_ =	sdelay $0x1  }
0x378: {  	v36 =	vadd.f32 v36, v38;
	v37 =	vperm.xlane v33, v0;
	_ =	sdelay $0x1  }
0x379: {  	v38 =	vperm.xlane v36, v1;
	v33 =	vadd.f32 v33, v37;
	_ =	sdelay $0x1  }
0x37a: {  	v51 =	vperm.xlane v34, v2;
	v36 =	vadd.f32 v36, v38;
	v52 =	vperm.xlane v33, v1;
	_ =	sdelay $0x1  }
0x37b: {  	v34 =	vadd.f32 v34, v51;
	v53 =	vperm.xlane v36, v2;
	v33 =	vadd.f32 v33, v52;
	_ =	sdelay $0x1  }
0x37c: {  	v54 =	vperm.xlane v34, v3;
	v36 =	vadd.f32 v36, v53;
	v55 =	vperm.xlane v33, v2  }
0x37d: {  	vm0 =	vgt.f32 v35, v28  }
0x37e: {  	v34 =	vadd.f32 v34, v54;
	v56 =	vperm.xlane v36, v3;
	v33 =	vadd.f32 v33, v55  }
0x37f: {  	v28 =	vsel vm0, v35, v28  }
0x380: {  	vm3 =	vgt.f32 v34, v28;
	v57 =	vadd.f32 v36, v56;
	v58 =	vperm.xlane v33, v3  }
0x381: {  	v18 =	vsel vm0, v18, v27;
	v14 =	vsel vm0, v14, v32;
	v27 =	vsel vm3, v34, v28  }
0x382: {  	v13 =	vsel vm0, v13, v31;
	vm2 =	vgt.f32 v57, v27;
	v28 =	vadd.f32 v33, v58  }
0x383: {  	v11 =	vsel vm0, v11, v30;
	v14 =	vsel vm3, v17, v14;
	v17 =	vsel vm2, v57, v27  }
0x384: {  	v13 =	vsel vm3, v16, v13;
	v14 =	vsel vm2, v20, v14;
	vm1 =	vgt.f32 v28, v17  }
0x385: {  	v11 =	vsel vm3, v15, v11;
	v13 =	vsel vm2, v19, v13;
	v14 =	vsel vm1, v26, v14  }
0x386: {  	v15 =	vsel vm3, v21, v18;
	v11 =	vsel vm2, v22, v11;
	v13 =	vsel vm1, v24, v13;
	[tilespmem:$0x19380] =	vst v14  }
0x387: {  	v11 =	vsel vm1, v29, v11;
	v14 =	vsel vm2, v23, v15;
	[tilespmem:$0x19390] =	vst v13  }
0x388: {  	[tilespmem:$0x193A0] =	vst v11;
	v13 =	vsel vm1, v25, v14  }
0x389: {  	s24 =	simm.s32 $0x17700;
	[tilespmem:$0x193B0] =	vst v13  }
0x38a: {  	v14 =	vld [tilespmem:s24+$0x10]  }
0x38b: {  	v17 =	vld [tilespmem:s24+$0x0];
	_ =	sdelay $0x1  }
0x38c: {  	v11 =	vld [tilespmem:s24+$0x20];
	_ =	sdelay $0x1  }
0x38d: {  	v20 =	vld [tilespmem:s24+$0x30]  }
0x38e: {  	v13 =	vmul.f32 v14, v14;
	v15 =	vmul.f32 v17, v17;
	_ =	sdelay $0x1  }
0x38f: {  	v18 =	vmul.f32 v11, v11;
	v19 =	vadd.f32 v13, v15;
	_ =	sdelay $0x1  }
0x390: {  	s30 =	simm.s32 $0x17740;
	v21 =	vmul.f32 v20, v20;
	v18 =	vadd.f32 v18, v19  }
0x391: {  	v16 =	vld [tilespmem:s30+$0x10]  }
0x392: {  	v15 =	vld [tilespmem:s30+$0x0];
	v21 =	vadd.f32 v21, v18;
	_ =	sdelay $0x1  }
0x393: {  	v13 =	vld [tilespmem:s30+$0x20];
	v23 =	vperm.xlane v21, v0;
	_ =	sdelay $0x1  }
0x394: {  	v25 =	vld [tilespmem:s30+$0x30];
	v21 =	vadd.f32 v21, v23  }
0x395: {  	s31 =	simm.s32 $0x17780;
	v19 =	vmul.f32 v16, v16;
	v22 =	vmul.f32 v15, v15  }
0x396: {  	v18 =	vld [tilespmem:s31+$0x10];
	v27 =	vperm.xlane v21, v1  }
0x397: {  	v24 =	vmul.f32 v13, v13;
	v22 =	vadd.f32 v19, v22;
	v19 =	vld [tilespmem:s31+$0x0]  }
0x398: {  	v27 =	vadd.f32 v21, v27  }
0x399: {  	v26 =	vmul.f32 v25, v25;
	v23 =	vld [tilespmem:s31+$0x20];
	v22 =	vadd.f32 v24, v22  }
0x39a: {  	v59 =	vperm.xlane v27, v2  }
0x39b: {  	v12 =	vsel vm0, s23, v12;
	v24 =	vld [tilespmem:s31+$0x30];
	v26 =	vadd.f32 v26, v22  }
0x39c: {  	s25 =	simm.s32 $0x177C0;
	v28 =	vmul.f32 v18, v18;
	v29 =	vmul.f32 v19, v19;
	v27 =	vadd.f32 v27, v59  }
0x39d: {  	v32 =	vimm.f32 $0.0e+00;
	v12 =	vsel vm3, s22, v12;
	v22 =	vld [tilespmem:s25+$0x30];
	v30 =	vperm.xlane v26, v0  }
0x39e: {  	v21 =	vld [tilespmem:s25+$0x10];
	v31 =	vmul.f32 v23, v23;
	v28 =	vadd.f32 v28, v29;
	v63 =	vperm.xlane v27, v3  }
0x39f: {  	v12 =	vsel vm2, s20, v12;
	v33 =	vimm.f32 $0.0e+00;
	v60 =	vadd.f32 v26, v30;
	v26 =	vld [tilespmem:s25+$0x0]  }
0x3a0: {  	v61 =	vmul.f32 v24, v24;
	v31 =	vadd.f32 v31, v28;
	v38 =	vadd.f32 v27, v63;
	v27 =	vld [tilespmem:s25+$0x20]  }
0x3a1: {  	v12 =	vsel vm1, s21, v12;
	v29 =	vimm.s32 $0x0;
	v62 =	vperm.xlane v60, v1  }
0x3a2: {  	v30 =	vimm.f32 $-1.000000000e+00;
	v28 =	vimm.f32 $0.0e+00;
	v36 =	vadd.f32 v61, v31  }
0x3a3: {  	s23 =	simm.s32 $0x0;
	s22 =	simm.s32 $0x1;
	s20 =	simm.s32 $0x3;
	v34 =	vmul.f32 v22, v22;
	v37 =	vmul.f32 v21, v21;
	v35 =	vadd.f32 v60, v62  }
0x3a4: {  	s21 =	simm.s32 $0x2;
	s24 =	simm.s32 $0x4;
	v31 =	vimm.f32 $0.0e+00;
	v39 =	vmul.f32 v26, v26;
	v40 =	vperm.xlane v36, v0;
	s25 =	simm.s32 $0x17800  }
.LBB2_33:
0x3a5: {  	v42 =	vmul.f32 v27, v27;
	v43 =	vperm.xlane v35, v2;
	v44 =	vmovc v22;
	v45 =	vmovc v17;
	v17 =	vmov v15  }
0x3a6: {  	v41 =	vld [tilespmem:s25+$0x10];
	p0 =	sne.s32 s24, $0x63;
	v15 =	vmovc v19;
	v19 =	vmovc v26;
	v46 =	vmov v11;
	v11 =	vmov v13;
	v13 =	vmov v23;
	s26 =	smov.u32 s24;
	s24 =	sadd.s32 $0x1, s24  }
0x3a7: {  	v23 =	vmovc v27;
	v22 =	vld [tilespmem:s25+$0x30];
	v37 =	vadd.f32 v37, v39;
	v39 =	vadd.f32 v36, v40;
	vm0 =	vgt.f32 v38, v30  }
0x3a8: {  	v26 =	vld [tilespmem:s25+$0x0];
	v43 =	vadd.f32 v35, v43;
	v30 =	vsel vm0, v38, v30;
	v29 =	vsel vm0, s23, v29;
	s23 =	smov.u32 s22;
	s22 =	smov.u32 s21;
	s21 =	smov.u32 s20  }
.Ltmp15:
0x3a9: {  	v28 =	vsel vm0, v20, v28;
	v20 =	vmovc v25;
	s20 =	smov.u32 s26;
	v27 =	vld [tilespmem:s25+$0x20];
	v35 =	vadd.f32 v42, v37;
	v38 =	vperm.xlane v39, v1;
	(pc) =	sbr.rel @p0 .LBB2_33-.Ltmp15, $4  }
0x3aa: {  	v33 =	vsel vm0, v45, v33;
	v32 =	vsel vm0, v14, v32;
	v14 =	vmovc v16;
	v42 =	vperm.xlane v43, v3  }
0x3ab: {  	v31 =	vsel vm0, v46, v31;
	v16 =	vmovc v18;
	v37 =	vmul.f32 v41, v41;
	v36 =	vadd.f32 v34, v35  }
0x3ac: {  	v18 =	vmovc v21;
	v25 =	vmovc v24;
	v35 =	vadd.f32 v39, v38;
	v21 =	vmov v41;
	v34 =	vmul.f32 v22, v22  }
0x3ad: {  	v24 =	vmovc v44;
	s25 =	sadd.s32 $0x40, s25;
	v38 =	vadd.f32 v43, v42;
	v39 =	vmul.f32 v26, v26;
	v40 =	vperm.xlane v36, v0  }
0x3ae: {  	_ = 	snop  }
0x3af: {  	v41 =	vmul.f32 v27, v27;
	v37 =	vadd.f32 v37, v39;
	_ =	sdelay $0x1  }
0x3b0: {  	v37 =	vadd.f32 v41, v37;
	_ =	sdelay $0x1  }
0x3b1: {  	v34 =	vadd.f32 v34, v37;
	_ =	sdelay $0x1  }
0x3b2: {  	v36 =	vadd.f32 v36, v40;
	v53 =	vperm.xlane v34, v0  }
0x3b3: {  	v52 =	vperm.xlane v35, v2;
	vm7 =	vmmov $0xff  }
0x3b4: {  	vm8 =	vmmov $0x1ff;
	v51 =	vperm.xlane v36, v1;
	v34 =	vadd.f32 v34, v53  }
0x3b5: {  	vm10 =	vmmov $0x3ff;
	vm11 =	vmmov $0x7ff;
	vm12 =	vmmov $0xfff  }
0x3b6: {  	vm13 =	vmmov $0x1fff;
	v36 =	vadd.f32 v36, v51;
	v40 =	vperm.xlane v34, v1  }
0x3b7: {  	vm14 =	vmmov $0x3fff;
	vm0 =	vgt.f32 v38, v30;
	v4 =	vsel vm7, v4, v5  }
0x3b8: {  	v35 =	vadd.f32 v35, v52;
	v37 =	vperm.xlane v36, v2;
	v34 =	vadd.f32 v34, v40  }
0x3b9: {  	vm15 =	vmmov $0x7fff;
	v30 =	vsel vm0, v38, v30;
	v4 =	vsel vm8, v4, v6  }
0x3ba: {  	v39 =	vperm.xlane v35, v3;
	v36 =	vadd.f32 v36, v37;
	v55 =	vperm.xlane v34, v2  }
0x3bb: {  	v29 =	vsel vm0, s23, v29;
	v20 =	vsel vm0, v20, v28;
	v4 =	vsel vm10, v4, v7  }
0x3bc: {  	v35 =	vadd.f32 v35, v39;
	v54 =	vperm.xlane v36, v3;
	v56 =	vadd.f32 v34, v55  }
0x3bd: {  	v17 =	vsel vm0, v17, v33;
	v14 =	vsel vm0, v14, v32;
	v4 =	vsel vm11, v4, v8  }
0x3be: {  	vm1 =	vgt.f32 v35, v30;
	v28 =	vadd.f32 v36, v54;
	v58 =	vperm.xlane v56, v3  }
0x3bf: {  	v11 =	vsel vm0, v11, v31;
	v4 =	vsel vm12, v4, v9;
	v30 =	vsel vm1, v35, v30  }
0x3c0: {  	v14 =	vsel vm1, v16, v14;
	vm6 =	vgt.f32 v28, v30;
	v16 =	vadd.f32 v56, v58  }
0x3c1: {  	v4 =	vsel vm13, v4, v10;
	v15 =	vsel vm1, v15, v17;
	v57 =	vsel vm6, v28, v30  }
0x3c2: {  	v29 =	vsel vm1, s22, v29;
	v15 =	vsel vm6, v19, v15;
	vm9 =	vgt.f32 v16, v57  }
0x3c3: {  	v11 =	vsel vm1, v13, v11;
	v14 =	vsel vm6, v18, v14;
	v60 =	vsel vm9, v26, v15  }
0x3c4: {  	v20 =	vsel vm1, v25, v20;
	v11 =	vsel vm6, v23, v11;
	v61 =	vsel vm9, v21, v14;
	[tilespmem:$0x193C0] =	vst v60  }
0x3c5: {  	v59 =	vsel vm6, s21, v29;
	v20 =	vsel vm6, v24, v20;
	v62 =	vsel vm9, v27, v11;
	[tilespmem:$0x193D0] =	vst v61  }
0x3c6: {  	v4 =	vsel vm14, v4, v12;
	v5 =	vsel vm9, s20, v59;
	v63 =	vsel vm9, v22, v20;
	[tilespmem:$0x193E0] =	vst v62  }
0x3c7: {  	s19 =	sshll.u32 s19, $0x3;
	p0 =	sne.s32 s18, $0x20;
	[tilespmem:$0x193F0] =	vst v63;
	v4 =	vsel vm15, v4, v5  }
.Ltmp16:
0x3c8: {  	s31 =	sadd.s32 s1, s19;
	[tilespmem:s17+$0x19400] =	vst v4;
	(pc) =	sbr.rel @p0 .LBB2_2-.Ltmp16, $4  }
0x3c9: {  	[hbm4b:s31+s2] =	stream.linear.scatter [tilespmem:s13], [sflag:$0x3], $0x400, $0x38;
	[tilespmem:$0x19600] =	vst v63  }
0x3ca: {  	_ =	swait.ge [sflag:s14], $0x400  }
0x3cb: {  	[sflag:s14] =	ssyncset.done $0x0  }
0x3cc: {  	[sflag:s14] =	ssyncadd.s32 $0xFFFFFC00  }
0x3cd: {  	s16 =	sadd.s32 $0x1, s16  }
0x3ce: {  	p0 =	sne.s32 s16, s9  }
.Ltmp17:
0x3cf: {  	_ = 	snop;
	(pc) =	sbr.rel @p0 .LBB2_1-.Ltmp17, $4  }
0x3d0: {  	[hbm4b:s8+s2] =	stream.linear.scatter [tilespmem:s15], [sflag:$0x3], $0x200, $0x38;
	[tilespmem:$0x19600] =	vst v63  }
0x3d1: {  	_ =	swait.ge [sflag:s14], $0x200  }
0x3d2: {  	[sflag:s14] =	ssyncset.done $0x0  }
0x3d3: {  	[sflag:s14] =	ssyncadd.s32 $0xFFFFFE00  }
0x3d4: {  	_ =	sfence.sel $0x180000  }
0x3d5: {  	[bflag:$0x0] =	sbarrier.arrive $0xFFFF  }
0x3d6: {  	p0 =	sne.s32 s0, $0x0;
	_ =	strace $0x90000047  }
0x3d7: {  	s0 =	sadd.s32 @!p0 $0x100000, s4;
	[bflag:$0x2] =	sbarrier.arrive $0xFFFF  }
0x3d8: {  	[sflag:s0] =	ssyncadd.tile.s32 @!p0 $0x1;
	_ =	shalt  }
.Lfunc_end2:
_tile_overlayer_lowered:
.L_overlay_start_2:
0x3d9: {  	(tag) =	ssettag $0x2  }
0x3da: {  	s0 =	rddreg [dreg:$0x0];
	s2 =	stileid.u32  }
0x3db: {  	s1 =	rddreg [dreg:$0x1];
	p0 =	sne.s32 s2, $0x0  }
0x3dc: {  	s3 =	rddreg [dreg:$0x2];
	[bflag:$0x3] =	sbarrier.arrive $0xFFFF;
	s2 =	simm.s32 @!p0 $0x1C03  }
0x3dd: {  	[timem:s3], [sflag:s2] =	dma.local @!p0 [hbm:s0], s1  }
0x3de: {  	s0 =	simm.s32 @!p0 $0x3  }
0x3df: {  	_ =	swait.ge @!p0 [sflag:s0], s1  }
0x3e0: {  	s1 =	ssub.s32 @!p0 $0x0, s1;
	[sflag:s0] =	ssyncset.done @!p0 $0x0  }
0x3e1: {  	[sflag:s0] =	ssyncadd.s32 @!p0 s1  }
0x3e2: {  	[bflag:$0x3] =	sbarrier.arrive $0xFFFF  }
0x3e3: {  	_ =	shalt  }

</sc_bundles>
